<compile_context>
chip_gen: v7x
topology: tpu7x:2x2x1
jax: 0.10.2.dev20260603
libtpu: 0.0.44.dev20260713+nightly
codegen_flags: <defaults>
</compile_context>

<pallas_src>
import functools

import jax
import jax.numpy as jnp
from jax import lax
from jax.experimental import pallas as pl
from jax.experimental.pallas import tpu as pltpu
from jax.experimental.pallas import tpu_sc as plsc

_NC, _NS = 2, 16
_NW = _NC * _NS
_CH = 80
_G = 64
_BN = 1024



def _agg_body(feat, src, dst, zeros, out, acc,
              sidx0, didx0, rows0, sidx1, didx1, rows1, gs0, gs1, ss0, ss1):
    c = lax.axis_index("c")
    s = lax.axis_index("s")
    n = acc.shape[0]
    rpt = n // _NS
    epw = src.shape[0] // _NW
    nch = epw // _CH
    r0 = s * rpt
    pltpu.sync_copy(zeros.at[pl.ds(r0, rpt)], acc.at[pl.ds(r0, rpt)])
    plsc.subcore_barrier()
    base = (c * _NS + s) * epw

    def step(i, carry):
        o = base + i * _CH
        pltpu.sync_copy(src.at[pl.ds(o, _CH)], sidx0)
        pltpu.sync_copy(dst.at[pl.ds(o, _CH)], didx0)
        pltpu.async_copy(feat.at[sidx0], rows0, gs0).wait()
        pltpu.sync_copy(rows0, acc.at[didx0], add=True)
        return carry

    lax.fori_loop(0, nch, step, 0)
    plsc.subcore_barrier()
    pltpu.sync_copy(acc.at[pl.ds(r0, rpt)], out.at[c, pl.ds(r0, rpt)])


def _deg_body(src, dst, ones_lo, ones_hi, zeros_f, dout, acc, sidx, didx,
              olo, ohi):
    c = lax.axis_index("c")
    s = lax.axis_index("s")
    n = acc.shape[0]
    rpt = n // _NS
    epw = src.shape[0] // _NW
    nch = epw // _CH
    r0 = s * rpt
    pltpu.sync_copy(zeros_f.at[pl.ds(r0, rpt)], acc.at[pl.ds(r0, rpt)])
    pltpu.sync_copy(ones_lo, olo)
    pltpu.sync_copy(ones_hi, ohi)
    plsc.subcore_barrier()
    base = (c * _NS + s) * epw

    def step(i, carry):
        o = base + i * _CH
        pltpu.sync_copy(src.at[pl.ds(o, _CH)], sidx)
        pltpu.sync_copy(dst.at[pl.ds(o, _CH)], didx)
        pltpu.sync_copy(olo, acc.at[didx], add=True)
        pltpu.sync_copy(ohi, acc.at[sidx], add=True)
        return carry

    lax.fori_loop(0, nch, step, 0)
    plsc.subcore_barrier()
    pltpu.sync_copy(acc.at[pl.ds(r0, rpt)], dout.at[c, pl.ds(r0, rpt)])


@functools.lru_cache(maxsize=None)
def _make_agg(n, e, w):
    mesh = plsc.VectorSubcoreMesh(core_axis_name="c", subcore_axis_name="s")
    return pl.kernel(
        _agg_body,
        out_type=jax.ShapeDtypeStruct((_NC, n, w), jnp.float32),
        mesh=mesh,
        scratch_types=[
            pltpu.VMEM_SHARED((n, w), jnp.float32),
            pltpu.VMEM((_CH,), jnp.int32),
            pltpu.VMEM((_CH,), jnp.int32),
            pltpu.VMEM((_CH, w), jnp.float32),
            pltpu.VMEM((_CH,), jnp.int32),
            pltpu.VMEM((_CH,), jnp.int32),
            pltpu.VMEM((_CH, w), jnp.float32),
            pltpu.SemaphoreType.DMA,
            pltpu.SemaphoreType.DMA,
            pltpu.SemaphoreType.DMA,
            pltpu.SemaphoreType.DMA,
        ],
    )


@functools.lru_cache(maxsize=None)
def _make_deg(n, e, w):
    mesh = plsc.VectorSubcoreMesh(core_axis_name="c", subcore_axis_name="s")
    return pl.kernel(
        _deg_body,
        out_type=jax.ShapeDtypeStruct((_NC, n, w), jnp.float32),
        mesh=mesh,
        scratch_types=[
            pltpu.VMEM_SHARED((n, w), jnp.float32),
            pltpu.VMEM((_CH,), jnp.int32),
            pltpu.VMEM((_CH,), jnp.int32),
            pltpu.VMEM((_CH, w), jnp.float32),
            pltpu.VMEM((_CH, w), jnp.float32),
        ],
    )



def _dot(a, b):
    return jnp.dot(a, b, precision=jax.lax.Precision.HIGHEST,
                   preferred_element_type=jnp.float32)


def _enc_body(x_ref, w_ref, b_ref, o_ref):
    o_ref[...] = jnp.maximum(_dot(x_ref[...], w_ref[...]) + b_ref[...], 0.0)


def _mid_body(sa_ref, dacc_ref, wa1_ref, ba1_ref, wa2_ref, ba2_ref,
              a1_ref, u1_ref, u2_ref):
    deg = dacc_ref[0, :, 0:1] + dacc_ref[1, :, 0:1]
    dinv = 1.0 / jnp.maximum(deg, 1.0)
    a1 = (sa_ref[0] + sa_ref[1]) * dinv
    a1_ref[...] = a1
    u1_ref[...] = jnp.maximum(_dot(a1, wa1_ref[...]) + ba1_ref[...], 0.0)
    u2_ref[...] = jnp.maximum(_dot(a1, wa2_ref[...]) + ba2_ref[...], 0.0)


def _a2_body(sb_ref, dacc_ref, a2_ref):
    deg = dacc_ref[0, :, 0:1] + dacc_ref[1, :, 0:1]
    dinv = 1.0 / jnp.maximum(deg, 1.0)
    a2_ref[...] = (sb_ref[0] + sb_ref[1]) * dinv


def _stats_body(true_n, b_ref, oacc_ref, s_ref):
    n = b_ref.shape[0]
    gio = lax.broadcasted_iota(jnp.int32, (n, _G), 1)
    oh = (b_ref[...] == gio).astype(jnp.float32)
    od = oacc_ref[0, :, 127:128] + oacc_ref[1, :, 127:128]
    n_g = jnp.sum(oh, axis=0, keepdims=True)
    e_g = jnp.sum(oh * od, axis=0, keepdims=True)
    dens = e_g / (n_g * n_g + 1e-6)
    l1 = jnp.log1p(n_g)
    l2 = jnp.log1p(e_g)
    logn = l1 / jnp.log(float(true_n))
    z = jnp.zeros_like(n_g)
    s_ref[...] = jnp.concatenate([l1, l2, dens, logn, z, z, z, z], axis=0)


def _out_body(h_ref, a1_ref, a2_ref, sb1_ref, sb2_ref, scc_ref, dacc_ref,
              w_ref, wg1b_ref, bg1b_ref, wg2b_ref, bg2b_ref,
              wt1_ref, bt1_ref, wt2_ref, bt2_ref, wt3_ref, bt3_ref,
              wm1_ref, bm1_ref, wm2_ref, bm2_ref, o_ref):
    h = h_ref[...]
    a1 = a1_ref[...]
    a2 = a2_ref[...]
    deg = dacc_ref[0, :, 0:1] + dacc_ref[1, :, 0:1]
    dinv = 1.0 / jnp.maximum(deg, 1.0)
    ag1 = (sb1_ref[0] + sb1_ref[1]) * dinv
    ag2 = (sb2_ref[0] + sb2_ref[1]) * dinv
    a3 = (scc_ref[0] + scc_ref[1]) * dinv
    y0 = _dot(ag1, wg1b_ref[...]) + bg1b_ref[...]
    y1 = _dot(ag2, wg2b_ref[...]) + bg2b_ref[...]
    y2 = _dot(h, wt1_ref[0:128]) + _dot(a1, wt1_ref[128:256]) + bt1_ref[...]
    y3 = (_dot(h, wt2_ref[0:128]) + _dot(a1, wt2_ref[128:256])
          + _dot(a2, wt2_ref[256:384]) + bt2_ref[...])
    y4 = (_dot(h, wt3_ref[0:128]) + _dot(a1, wt3_ref[128:256])
          + _dot(a2, wt3_ref[256:384]) + _dot(a3, wt3_ref[384:512])
          + bt3_ref[...])
    y5 = _dot(jnp.maximum(_dot(h, wm1_ref[...]) + bm1_ref[...], 0.0),
              wm2_ref[...]) + bm2_ref[...]
    w = w_ref[...]
    o_ref[...] = (w[:, 0:1] * y0 + w[:, 1:2] * y1 + w[:, 2:3] * y2
                  + w[:, 3:4] * y3 + w[:, 4:5] * y4 + w[:, 5:6] * y5)



def kernel(x, edge_index, batch, W_enc, b_enc, Wr1, br1, Wr2, br2,
           size_centers, Wg1a, bg1a, Wg1b, bg1b, Wg2a, bg2a, Wg2b, bg2b,
           Wt1, bt1, Wt2, bt2, Wt3, bt3, Wm1, bm1, Wm2, bm2):
    n, d = x.shape
    h_dim = W_enc.shape[1]
    o_dim = Wg1b.shape[1]
    ne = Wr2.shape[1]
    e = edge_index.shape[1]
    npad = ((n + _BN - 1) // _BN) * _BN
    nb = npad // _BN

    src = edge_index[0]
    dst = edge_index[1]
    x = jnp.pad(x, ((0, npad - n), (0, 0)))
    batch = jnp.pad(batch, (0, npad - n), constant_values=_G)
    zeros_f = jnp.zeros((npad, h_dim), jnp.float32)
    half = (jnp.arange(h_dim) < h_dim // 2).astype(jnp.float32)
    ones_col = jnp.ones((_CH, 1), jnp.float32)
    ones_lo = half * ones_col
    ones_hi = (1.0 - half) * ones_col
    b2d = batch.reshape(npad, 1)

    row = lambda v: v.reshape(1, -1)

    deg_call = _make_deg(npad, e, h_dim)
    dacc = deg_call(src, dst, ones_lo, ones_hi, zeros_f)

    full = lambda a: pl.BlockSpec(a.shape, lambda i: tuple(0 for _ in a.shape))
    rows_spec = pl.BlockSpec((_BN, h_dim), lambda i: (i, 0))
    halves_spec = pl.BlockSpec((_NC, _BN, h_dim), lambda i: (0, i, 0))
    dacc_spec = halves_spec
    rows_out = jax.ShapeDtypeStruct((npad, h_dim), jnp.float32)

    h = jnp.maximum(x @ W_enc + b_enc, 0.0)

    agg = _make_agg(npad, e, h_dim)
    sa = agg(h, src, dst, zeros_f)

    a1, u1, u2 = pl.pallas_call(
        _mid_body,
        grid=(nb,),
        in_specs=[halves_spec, dacc_spec, full(Wg1a), full(row(bg1a)),
                  full(Wg2a), full(row(bg2a))],
        out_specs=[rows_spec, rows_spec, rows_spec],
        out_shape=[rows_out, rows_out, rows_out],
    )(sa, dacc, Wg1a, row(bg1a), Wg2a, row(bg2a))

    sb1 = agg(u1, src, dst, zeros_f)
    sb2 = agg(u2, src, dst, zeros_f)
    sb3 = agg(a1, src, dst, zeros_f)

    a2 = pl.pallas_call(
        _a2_body,
        grid=(nb,),
        in_specs=[halves_spec, dacc_spec],
        out_specs=rows_spec,
        out_shape=rows_out,
    )(sb3, dacc)

    scc = agg(a2, src, dst, zeros_f)

    stats = pl.pallas_call(
        functools.partial(_stats_body, n),
        grid=(1,),
        in_specs=[pl.BlockSpec((npad, 1), lambda i: (0, 0)),
                  pl.BlockSpec((_NC, npad, h_dim), lambda i: (0, 0, 0))],
        out_specs=pl.BlockSpec((8, _G), lambda i: (0, 0)),
        out_shape=jax.ShapeDtypeStruct((8, _G), jnp.float32),
    )(b2d, dacc)

    bt = batch[:n]
    size_feat = jnp.stack([stats[0][bt], stats[1][bt], stats[2][bt]], axis=-1)
    logn = stats[3][bt]
    logits = jnp.maximum(
        jnp.concatenate([h[:n], size_feat], axis=-1) @ Wr1 + br1, 0.0) @ Wr2 + br2
    prior = -(logn[:, None] - size_centers[None, :]) ** 2
    logits = 0.75 * logits + 0.25 * prior
    topv, topi = jax.lax.top_k(logits, 2)
    gate = jax.nn.softmax(topv, axis=-1)
    wts = jnp.zeros((n, 8), jnp.float32).at[
        jnp.arange(n)[:, None], topi].set(gate)
    wts = jnp.pad(wts, ((0, npad - n), (0, 0)))

    out = pl.pallas_call(
        _out_body,
        grid=(nb,),
        in_specs=[rows_spec, rows_spec, rows_spec, halves_spec, halves_spec,
                  halves_spec, dacc_spec,
                  pl.BlockSpec((_BN, 8), lambda i: (i, 0)),
                  full(Wg1b), full(row(bg1b)), full(Wg2b), full(row(bg2b)),
                  full(Wt1), full(row(bt1)), full(Wt2), full(row(bt2)),
                  full(Wt3), full(row(bt3)), full(Wm1), full(row(bm1)),
                  full(Wm2), full(row(bm2))],
        out_specs=pl.BlockSpec((_BN, o_dim), lambda i: (i, 0)),
        out_shape=jax.ShapeDtypeStruct((npad, o_dim), jnp.float32),
    )(h, a1, a2, sb1, sb2, scc, dacc, wts,
      Wg1b, row(bg1b), Wg2b, row(bg2b), Wt1, row(bt1), Wt2, row(bt2),
      Wt3, row(bt3), Wm1, row(bm1), Wm2, row(bm2))
    return out[:n]

# --- scband reference (transcript-rebuilt; emitter-appended) ---
"""Pipeline reference for scband-graph-mo-emultiscale-combo-70875550319090 (READ-ONLY COPY).

The authoritative reference and input builder live on the scoring server;
editing this copy changes nothing except your own understanding.
"""

import jax, jax.numpy as jnp
import numpy as np

N = 10000
E = 320000
G = 64
D = 128
H = 128
O = 128
NE = 6
TOPK = 2
X_START = 0
X_END = 128

def setup_inputs(seed=0):
    key = jax.random.key(seed)
    ks = jax.random.split(key, 40)
    def w(i, shape):
        return jax.random.normal(ks[i], shape, dtype=jnp.float32) * 0.05
    inp = {}
    inp['x'] = jax.random.normal(ks[0], (N, D), dtype=jnp.float32)
    inp['edge_index'] = jax.random.randint(ks[1], (2, E), 0, N, dtype=jnp.int32)
    inp['batch'] = jnp.sort(jax.random.randint(ks[2], (N,), 0, G, dtype=jnp.int32))
    inp['W_enc'] = w(3, (D, H)); inp['b_enc'] = jnp.zeros((H,), jnp.float32)
    inp['Wr1'] = w(4, (H + 3, H)); inp['br1'] = jnp.zeros((H,), jnp.float32)
    inp['Wr2'] = w(5, (H, NE)); inp['br2'] = jnp.zeros((NE,), jnp.float32)
    inp['size_centers'] = jnp.linspace(0.0, 1.0, NE).astype(jnp.float32)
    inp['Wg1a'] = w(6, (H, H)); inp['bg1a'] = jnp.zeros((H,), jnp.float32)
    inp['Wg1b'] = w(7, (H, O)); inp['bg1b'] = jnp.zeros((O,), jnp.float32)
    inp['Wg2a'] = w(8, (H, H)); inp['bg2a'] = jnp.zeros((H,), jnp.float32)
    inp['Wg2b'] = w(9, (H, O)); inp['bg2b'] = jnp.zeros((O,), jnp.float32)
    inp['Wt1'] = w(10, (2 * H, O)); inp['bt1'] = jnp.zeros((O,), jnp.float32)
    inp['Wt2'] = w(11, (3 * H, O)); inp['bt2'] = jnp.zeros((O,), jnp.float32)
    inp['Wt3'] = w(12, (4 * H, O)); inp['bt3'] = jnp.zeros((O,), jnp.float32)
    inp['Wm1'] = w(13, (H, H)); inp['bm1'] = jnp.zeros((H,), jnp.float32)
    inp['Wm2'] = w(14, (H, O)); inp['bm2'] = jnp.zeros((O,), jnp.float32)
    return inp

def _forward(x, W_enc, b_enc, Wr1, br1, Wr2, br2, size_centers, Wg1a, bg1a, Wg1b, bg1b, Wg2a, bg2a, Wg2b, bg2b, Wt1, bt1, Wt2, bt2, Wt3, bt3, Wm1, bm1, Wm2, bm2, edge_index, batch):
    xs = x[:, X_START:X_END]
    h = jax.nn.relu(xs @ W_enc + b_enc)
    src, dst = edge_index[0], edge_index[1]
    deg = jax.ops.segment_sum(jnp.ones((E,), jnp.float32), dst, num_segments=N)
    deg_inv = 1.0 / jnp.clip(deg, 1.0, None)
    def agg(t):
        return jax.ops.segment_sum(t[src], dst, num_segments=N) * deg_inv[:, None]
    n_g = jax.ops.segment_sum(jnp.ones((N,), jnp.float32), batch, num_segments=G)
    e_g = jax.ops.segment_sum(jnp.ones((E,), jnp.float32), batch[src], num_segments=G)
    dens = e_g / (n_g * n_g + 1e-6)
    size_feat = jnp.stack([jnp.log1p(n_g), jnp.log1p(e_g), dens], axis=-1)[batch]
    logn = (jnp.log1p(n_g) / jnp.log(float(N)))[batch]
    logits = jax.nn.relu(jnp.concatenate([h, size_feat], axis=-1) @ Wr1 + br1) @ Wr2 + br2
    prior = -(logn[:, None] - size_centers[None, :]) ** 2
    logits = 0.75 * logits + 0.25 * prior
    topv, topi = jax.lax.top_k(logits, TOPK)
    gate = jax.nn.softmax(topv, axis=-1)
    sparse = jnp.zeros((N, NE), jnp.float32).at[jnp.arange(N)[:, None], topi].set(gate)
    def gcn(Wa, ba, Wb, bb):
        h1 = jax.nn.relu(agg(h) @ Wa + ba)
        return agg(h1) @ Wb + bb
    def tag(K, Wt, bt):
        hops = [h]
        cur = h
        for _ in range(K):
            cur = agg(cur)
            hops.append(cur)
        return jnp.concatenate(hops, axis=-1) @ Wt + bt
    ys = [gcn(Wg1a, bg1a, Wg1b, bg1b), gcn(Wg2a, bg2a, Wg2b, bg2b), tag(1, Wt1, bt1), tag(2, Wt2, bt2), tag(3, Wt3, bt3), jax.nn.relu(h @ Wm1 + bm1) @ Wm2 + bm2]
    y = jnp.stack(ys, axis=1)
    return (y * sparse[:, :, None]).sum(axis=1)

def reference(x, edge_index, batch, W_enc, b_enc, Wr1, br1, Wr2, br2, size_centers, Wg1a, bg1a, Wg1b, bg1b, Wg2a, bg2a, Wg2b, bg2b, Wt1, bt1, Wt2, bt2, Wt3, bt3, Wm1, bm1, Wm2, bm2):
    return _forward(x, W_enc, b_enc, Wr1, br1, Wr2, br2, size_centers, Wg1a, bg1a, Wg1b, bg1b, Wg2a, bg2a, Wg2b, bg2b, Wt1, bt1, Wt2, bt2, Wt3, bt3, Wm1, bm1, Wm2, bm2, edge_index, batch)

if __name__ == "__main__":
    import jax
    _d = setup_inputs()
    print(jax.jit(kernel)(*tuple(_d.values())))

</pallas_src>

<mosaic_0001>
#map = affine_map<(d0, d1) -> (0, 0)>
#map1 = affine_map<(d0, d1) -> (0)>
#map2 = affine_map<(d0, d1) -> (0, 0, 0)>
module attributes {stable_mosaic.version = 14 : i64} {
  func.func @_agg_body(%arg0: i32, %arg1: i32, %arg2: memref<10240x128xf32, #tpu.memory_space<hbm>>, %arg3: memref<320000xi32, #tpu.memory_space<hbm>>, %arg4: memref<320000xi32, #tpu.memory_space<hbm>>, %arg5: memref<10240x128xf32, #tpu.memory_space<hbm>>, %arg6: memref<2x10240x128xf32, #tpu.memory_space<hbm>>, %arg7: memref<10240x128xf32, #tpu.memory_space<vmem_shared>>, %arg8: memref<80xi32, #tpu.memory_space<vmem>>, %arg9: memref<80xi32, #tpu.memory_space<vmem>>, %arg10: memref<80x128xf32, #tpu.memory_space<vmem>>, %arg11: memref<80xi32, #tpu.memory_space<vmem>>, %arg12: memref<80xi32, #tpu.memory_space<vmem>>, %arg13: memref<80x128xf32, #tpu.memory_space<vmem>>, %arg14: memref<!tpu.dma_semaphore, #tpu.memory_space<semaphore_mem>>, %arg15: memref<!tpu.dma_semaphore, #tpu.memory_space<semaphore_mem>>, %arg16: memref<!tpu.dma_semaphore, #tpu.memory_space<semaphore_mem>>, %arg17: memref<!tpu.dma_semaphore, #tpu.memory_space<semaphore_mem>>) attributes {dimension_semantics = [#tpu.dimension_semantics<core_parallel>, #tpu.dimension_semantics<subcore_parallel>], iteration_bounds = array<i64: 2, 16>, scalar_prefetch = 0 : i64, scratch_operands = 11 : i64, tpu.core_type = #tpu.core_type<sc_vector_subcore>, window_params = [{transform_indices = #map}, {transform_indices = #map1}, {transform_indices = #map1}, {transform_indices = #map}, {transform_indices = #map2}]} {
    %mul3A = arith.constant 640 : i32
    %mul3A_0 = arith.muli %arg1, %mul3A : i32
    "tpu.region"() ({
      %run_scoped3A = tpu.sem_alloc : memref<!tpu.dma_semaphore, #tpu.memory_space<semaphore_mem>>
      %dma_start3A = arith.constant 0 : i32
      %dma_start3A_11 = tpu.memref_slice %arg7[%mul3A_0, %dma_start3A] : memref<10240x128xf32, #tpu.memory_space<vmem_shared>> -> memref<640x128xf32, #tpu.memory_space<vmem_shared>>
      %dma_start3A_12 = arith.constant 0 : i32
      %dma_start3A_13 = tpu.memref_slice %arg5[%mul3A_0, %dma_start3A_12] : memref<10240x128xf32, #tpu.memory_space<hbm>> -> memref<640x128xf32, #tpu.memory_space<hbm>>
      tpu.enqueue_dma source(%dma_start3A_13 : memref<640x128xf32, #tpu.memory_space<hbm>>) target(%dma_start3A_11 : memref<640x128xf32, #tpu.memory_space<vmem_shared>>) target_semaphore(%run_scoped3A : memref<!tpu.dma_semaphore, #tpu.memory_space<semaphore_mem>>)
      %dma_wait3A = arith.constant 0 : i32
      %dma_wait3A_14 = tpu.memref_slice %arg7[%mul3A_0, %dma_wait3A] : memref<10240x128xf32, #tpu.memory_space<vmem_shared>> -> memref<640x128xf32, #tpu.memory_space<vmem_shared>>
      %dma_wait3A_15 = arith.constant 0 : i32
      %dma_wait3A_16 = tpu.memref_slice %arg5[%mul3A_0, %dma_wait3A_15] : memref<10240x128xf32, #tpu.memory_space<hbm>> -> memref<640x128xf32, #tpu.memory_space<hbm>>
      tpu.wait_dma2 semaphore(%run_scoped3A : memref<!tpu.dma_semaphore, #tpu.memory_space<semaphore_mem>>) src(%dma_wait3A_16 : memref<640x128xf32, #tpu.memory_space<hbm>>) dst(%dma_wait3A_14 : memref<640x128xf32, #tpu.memory_space<vmem_shared>>)
      tpu.yield
    }) : () -> ()
    %barrier3A = arith.constant 0 : index
    tpu.barrier barrier_id(%barrier3A)
    %mul3A_1 = arith.constant 16 : i32
    %mul3A_2 = arith.muli %arg0, %mul3A_1 : i32
    %add3A = arith.addi %mul3A_2, %arg1 : i32
    %mul3A_3 = arith.constant 10000 : i32
    %mul3A_4 = arith.muli %add3A, %mul3A_3 : i32
    %scan3A = arith.constant 0 : i32
    %scan3A_5 = arith.constant 0 : i32
    %scan3A_6 = arith.constant 125 : i32
    %scan3A_7 = arith.addi %scan3A_5, %scan3A_6 : i32
    %scan3A_8 = arith.constant 1 : i32
    scf.for %scan3A_11 = %scan3A_5 to %scan3A_7 step %scan3A_8  : i32 {
      %mul3A_12 = arith.constant 80 : i32
      %mul3A_13 = arith.muli %scan3A_11, %mul3A_12 : i32
      %add3A_14 = arith.addi %mul3A_4, %mul3A_13 : i32
      "tpu.region"() ({
        %run_scoped3A = tpu.sem_alloc : memref<!tpu.dma_semaphore, #tpu.memory_space<semaphore_mem>>
        %dma_start3A_19 = tpu.memref_slice %arg3[%add3A_14] : memref<320000xi32, #tpu.memory_space<hbm>> -> memref<80xi32, #tpu.memory_space<hbm>>
        %dma_start3A_20 = tpu.memref_slice %arg3[%add3A_14] : memref<320000xi32, #tpu.memory_space<hbm>> -> memref<80xi32, #tpu.memory_space<hbm>>
        tpu.enqueue_dma source(%dma_start3A_20 : memref<80xi32, #tpu.memory_space<hbm>>) target(%arg8 : memref<80xi32, #tpu.memory_space<vmem>>) target_semaphore(%run_scoped3A : memref<!tpu.dma_semaphore, #tpu.memory_space<semaphore_mem>>)
        %dma_wait3A_21 = tpu.memref_slice %arg3[%add3A_14] : memref<320000xi32, #tpu.memory_space<hbm>> -> memref<80xi32, #tpu.memory_space<hbm>>
        %dma_wait3A_22 = tpu.memref_slice %arg3[%add3A_14] : memref<320000xi32, #tpu.memory_space<hbm>> -> memref<80xi32, #tpu.memory_space<hbm>>
        tpu.wait_dma2 semaphore(%run_scoped3A : memref<!tpu.dma_semaphore, #tpu.memory_space<semaphore_mem>>) src(%dma_wait3A_22 : memref<80xi32, #tpu.memory_space<hbm>>) dst(%arg8 : memref<80xi32, #tpu.memory_space<vmem>>)
        tpu.yield
      }) : () -> ()
      "tpu.region"() ({
        %run_scoped3A = tpu.sem_alloc : memref<!tpu.dma_semaphore, #tpu.memory_space<semaphore_mem>>
        %dma_start3A_19 = tpu.memref_slice %arg4[%add3A_14] : memref<320000xi32, #tpu.memory_space<hbm>> -> memref<80xi32, #tpu.memory_space<hbm>>
        %dma_start3A_20 = tpu.memref_slice %arg4[%add3A_14] : memref<320000xi32, #tpu.memory_space<hbm>> -> memref<80xi32, #tpu.memory_space<hbm>>
        tpu.enqueue_dma source(%dma_start3A_20 : memref<80xi32, #tpu.memory_space<hbm>>) target(%arg9 : memref<80xi32, #tpu.memory_space<vmem>>) target_semaphore(%run_scoped3A : memref<!tpu.dma_semaphore, #tpu.memory_space<semaphore_mem>>)
        %dma_wait3A_21 = tpu.memref_slice %arg4[%add3A_14] : memref<320000xi32, #tpu.memory_space<hbm>> -> memref<80xi32, #tpu.memory_space<hbm>>
        %dma_wait3A_22 = tpu.memref_slice %arg4[%add3A_14] : memref<320000xi32, #tpu.memory_space<hbm>> -> memref<80xi32, #tpu.memory_space<hbm>>
        tpu.wait_dma2 semaphore(%run_scoped3A : memref<!tpu.dma_semaphore, #tpu.memory_space<semaphore_mem>>) src(%dma_wait3A_22 : memref<80xi32, #tpu.memory_space<hbm>>) dst(%arg9 : memref<80xi32, #tpu.memory_space<vmem>>)
        tpu.yield
      }) : () -> ()
      %dma_start3A = arith.constant 0 : i32
      %dma_start3A_15 = arith.constant 0 : i32
      %dma_start3A_16 = tpu.memref_slice %arg2[%dma_start3A, %dma_start3A_15] : memref<10240x128xf32, #tpu.memory_space<hbm>> -> memref<10240x128xf32, #tpu.memory_space<hbm>>
      tpu.enqueue_indirect_dma source(%dma_start3A_16 : memref<10240x128xf32, #tpu.memory_space<hbm>>) target(%arg10 : memref<80x128xf32, #tpu.memory_space<vmem>>) offsets(%arg8 : memref<80xi32, #tpu.memory_space<vmem>>) semaphore(%arg14 : memref<!tpu.dma_semaphore, #tpu.memory_space<semaphore_mem>>)
      %dma_wait3A = arith.constant 0 : i32
      %dma_wait3A_17 = arith.constant 0 : i32
      %dma_wait3A_18 = tpu.memref_slice %arg2[%dma_wait3A, %dma_wait3A_17] : memref<10240x128xf32, #tpu.memory_space<hbm>> -> memref<10240x128xf32, #tpu.memory_space<hbm>>
      tpu.wait_indirect_dma semaphore(%arg14 : memref<!tpu.dma_semaphore, #tpu.memory_space<semaphore_mem>>) src(%dma_wait3A_18 : memref<10240x128xf32, #tpu.memory_space<hbm>>) dst(%arg10 : memref<80x128xf32, #tpu.memory_space<vmem>>)
      "tpu.region"() ({
        %run_scoped3A = tpu.sem_alloc : memref<!tpu.dma_semaphore, #tpu.memory_space<semaphore_mem>>
        %dma_start3A_19 = arith.constant 0 : i32
        %dma_start3A_20 = arith.constant 0 : i32
        %dma_start3A_21 = tpu.memref_slice %arg7[%dma_start3A_19, %dma_start3A_20] : memref<10240x128xf32, #tpu.memory_space<vmem_shared>> -> memref<10240x128xf32, #tpu.memory_space<vmem_shared>>
        tpu.enqueue_indirect_dma source(%arg10 : memref<80x128xf32, #tpu.memory_space<vmem>>) target(%dma_start3A_21 : memref<10240x128xf32, #tpu.memory_space<vmem_shared>>) offsets(%arg9 : memref<80xi32, #tpu.memory_space<vmem>>) semaphore(%run_scoped3A : memref<!tpu.dma_semaphore, #tpu.memory_space<semaphore_mem>>) {add = true}
        %dma_wait3A_22 = arith.constant 0 : i32
        %dma_wait3A_23 = arith.constant 0 : i32
        %dma_wait3A_24 = tpu.memref_slice %arg7[%dma_wait3A_22, %dma_wait3A_23] : memref<10240x128xf32, #tpu.memory_space<vmem_shared>> -> memref<10240x128xf32, #tpu.memory_space<vmem_shared>>
        tpu.wait_indirect_dma semaphore(%run_scoped3A : memref<!tpu.dma_semaphore, #tpu.memory_space<semaphore_mem>>) src(%arg10 : memref<80x128xf32, #tpu.memory_space<vmem>>) dst(%dma_wait3A_24 : memref<10240x128xf32, #tpu.memory_space<vmem_shared>>)
        tpu.yield
      }) : () -> ()
    }
    %scan3A_9 = arith.constant 125 : i32
    %barrier3A_10 = arith.constant 0 : index
    tpu.barrier barrier_id(%barrier3A_10)
    "tpu.region"() ({
      %run_scoped3A = tpu.sem_alloc : memref<!tpu.dma_semaphore, #tpu.memory_space<semaphore_mem>>
      %dma_start3A = arith.constant 0 : i32
      %dma_start3A_11 = tpu.memref_slice %arg6[%arg0, %mul3A_0, %dma_start3A] : memref<2x10240x128xf32, #tpu.memory_space<hbm>> -> memref<1x640x128xf32, #tpu.memory_space<hbm>>
      %dma_start3A_12 = tpu.memref_squeeze %dma_start3A_11 : memref<1x640x128xf32, #tpu.memory_space<hbm>> -> memref<640x128xf32, #tpu.memory_space<hbm>>
      %dma_start3A_13 = arith.constant 0 : i32
      %dma_start3A_14 = tpu.memref_slice %arg7[%mul3A_0, %dma_start3A_13] : memref<10240x128xf32, #tpu.memory_space<vmem_shared>> -> memref<640x128xf32, #tpu.memory_space<vmem_shared>>
      tpu.enqueue_dma source(%dma_start3A_14 : memref<640x128xf32, #tpu.memory_space<vmem_shared>>) target(%dma_start3A_12 : memref<640x128xf32, #tpu.memory_space<hbm>>) target_semaphore(%run_scoped3A : memref<!tpu.dma_semaphore, #tpu.memory_space<semaphore_mem>>)
      %dma_wait3A = arith.constant 0 : i32
      %dma_wait3A_15 = tpu.memref_slice %arg6[%arg0, %mul3A_0, %dma_wait3A] : memref<2x10240x128xf32, #tpu.memory_space<hbm>> -> memref<1x640x128xf32, #tpu.memory_space<hbm>>
      %dma_wait3A_16 = tpu.memref_squeeze %dma_wait3A_15 : memref<1x640x128xf32, #tpu.memory_space<hbm>> -> memref<640x128xf32, #tpu.memory_space<hbm>>
      %dma_wait3A_17 = arith.constant 0 : i32
      %dma_wait3A_18 = tpu.memref_slice %arg7[%mul3A_0, %dma_wait3A_17] : memref<10240x128xf32, #tpu.memory_space<vmem_shared>> -> memref<640x128xf32, #tpu.memory_space<vmem_shared>>
      tpu.wait_dma2 semaphore(%run_scoped3A : memref<!tpu.dma_semaphore, #tpu.memory_space<semaphore_mem>>) src(%dma_wait3A_18 : memref<640x128xf32, #tpu.memory_space<vmem_shared>>) dst(%dma_wait3A_16 : memref<640x128xf32, #tpu.memory_space<hbm>>)
      tpu.yield
    }) : () -> ()
    return
  }
}

#map = affine_map<(d0, d1) -> (0, 0)>
#map1 = affine_map<(d0, d1) -> (0)>
#map2 = affine_map<(d0, d1) -> (0, 0, 0)>
module attributes {stable_mosaic.version = 14 : i64} {
  func.func @_agg_body(%arg0: i32, %arg1: i32, %arg2: memref<10240x128xf32, #tpu.memory_space<hbm>>, %arg3: memref<320000xi32, #tpu.memory_space<hbm>>, %arg4: memref<320000xi32, #tpu.memory_space<hbm>>, %arg5: memref<10240x128xf32, #tpu.memory_space<hbm>>, %arg6: memref<2x10240x128xf32, #tpu.memory_space<hbm>>, %arg7: memref<10240x128xf32, #tpu.memory_space<vmem_shared>>, %arg8: memref<80xi32, #tpu.memory_space<vmem>>, %arg9: memref<80xi32, #tpu.memory_space<vmem>>, %arg10: memref<80x128xf32, #tpu.memory_space<vmem>>, %arg11: memref<80xi32, #tpu.memory_space<vmem>>, %arg12: memref<80xi32, #tpu.memory_space<vmem>>, %arg13: memref<80x128xf32, #tpu.memory_space<vmem>>, %arg14: memref<!tpu.dma_semaphore, #tpu.memory_space<semaphore_mem>>, %arg15: memref<!tpu.dma_semaphore, #tpu.memory_space<semaphore_mem>>, %arg16: memref<!tpu.dma_semaphore, #tpu.memory_space<semaphore_mem>>, %arg17: memref<!tpu.dma_semaphore, #tpu.memory_space<semaphore_mem>>) attributes {dimension_semantics = [#tpu.dimension_semantics<core_parallel>, #tpu.dimension_semantics<subcore_parallel>], iteration_bounds = array<i64: 2, 16>, scalar_prefetch = 0 : i64, scratch_operands = 11 : i64, tpu.core_type = #tpu.core_type<sc_vector_subcore>, window_params = [{transform_indices = #map}, {transform_indices = #map1}, {transform_indices = #map1}, {transform_indices = #map}, {transform_indices = #map2}]} {
    %mul3A = arith.constant 640 : i32
    %mul3A_0 = arith.muli %arg1, %mul3A : i32
    "tpu.region"() ({
      %run_scoped3A = tpu.sem_alloc : memref<!tpu.dma_semaphore, #tpu.memory_space<semaphore_mem>>
      %dma_start3A = arith.constant 0 : i32
      %dma_start3A_11 = tpu.memref_slice %arg7[%mul3A_0, %dma_start3A] : memref<10240x128xf32, #tpu.memory_space<vmem_shared>> -> memref<640x128xf32, #tpu.memory_space<vmem_shared>>
      %dma_start3A_12 = arith.constant 0 : i32
      %dma_start3A_13 = tpu.memref_slice %arg5[%mul3A_0, %dma_start3A_12] : memref<10240x128xf32, #tpu.memory_space<hbm>> -> memref<640x128xf32, #tpu.memory_space<hbm>>
      tpu.enqueue_dma source(%dma_start3A_13 : memref<640x128xf32, #tpu.memory_space<hbm>>) target(%dma_start3A_11 : memref<640x128xf32, #tpu.memory_space<vmem_shared>>) target_semaphore(%run_scoped3A : memref<!tpu.dma_semaphore, #tpu.memory_space<semaphore_mem>>)
      %dma_wait3A = arith.constant 0 : i32
      %dma_wait3A_14 = tpu.memref_slice %arg7[%mul3A_0, %dma_wait3A] : memref<10240x128xf32, #tpu.memory_space<vmem_shared>> -> memref<640x128xf32, #tpu.memory_space<vmem_shared>>
      %dma_wait3A_15 = arith.constant 0 : i32
      %dma_wait3A_16 = tpu.memref_slice %arg5[%mul3A_0, %dma_wait3A_15] : memref<10240x128xf32, #tpu.memory_space<hbm>> -> memref<640x128xf32, #tpu.memory_space<hbm>>
      tpu.wait_dma2 semaphore(%run_scoped3A : memref<!tpu.dma_semaphore, #tpu.memory_space<semaphore_mem>>) src(%dma_wait3A_16 : memref<640x128xf32, #tpu.memory_space<hbm>>) dst(%dma_wait3A_14 : memref<640x128xf32, #tpu.memory_space<vmem_shared>>)
      tpu.yield
    }) : () -> ()
    %barrier3A = arith.constant 0 : index
    tpu.barrier barrier_id(%barrier3A)
    %mul3A_1 = arith.constant 16 : i32
    %mul3A_2 = arith.muli %arg0, %mul3A_1 : i32
    %add3A = arith.addi %mul3A_2, %arg1 : i32
    %mul3A_3 = arith.constant 10000 : i32
    %mul3A_4 = arith.muli %add3A, %mul3A_3 : i32
    %scan3A = arith.constant 0 : i32
    %scan3A_5 = arith.constant 0 : i32
    %scan3A_6 = arith.constant 125 : i32
    %scan3A_7 = arith.addi %scan3A_5, %scan3A_6 : i32
    %scan3A_8 = arith.constant 1 : i32
    scf.for %scan3A_11 = %scan3A_5 to %scan3A_7 step %scan3A_8  : i32 {
      %mul3A_12 = arith.constant 80 : i32
      %mul3A_13 = arith.muli %scan3A_11, %mul3A_12 : i32
      %add3A_14 = arith.addi %mul3A_4, %mul3A_13 : i32
      "tpu.region"() ({
        %run_scoped3A = tpu.sem_alloc : memref<!tpu.dma_semaphore, #tpu.memory_space<semaphore_mem>>
        %dma_start3A_19 = tpu.memref_slice %arg3[%add3A_14] : memref<320000xi32, #tpu.memory_space<hbm>> -> memref<80xi32, #tpu.memory_space<hbm>>
        %dma_start3A_20 = tpu.memref_slice %arg3[%add3A_14] : memref<320000xi32, #tpu.memory_space<hbm>> -> memref<80xi32, #tpu.memory_space<hbm>>
        tpu.enqueue_dma source(%dma_start3A_20 : memref<80xi32, #tpu.memory_space<hbm>>) target(%arg8 : memref<80xi32, #tpu.memory_space<vmem>>) target_semaphore(%run_scoped3A : memref<!tpu.dma_semaphore, #tpu.memory_space<semaphore_mem>>)
        %dma_wait3A_21 = tpu.memref_slice %arg3[%add3A_14] : memref<320000xi32, #tpu.memory_space<hbm>> -> memref<80xi32, #tpu.memory_space<hbm>>
        %dma_wait3A_22 = tpu.memref_slice %arg3[%add3A_14] : memref<320000xi32, #tpu.memory_space<hbm>> -> memref<80xi32, #tpu.memory_space<hbm>>
        tpu.wait_dma2 semaphore(%run_scoped3A : memref<!tpu.dma_semaphore, #tpu.memory_space<semaphore_mem>>) src(%dma_wait3A_22 : memref<80xi32, #tpu.memory_space<hbm>>) dst(%arg8 : memref<80xi32, #tpu.memory_space<vmem>>)
        tpu.yield
      }) : () -> ()
      "tpu.region"() ({
        %run_scoped3A = tpu.sem_alloc : memref<!tpu.dma_semaphore, #tpu.memory_space<semaphore_mem>>
        %dma_start3A_19 = tpu.memref_slice %arg4[%add3A_14] : memref<320000xi32, #tpu.memory_space<hbm>> -> memref<80xi32, #tpu.memory_space<hbm>>
        %dma_start3A_20 = tpu.memref_slice %arg4[%add3A_14] : memref<320000xi32, #tpu.memory_space<hbm>> -> memref<80xi32, #tpu.memory_space<hbm>>
        tpu.enqueue_dma source(%dma_start3A_20 : memref<80xi32, #tpu.memory_space<hbm>>) target(%arg9 : memref<80xi32, #tpu.memory_space<vmem>>) target_semaphore(%run_scoped3A : memref<!tpu.dma_semaphore, #tpu.memory_space<semaphore_mem>>)
        %dma_wait3A_21 = tpu.memref_slice %arg4[%add3A_14] : memref<320000xi32, #tpu.memory_space<hbm>> -> memref<80xi32, #tpu.memory_space<hbm>>
        %dma_wait3A_22 = tpu.memref_slice %arg4[%add3A_14] : memref<320000xi32, #tpu.memory_space<hbm>> -> memref<80xi32, #tpu.memory_space<hbm>>
        tpu.wait_dma2 semaphore(%run_scoped3A : memref<!tpu.dma_semaphore, #tpu.memory_space<semaphore_mem>>) src(%dma_wait3A_22 : memref<80xi32, #tpu.memory_space<hbm>>) dst(%arg9 : memref<80xi32, #tpu.memory_space<vmem>>)
        tpu.yield
      }) : () -> ()
      %dma_start3A = arith.constant 0 : i32
      %dma_start3A_15 = arith.constant 0 : i32
      %dma_start3A_16 = tpu.memref_slice %arg2[%dma_start3A, %dma_start3A_15] : memref<10240x128xf32, #tpu.memory_space<hbm>> -> memref<10240x128xf32, #tpu.memory_space<hbm>>
      tpu.enqueue_indirect_dma source(%dma_start3A_16 : memref<10240x128xf32, #tpu.memory_space<hbm>>) target(%arg10 : memref<80x128xf32, #tpu.memory_space<vmem>>) offsets(%arg8 : memref<80xi32, #tpu.memory_space<vmem>>) semaphore(%arg14 : memref<!tpu.dma_semaphore, #tpu.memory_space<semaphore_mem>>)
      %dma_wait3A = arith.constant 0 : i32
      %dma_wait3A_17 = arith.constant 0 : i32
      %dma_wait3A_18 = tpu.memref_slice %arg2[%dma_wait3A, %dma_wait3A_17] : memref<10240x128xf32, #tpu.memory_space<hbm>> -> memref<10240x128xf32, #tpu.memory_space<hbm>>
      tpu.wait_indirect_dma semaphore(%arg14 : memref<!tpu.dma_semaphore, #tpu.memory_space<semaphore_mem>>) src(%dma_wait3A_18 : memref<10240x128xf32, #tpu.memory_space<hbm>>) dst(%arg10 : memref<80x128xf32, #tpu.memory_space<vmem>>)
      "tpu.region"() ({
        %run_scoped3A = tpu.sem_alloc : memref<!tpu.dma_semaphore, #tpu.memory_space<semaphore_mem>>
        %dma_start3A_19 = arith.constant 0 : i32
        %dma_start3A_20 = arith.constant 0 : i32
        %dma_start3A_21 = tpu.memref_slice %arg7[%dma_start3A_19, %dma_start3A_20] : memref<10240x128xf32, #tpu.memory_space<vmem_shared>> -> memref<10240x128xf32, #tpu.memory_space<vmem_shared>>
        tpu.enqueue_indirect_dma source(%arg10 : memref<80x128xf32, #tpu.memory_space<vmem>>) target(%dma_start3A_21 : memref<10240x128xf32, #tpu.memory_space<vmem_shared>>) offsets(%arg9 : memref<80xi32, #tpu.memory_space<vmem>>) semaphore(%run_scoped3A : memref<!tpu.dma_semaphore, #tpu.memory_space<semaphore_mem>>) {add = true}
        %dma_wait3A_22 = arith.constant 0 : i32
        %dma_wait3A_23 = arith.constant 0 : i32
        %dma_wait3A_24 = tpu.memref_slice %arg7[%dma_wait3A_22, %dma_wait3A_23] : memref<10240x128xf32, #tpu.memory_space<vmem_shared>> -> memref<10240x128xf32, #tpu.memory_space<vmem_shared>>
        tpu.wait_indirect_dma semaphore(%run_scoped3A : memref<!tpu.dma_semaphore, #tpu.memory_space<semaphore_mem>>) src(%arg10 : memref<80x128xf32, #tpu.memory_space<vmem>>) dst(%dma_wait3A_24 : memref<10240x128xf32, #tpu.memory_space<vmem_shared>>)
        tpu.yield
      }) : () -> ()
    }
    %scan3A_9 = arith.constant 125 : i32
    %barrier3A_10 = arith.constant 0 : index
    tpu.barrier barrier_id(%barrier3A_10)
    "tpu.region"() ({
      %run_scoped3A = tpu.sem_alloc : memref<!tpu.dma_semaphore, #tpu.memory_space<semaphore_mem>>
      %dma_start3A = arith.constant 0 : i32
      %dma_start3A_11 = tpu.memref_slice %arg6[%arg0, %mul3A_0, %dma_start3A] : memref<2x10240x128xf32, #tpu.memory_space<hbm>> -> memref<1x640x128xf32, #tpu.memory_space<hbm>>
      %dma_start3A_12 = tpu.memref_squeeze %dma_start3A_11 : memref<1x640x128xf32, #tpu.memory_space<hbm>> -> memref<640x128xf32, #tpu.memory_space<hbm>>
      %dma_start3A_13 = arith.constant 0 : i32
      %dma_start3A_14 = tpu.memref_slice %arg7[%mul3A_0, %dma_start3A_13] : memref<10240x128xf32, #tpu.memory_space<vmem_shared>> -> memref<640x128xf32, #tpu.memory_space<vmem_shared>>
      tpu.enqueue_dma source(%dma_start3A_14 : memref<640x128xf32, #tpu.memory_space<vmem_shared>>) target(%dma_start3A_12 : memref<640x128xf32, #tpu.memory_space<hbm>>) target_semaphore(%run_scoped3A : memref<!tpu.dma_semaphore, #tpu.memory_space<semaphore_mem>>)
      %dma_wait3A = arith.constant 0 : i32
      %dma_wait3A_15 = tpu.memref_slice %arg6[%arg0, %mul3A_0, %dma_wait3A] : memref<2x10240x128xf32, #tpu.memory_space<hbm>> -> memref<1x640x128xf32, #tpu.memory_space<hbm>>
      %dma_wait3A_16 = tpu.memref_squeeze %dma_wait3A_15 : memref<1x640x128xf32, #tpu.memory_space<hbm>> -> memref<640x128xf32, #tpu.memory_space<hbm>>
      %dma_wait3A_17 = arith.constant 0 : i32
      %dma_wait3A_18 = tpu.memref_slice %arg7[%mul3A_0, %dma_wait3A_17] : memref<10240x128xf32, #tpu.memory_space<vmem_shared>> -> memref<640x128xf32, #tpu.memory_space<vmem_shared>>
      tpu.wait_dma2 semaphore(%run_scoped3A : memref<!tpu.dma_semaphore, #tpu.memory_space<semaphore_mem>>) src(%dma_wait3A_18 : memref<640x128xf32, #tpu.memory_space<vmem_shared>>) dst(%dma_wait3A_16 : memref<640x128xf32, #tpu.memory_space<hbm>>)
      tpu.yield
    }) : () -> ()
    return
  }
}

#map = affine_map<(d0, d1) -> (0)>
#map1 = affine_map<(d0, d1) -> (0, 0)>
#map2 = affine_map<(d0, d1) -> (0, 0, 0)>
module attributes {stable_mosaic.version = 14 : i64} {
  func.func @_deg_body(%arg0: i32, %arg1: i32, %arg2: memref<320000xi32, #tpu.memory_space<hbm>>, %arg3: memref<320000xi32, #tpu.memory_space<hbm>>, %arg4: memref<80x128xf32, #tpu.memory_space<hbm>>, %arg5: memref<80x128xf32, #tpu.memory_space<hbm>>, %arg6: memref<10240x128xf32, #tpu.memory_space<hbm>>, %arg7: memref<2x10240x128xf32, #tpu.memory_space<hbm>>, %arg8: memref<10240x128xf32, #tpu.memory_space<vmem_shared>>, %arg9: memref<80xi32, #tpu.memory_space<vmem>>, %arg10: memref<80xi32, #tpu.memory_space<vmem>>, %arg11: memref<80x128xf32, #tpu.memory_space<vmem>>, %arg12: memref<80x128xf32, #tpu.memory_space<vmem>>) attributes {dimension_semantics = [#tpu.dimension_semantics<core_parallel>, #tpu.dimension_semantics<subcore_parallel>], iteration_bounds = array<i64: 2, 16>, scalar_prefetch = 0 : i64, scratch_operands = 5 : i64, tpu.core_type = #tpu.core_type<sc_vector_subcore>, window_params = [{transform_indices = #map}, {transform_indices = #map}, {transform_indices = #map1}, {transform_indices = #map1}, {transform_indices = #map1}, {transform_indices = #map2}]} {
    %mul3A = arith.constant 640 : i32
    %mul3A_0 = arith.muli %arg1, %mul3A : i32
    "tpu.region"() ({
      %run_scoped3A = tpu.sem_alloc : memref<!tpu.dma_semaphore, #tpu.memory_space<semaphore_mem>>
      %dma_start3A = arith.constant 0 : i32
      %dma_start3A_11 = tpu.memref_slice %arg8[%mul3A_0, %dma_start3A] : memref<10240x128xf32, #tpu.memory_space<vmem_shared>> -> memref<640x128xf32, #tpu.memory_space<vmem_shared>>
      %dma_start3A_12 = arith.constant 0 : i32
      %dma_start3A_13 = tpu.memref_slice %arg6[%mul3A_0, %dma_start3A_12] : memref<10240x128xf32, #tpu.memory_space<hbm>> -> memref<640x128xf32, #tpu.memory_space<hbm>>
      tpu.enqueue_dma source(%dma_start3A_13 : memref<640x128xf32, #tpu.memory_space<hbm>>) target(%dma_start3A_11 : memref<640x128xf32, #tpu.memory_space<vmem_shared>>) target_semaphore(%run_scoped3A : memref<!tpu.dma_semaphore, #tpu.memory_space<semaphore_mem>>)
      %dma_wait3A = arith.constant 0 : i32
      %dma_wait3A_14 = tpu.memref_slice %arg8[%mul3A_0, %dma_wait3A] : memref<10240x128xf32, #tpu.memory_space<vmem_shared>> -> memref<640x128xf32, #tpu.memory_space<vmem_shared>>
      %dma_wait3A_15 = arith.constant 0 : i32
      %dma_wait3A_16 = tpu.memref_slice %arg6[%mul3A_0, %dma_wait3A_15] : memref<10240x128xf32, #tpu.memory_space<hbm>> -> memref<640x128xf32, #tpu.memory_space<hbm>>
      tpu.wait_dma2 semaphore(%run_scoped3A : memref<!tpu.dma_semaphore, #tpu.memory_space<semaphore_mem>>) src(%dma_wait3A_16 : memref<640x128xf32, #tpu.memory_space<hbm>>) dst(%dma_wait3A_14 : memref<640x128xf32, #tpu.memory_space<vmem_shared>>)
      tpu.yield
    }) : () -> ()
    "tpu.region"() ({
      %run_scoped3A = tpu.sem_alloc : memref<!tpu.dma_semaphore, #tpu.memory_space<semaphore_mem>>
      tpu.enqueue_dma source(%arg4 : memref<80x128xf32, #tpu.memory_space<hbm>>) target(%arg11 : memref<80x128xf32, #tpu.memory_space<vmem>>) target_semaphore(%run_scoped3A : memref<!tpu.dma_semaphore, #tpu.memory_space<semaphore_mem>>)
      tpu.wait_dma2 semaphore(%run_scoped3A : memref<!tpu.dma_semaphore, #tpu.memory_space<semaphore_mem>>) src(%arg4 : memref<80x128xf32, #tpu.memory_space<hbm>>) dst(%arg11 : memref<80x128xf32, #tpu.memory_space<vmem>>)
      tpu.yield
    }) : () -> ()
    "tpu.region"() ({
      %run_scoped3A = tpu.sem_alloc : memref<!tpu.dma_semaphore, #tpu.memory_space<semaphore_mem>>
      tpu.enqueue_dma source(%arg5 : memref<80x128xf32, #tpu.memory_space<hbm>>) target(%arg12 : memref<80x128xf32, #tpu.memory_space<vmem>>) target_semaphore(%run_scoped3A : memref<!tpu.dma_semaphore, #tpu.memory_space<semaphore_mem>>)
      tpu.wait_dma2 semaphore(%run_scoped3A : memref<!tpu.dma_semaphore, #tpu.memory_space<semaphore_mem>>) src(%arg5 : memref<80x128xf32, #tpu.memory_space<hbm>>) dst(%arg12 : memref<80x128xf32, #tpu.memory_space<vmem>>)
      tpu.yield
    }) : () -> ()
    %barrier3A = arith.constant 0 : index
    tpu.barrier barrier_id(%barrier3A)
    %mul3A_1 = arith.constant 16 : i32
    %mul3A_2 = arith.muli %arg0, %mul3A_1 : i32
    %add3A = arith.addi %mul3A_2, %arg1 : i32
    %mul3A_3 = arith.constant 10000 : i32
    %mul3A_4 = arith.muli %add3A, %mul3A_3 : i32
    %scan3A = arith.constant 0 : i32
    %scan3A_5 = arith.constant 0 : i32
    %scan3A_6 = arith.constant 125 : i32
    %scan3A_7 = arith.addi %scan3A_5, %scan3A_6 : i32
    %scan3A_8 = arith.constant 1 : i32
    scf.for %scan3A_11 = %scan3A_5 to %scan3A_7 step %scan3A_8  : i32 {
      %mul3A_12 = arith.constant 80 : i32
      %mul3A_13 = arith.muli %scan3A_11, %mul3A_12 : i32
      %add3A_14 = arith.addi %mul3A_4, %mul3A_13 : i32
      "tpu.region"() ({
        %run_scoped3A = tpu.sem_alloc : memref<!tpu.dma_semaphore, #tpu.memory_space<semaphore_mem>>
        %dma_start3A = tpu.memref_slice %arg2[%add3A_14] : memref<320000xi32, #tpu.memory_space<hbm>> -> memref<80xi32, #tpu.memory_space<hbm>>
        %dma_start3A_15 = tpu.memref_slice %arg2[%add3A_14] : memref<320000xi32, #tpu.memory_space<hbm>> -> memref<80xi32, #tpu.memory_space<hbm>>
        tpu.enqueue_dma source(%dma_start3A_15 : memref<80xi32, #tpu.memory_space<hbm>>) target(%arg9 : memref<80xi32, #tpu.memory_space<vmem>>) target_semaphore(%run_scoped3A : memref<!tpu.dma_semaphore, #tpu.memory_space<semaphore_mem>>)
        %dma_wait3A = tpu.memref_slice %arg2[%add3A_14] : memref<320000xi32, #tpu.memory_space<hbm>> -> memref<80xi32, #tpu.memory_space<hbm>>
        %dma_wait3A_16 = tpu.memref_slice %arg2[%add3A_14] : memref<320000xi32, #tpu.memory_space<hbm>> -> memref<80xi32, #tpu.memory_space<hbm>>
        tpu.wait_dma2 semaphore(%run_scoped3A : memref<!tpu.dma_semaphore, #tpu.memory_space<semaphore_mem>>) src(%dma_wait3A_16 : memref<80xi32, #tpu.memory_space<hbm>>) dst(%arg9 : memref<80xi32, #tpu.memory_space<vmem>>)
        tpu.yield
      }) : () -> ()
      "tpu.region"() ({
        %run_scoped3A = tpu.sem_alloc : memref<!tpu.dma_semaphore, #tpu.memory_space<semaphore_mem>>
        %dma_start3A = tpu.memref_slice %arg3[%add3A_14] : memref<320000xi32, #tpu.memory_space<hbm>> -> memref<80xi32, #tpu.memory_space<hbm>>
        %dma_start3A_15 = tpu.memref_slice %arg3[%add3A_14] : memref<320000xi32, #tpu.memory_space<hbm>> -> memref<80xi32, #tpu.memory_space<hbm>>
        tpu.enqueue_dma source(%dma_start3A_15 : memref<80xi32, #tpu.memory_space<hbm>>) target(%arg10 : memref<80xi32, #tpu.memory_space<vmem>>) target_semaphore(%run_scoped3A : memref<!tpu.dma_semaphore, #tpu.memory_space<semaphore_mem>>)
        %dma_wait3A = tpu.memref_slice %arg3[%add3A_14] : memref<320000xi32, #tpu.memory_space<hbm>> -> memref<80xi32, #tpu.memory_space<hbm>>
        %dma_wait3A_16 = tpu.memref_slice %arg3[%add3A_14] : memref<320000xi32, #tpu.memory_space<hbm>> -> memref<80xi32, #tpu.memory_space<hbm>>
        tpu.wait_dma2 semaphore(%run_scoped3A : memref<!tpu.dma_semaphore, #tpu.memory_space<semaphore_mem>>) src(%dma_wait3A_16 : memref<80xi32, #tpu.memory_space<hbm>>) dst(%arg10 : memref<80xi32, #tpu.memory_space<vmem>>)
        tpu.yield
      }) : () -> ()
      "tpu.region"() ({
        %run_scoped3A = tpu.sem_alloc : memref<!tpu.dma_semaphore, #tpu.memory_space<semaphore_mem>>
        %dma_start3A = arith.constant 0 : i32
        %dma_start3A_15 = arith.constant 0 : i32
        %dma_start3A_16 = tpu.memref_slice %arg8[%dma_start3A, %dma_start3A_15] : memref<10240x128xf32, #tpu.memory_space<vmem_shared>> -> memref<10240x128xf32, #tpu.memory_space<vmem_shared>>
        tpu.enqueue_indirect_dma source(%arg11 : memref<80x128xf32, #tpu.memory_space<vmem>>) target(%dma_start3A_16 : memref<10240x128xf32, #tpu.memory_space<vmem_shared>>) offsets(%arg10 : memref<80xi32, #tpu.memory_space<vmem>>) semaphore(%run_scoped3A : memref<!tpu.dma_semaphore, #tpu.memory_space<semaphore_mem>>) {add = true}
        %dma_wait3A = arith.constant 0 : i32
        %dma_wait3A_17 = arith.constant 0 : i32
        %dma_wait3A_18 = tpu.memref_slice %arg8[%dma_wait3A, %dma_wait3A_17] : memref<10240x128xf32, #tpu.memory_space<vmem_shared>> -> memref<10240x128xf32, #tpu.memory_space<vmem_shared>>
        tpu.wait_indirect_dma semaphore(%run_scoped3A : memref<!tpu.dma_semaphore, #tpu.memory_space<semaphore_mem>>) src(%arg11 : memref<80x128xf32, #tpu.memory_space<vmem>>) dst(%dma_wait3A_18 : memref<10240x128xf32, #tpu.memory_space<vmem_shared>>)
        tpu.yield
      }) : () -> ()
      "tpu.region"() ({
        %run_scoped3A = tpu.sem_alloc : memref<!tpu.dma_semaphore, #tpu.memory_space<semaphore_mem>>
        %dma_start3A = arith.constant 0 : i32
        %dma_start3A_15 = arith.constant 0 : i32
        %dma_start3A_16 = tpu.memref_slice %arg8[%dma_start3A, %dma_start3A_15] : memref<10240x128xf32, #tpu.memory_space<vmem_shared>> -> memref<10240x128xf32, #tpu.memory_space<vmem_shared>>
        tpu.enqueue_indirect_dma source(%arg12 : memref<80x128xf32, #tpu.memory_space<vmem>>) target(%dma_start3A_16 : memref<10240x128xf32, #tpu.memory_space<vmem_shared>>) offsets(%arg9 : memref<80xi32, #tpu.memory_space<vmem>>) semaphore(%run_scoped3A : memref<!tpu.dma_semaphore, #tpu.memory_space<semaphore_mem>>) {add = true}
        %dma_wait3A = arith.constant 0 : i32
        %dma_wait3A_17 = arith.constant 0 : i32
        %dma_wait3A_18 = tpu.memref_slice %arg8[%dma_wait3A, %dma_wait3A_17] : memref<10240x128xf32, #tpu.memory_space<vmem_shared>> -> memref<10240x128xf32, #tpu.memory_space<vmem_shared>>
        tpu.wait_indirect_dma semaphore(%run_scoped3A : memref<!tpu.dma_semaphore, #tpu.memory_space<semaphore_mem>>) src(%arg12 : memref<80x128xf32, #tpu.memory_space<vmem>>) dst(%dma_wait3A_18 : memref<10240x128xf32, #tpu.memory_space<vmem_shared>>)
        tpu.yield
      }) : () -> ()
    }
    %scan3A_9 = arith.constant 125 : i32
    %barrier3A_10 = arith.constant 0 : index
    tpu.barrier barrier_id(%barrier3A_10)
    "tpu.region"() ({
      %run_scoped3A = tpu.sem_alloc : memref<!tpu.dma_semaphore, #tpu.memory_space<semaphore_mem>>
      %dma_start3A = arith.constant 0 : i32
      %dma_start3A_11 = tpu.memref_slice %arg7[%arg0, %mul3A_0, %dma_start3A] : memref<2x10240x128xf32, #tpu.memory_space<hbm>> -> memref<1x640x128xf32, #tpu.memory_space<hbm>>
      %dma_start3A_12 = tpu.memref_squeeze %dma_start3A_11 : memref<1x640x128xf32, #tpu.memory_space<hbm>> -> memref<640x128xf32, #tpu.memory_space<hbm>>
      %dma_start3A_13 = arith.constant 0 : i32
      %dma_start3A_14 = tpu.memref_slice %arg8[%mul3A_0, %dma_start3A_13] : memref<10240x128xf32, #tpu.memory_space<vmem_shared>> -> memref<640x128xf32, #tpu.memory_space<vmem_shared>>
      tpu.enqueue_dma source(%dma_start3A_14 : memref<640x128xf32, #tpu.memory_space<vmem_shared>>) target(%dma_start3A_12 : memref<640x128xf32, #tpu.memory_space<hbm>>) target_semaphore(%run_scoped3A : memref<!tpu.dma_semaphore, #tpu.memory_space<semaphore_mem>>)
      %dma_wait3A = arith.constant 0 : i32
      %dma_wait3A_15 = tpu.memref_slice %arg7[%arg0, %mul3A_0, %dma_wait3A] : memref<2x10240x128xf32, #tpu.memory_space<hbm>> -> memref<1x640x128xf32, #tpu.memory_space<hbm>>
      %dma_wait3A_16 = tpu.memref_squeeze %dma_wait3A_15 : memref<1x640x128xf32, #tpu.memory_space<hbm>> -> memref<640x128xf32, #tpu.memory_space<hbm>>
      %dma_wait3A_17 = arith.constant 0 : i32
      %dma_wait3A_18 = tpu.memref_slice %arg8[%mul3A_0, %dma_wait3A_17] : memref<10240x128xf32, #tpu.memory_space<vmem_shared>> -> memref<640x128xf32, #tpu.memory_space<vmem_shared>>
      tpu.wait_dma2 semaphore(%run_scoped3A : memref<!tpu.dma_semaphore, #tpu.memory_space<semaphore_mem>>) src(%dma_wait3A_18 : memref<640x128xf32, #tpu.memory_space<vmem_shared>>) dst(%dma_wait3A_16 : memref<640x128xf32, #tpu.memory_space<hbm>>)
      tpu.yield
    }) : () -> ()
    return
  }
}

#map = affine_map<(d0, d1) -> (0, 0)>
#map1 = affine_map<(d0, d1) -> (0)>
#map2 = affine_map<(d0, d1) -> (0, 0, 0)>
module attributes {stable_mosaic.version = 14 : i64} {
  func.func @_agg_body(%arg0: i32, %arg1: i32, %arg2: memref<10240x128xf32, #tpu.memory_space<hbm>>, %arg3: memref<320000xi32, #tpu.memory_space<hbm>>, %arg4: memref<320000xi32, #tpu.memory_space<hbm>>, %arg5: memref<10240x128xf32, #tpu.memory_space<hbm>>, %arg6: memref<2x10240x128xf32, #tpu.memory_space<hbm>>, %arg7: memref<10240x128xf32, #tpu.memory_space<vmem_shared>>, %arg8: memref<80xi32, #tpu.memory_space<vmem>>, %arg9: memref<80xi32, #tpu.memory_space<vmem>>, %arg10: memref<80x128xf32, #tpu.memory_space<vmem>>, %arg11: memref<80xi32, #tpu.memory_space<vmem>>, %arg12: memref<80xi32, #tpu.memory_space<vmem>>, %arg13: memref<80x128xf32, #tpu.memory_space<vmem>>, %arg14: memref<!tpu.dma_semaphore, #tpu.memory_space<semaphore_mem>>, %arg15: memref<!tpu.dma_semaphore, #tpu.memory_space<semaphore_mem>>, %arg16: memref<!tpu.dma_semaphore, #tpu.memory_space<semaphore_mem>>, %arg17: memref<!tpu.dma_semaphore, #tpu.memory_space<semaphore_mem>>) attributes {dimension_semantics = [#tpu.dimension_semantics<core_parallel>, #tpu.dimension_semantics<subcore_parallel>], iteration_bounds = array<i64: 2, 16>, scalar_prefetch = 0 : i64, scratch_operands = 11 : i64, tpu.core_type = #tpu.core_type<sc_vector_subcore>, window_params = [{transform_indices = #map}, {transform_indices = #map1}, {transform_indices = #map1}, {transform_indices = #map}, {transform_indices = #map2}]} {
    %mul3A = arith.constant 640 : i32
    %mul3A_0 = arith.muli %arg1, %mul3A : i32
    "tpu.region"() ({
      %run_scoped3A = tpu.sem_alloc : memref<!tpu.dma_semaphore, #tpu.memory_space<semaphore_mem>>
      %dma_start3A = arith.constant 0 : i32
      %dma_start3A_11 = tpu.memref_slice %arg7[%mul3A_0, %dma_start3A] : memref<10240x128xf32, #tpu.memory_space<vmem_shared>> -> memref<640x128xf32, #tpu.memory_space<vmem_shared>>
      %dma_start3A_12 = arith.constant 0 : i32
      %dma_start3A_13 = tpu.memref_slice %arg5[%mul3A_0, %dma_start3A_12] : memref<10240x128xf32, #tpu.memory_space<hbm>> -> memref<640x128xf32, #tpu.memory_space<hbm>>
      tpu.enqueue_dma source(%dma_start3A_13 : memref<640x128xf32, #tpu.memory_space<hbm>>) target(%dma_start3A_11 : memref<640x128xf32, #tpu.memory_space<vmem_shared>>) target_semaphore(%run_scoped3A : memref<!tpu.dma_semaphore, #tpu.memory_space<semaphore_mem>>)
      %dma_wait3A = arith.constant 0 : i32
      %dma_wait3A_14 = tpu.memref_slice %arg7[%mul3A_0, %dma_wait3A] : memref<10240x128xf32, #tpu.memory_space<vmem_shared>> -> memref<640x128xf32, #tpu.memory_space<vmem_shared>>
      %dma_wait3A_15 = arith.constant 0 : i32
      %dma_wait3A_16 = tpu.memref_slice %arg5[%mul3A_0, %dma_wait3A_15] : memref<10240x128xf32, #tpu.memory_space<hbm>> -> memref<640x128xf32, #tpu.memory_space<hbm>>
      tpu.wait_dma2 semaphore(%run_scoped3A : memref<!tpu.dma_semaphore, #tpu.memory_space<semaphore_mem>>) src(%dma_wait3A_16 : memref<640x128xf32, #tpu.memory_space<hbm>>) dst(%dma_wait3A_14 : memref<640x128xf32, #tpu.memory_space<vmem_shared>>)
      tpu.yield
    }) : () -> ()
    %barrier3A = arith.constant 0 : index
    tpu.barrier barrier_id(%barrier3A)
    %mul3A_1 = arith.constant 16 : i32
    %mul3A_2 = arith.muli %arg0, %mul3A_1 : i32
    %add3A = arith.addi %mul3A_2, %arg1 : i32
    %mul3A_3 = arith.constant 10000 : i32
    %mul3A_4 = arith.muli %add3A, %mul3A_3 : i32
    %scan3A = arith.constant 0 : i32
    %scan3A_5 = arith.constant 0 : i32
    %scan3A_6 = arith.constant 125 : i32
    %scan3A_7 = arith.addi %scan3A_5, %scan3A_6 : i32
    %scan3A_8 = arith.constant 1 : i32
    scf.for %scan3A_11 = %scan3A_5 to %scan3A_7 step %scan3A_8  : i32 {
      %mul3A_12 = arith.constant 80 : i32
      %mul3A_13 = arith.muli %scan3A_11, %mul3A_12 : i32
      %add3A_14 = arith.addi %mul3A_4, %mul3A_13 : i32
      "tpu.region"() ({
        %run_scoped3A = tpu.sem_alloc : memref<!tpu.dma_semaphore, #tpu.memory_space<semaphore_mem>>
        %dma_start3A_19 = tpu.memref_slice %arg3[%add3A_14] : memref<320000xi32, #tpu.memory_space<hbm>> -> memref<80xi32, #tpu.memory_space<hbm>>
        %dma_start3A_20 = tpu.memref_slice %arg3[%add3A_14] : memref<320000xi32, #tpu.memory_space<hbm>> -> memref<80xi32, #tpu.memory_space<hbm>>
        tpu.enqueue_dma source(%dma_start3A_20 : memref<80xi32, #tpu.memory_space<hbm>>) target(%arg8 : memref<80xi32, #tpu.memory_space<vmem>>) target_semaphore(%run_scoped3A : memref<!tpu.dma_semaphore, #tpu.memory_space<semaphore_mem>>)
        %dma_wait3A_21 = tpu.memref_slice %arg3[%add3A_14] : memref<320000xi32, #tpu.memory_space<hbm>> -> memref<80xi32, #tpu.memory_space<hbm>>
        %dma_wait3A_22 = tpu.memref_slice %arg3[%add3A_14] : memref<320000xi32, #tpu.memory_space<hbm>> -> memref<80xi32, #tpu.memory_space<hbm>>
        tpu.wait_dma2 semaphore(%run_scoped3A : memref<!tpu.dma_semaphore, #tpu.memory_space<semaphore_mem>>) src(%dma_wait3A_22 : memref<80xi32, #tpu.memory_space<hbm>>) dst(%arg8 : memref<80xi32, #tpu.memory_space<vmem>>)
        tpu.yield
      }) : () -> ()
      "tpu.region"() ({
        %run_scoped3A = tpu.sem_alloc : memref<!tpu.dma_semaphore, #tpu.memory_space<semaphore_mem>>
        %dma_start3A_19 = tpu.memref_slice %arg4[%add3A_14] : memref<320000xi32, #tpu.memory_space<hbm>> -> memref<80xi32, #tpu.memory_space<hbm>>
        %dma_start3A_20 = tpu.memref_slice %arg4[%add3A_14] : memref<320000xi32, #tpu.memory_space<hbm>> -> memref<80xi32, #tpu.memory_space<hbm>>
        tpu.enqueue_dma source(%dma_start3A_20 : memref<80xi32, #tpu.memory_space<hbm>>) target(%arg9 : memref<80xi32, #tpu.memory_space<vmem>>) target_semaphore(%run_scoped3A : memref<!tpu.dma_semaphore, #tpu.memory_space<semaphore_mem>>)
        %dma_wait3A_21 = tpu.memref_slice %arg4[%add3A_14] : memref<320000xi32, #tpu.memory_space<hbm>> -> memref<80xi32, #tpu.memory_space<hbm>>
        %dma_wait3A_22 = tpu.memref_slice %arg4[%add3A_14] : memref<320000xi32, #tpu.memory_space<hbm>> -> memref<80xi32, #tpu.memory_space<hbm>>
        tpu.wait_dma2 semaphore(%run_scoped3A : memref<!tpu.dma_semaphore, #tpu.memory_space<semaphore_mem>>) src(%dma_wait3A_22 : memref<80xi32, #tpu.memory_space<hbm>>) dst(%arg9 : memref<80xi32, #tpu.memory_space<vmem>>)
        tpu.yield
      }) : () -> ()
      %dma_start3A = arith.constant 0 : i32
      %dma_start3A_15 = arith.constant 0 : i32
      %dma_start3A_16 = tpu.memref_slice %arg2[%dma_start3A, %dma_start3A_15] : memref<10240x128xf32, #tpu.memory_space<hbm>> -> memref<10240x128xf32, #tpu.memory_space<hbm>>
      tpu.enqueue_indirect_dma source(%dma_start3A_16 : memref<10240x128xf32, #tpu.memory_space<hbm>>) target(%arg10 : memref<80x128xf32, #tpu.memory_space<vmem>>) offsets(%arg8 : memref<80xi32, #tpu.memory_space<vmem>>) semaphore(%arg14 : memref<!tpu.dma_semaphore, #tpu.memory_space<semaphore_mem>>)
      %dma_wait3A = arith.constant 0 : i32
      %dma_wait3A_17 = arith.constant 0 : i32
      %dma_wait3A_18 = tpu.memref_slice %arg2[%dma_wait3A, %dma_wait3A_17] : memref<10240x128xf32, #tpu.memory_space<hbm>> -> memref<10240x128xf32, #tpu.memory_space<hbm>>
      tpu.wait_indirect_dma semaphore(%arg14 : memref<!tpu.dma_semaphore, #tpu.memory_space<semaphore_mem>>) src(%dma_wait3A_18 : memref<10240x128xf32, #tpu.memory_space<hbm>>) dst(%arg10 : memref<80x128xf32, #tpu.memory_space<vmem>>)
      "tpu.region"() ({
        %run_scoped3A = tpu.sem_alloc : memref<!tpu.dma_semaphore, #tpu.memory_space<semaphore_mem>>
        %dma_start3A_19 = arith.constant 0 : i32
        %dma_start3A_20 = arith.constant 0 : i32
        %dma_start3A_21 = tpu.memref_slice %arg7[%dma_start3A_19, %dma_start3A_20] : memref<10240x128xf32, #tpu.memory_space<vmem_shared>> -> memref<10240x128xf32, #tpu.memory_space<vmem_shared>>
        tpu.enqueue_indirect_dma source(%arg10 : memref<80x128xf32, #tpu.memory_space<vmem>>) target(%dma_start3A_21 : memref<10240x128xf32, #tpu.memory_space<vmem_shared>>) offsets(%arg9 : memref<80xi32, #tpu.memory_space<vmem>>) semaphore(%run_scoped3A : memref<!tpu.dma_semaphore, #tpu.memory_space<semaphore_mem>>) {add = true}
        %dma_wait3A_22 = arith.constant 0 : i32
        %dma_wait3A_23 = arith.constant 0 : i32
        %dma_wait3A_24 = tpu.memref_slice %arg7[%dma_wait3A_22, %dma_wait3A_23] : memref<10240x128xf32, #tpu.memory_space<vmem_shared>> -> memref<10240x128xf32, #tpu.memory_space<vmem_shared>>
        tpu.wait_indirect_dma semaphore(%run_scoped3A : memref<!tpu.dma_semaphore, #tpu.memory_space<semaphore_mem>>) src(%arg10 : memref<80x128xf32, #tpu.memory_space<vmem>>) dst(%dma_wait3A_24 : memref<10240x128xf32, #tpu.memory_space<vmem_shared>>)
        tpu.yield
      }) : () -> ()
    }
    %scan3A_9 = arith.constant 125 : i32
    %barrier3A_10 = arith.constant 0 : index
    tpu.barrier barrier_id(%barrier3A_10)
    "tpu.region"() ({
      %run_scoped3A = tpu.sem_alloc : memref<!tpu.dma_semaphore, #tpu.memory_space<semaphore_mem>>
      %dma_start3A = arith.constant 0 : i32
      %dma_start3A_11 = tpu.memref_slice %arg6[%arg0, %mul3A_0, %dma_start3A] : memref<2x10240x128xf32, #tpu.memory_space<hbm>> -> memref<1x640x128xf32, #tpu.memory_space<hbm>>
      %dma_start3A_12 = tpu.memref_squeeze %dma_start3A_11 : memref<1x640x128xf32, #tpu.memory_space<hbm>> -> memref<640x128xf32, #tpu.memory_space<hbm>>
      %dma_start3A_13 = arith.constant 0 : i32
      %dma_start3A_14 = tpu.memref_slice %arg7[%mul3A_0, %dma_start3A_13] : memref<10240x128xf32, #tpu.memory_space<vmem_shared>> -> memref<640x128xf32, #tpu.memory_space<vmem_shared>>
      tpu.enqueue_dma source(%dma_start3A_14 : memref<640x128xf32, #tpu.memory_space<vmem_shared>>) target(%dma_start3A_12 : memref<640x128xf32, #tpu.memory_space<hbm>>) target_semaphore(%run_scoped3A : memref<!tpu.dma_semaphore, #tpu.memory_space<semaphore_mem>>)
      %dma_wait3A = arith.constant 0 : i32
      %dma_wait3A_15 = tpu.memref_slice %arg6[%arg0, %mul3A_0, %dma_wait3A] : memref<2x10240x128xf32, #tpu.memory_space<hbm>> -> memref<1x640x128xf32, #tpu.memory_space<hbm>>
      %dma_wait3A_16 = tpu.memref_squeeze %dma_wait3A_15 : memref<1x640x128xf32, #tpu.memory_space<hbm>> -> memref<640x128xf32, #tpu.memory_space<hbm>>
      %dma_wait3A_17 = arith.constant 0 : i32
      %dma_wait3A_18 = tpu.memref_slice %arg7[%mul3A_0, %dma_wait3A_17] : memref<10240x128xf32, #tpu.memory_space<vmem_shared>> -> memref<640x128xf32, #tpu.memory_space<vmem_shared>>
      tpu.wait_dma2 semaphore(%run_scoped3A : memref<!tpu.dma_semaphore, #tpu.memory_space<semaphore_mem>>) src(%dma_wait3A_18 : memref<640x128xf32, #tpu.memory_space<vmem_shared>>) dst(%dma_wait3A_16 : memref<640x128xf32, #tpu.memory_space<hbm>>)
      tpu.yield
    }) : () -> ()
    return
  }
}

#map = affine_map<(d0, d1) -> (0, 0)>
#map1 = affine_map<(d0, d1) -> (0)>
#map2 = affine_map<(d0, d1) -> (0, 0, 0)>
module attributes {stable_mosaic.version = 14 : i64} {
  func.func @_agg_body(%arg0: i32, %arg1: i32, %arg2: memref<10240x128xf32, #tpu.memory_space<hbm>>, %arg3: memref<320000xi32, #tpu.memory_space<hbm>>, %arg4: memref<320000xi32, #tpu.memory_space<hbm>>, %arg5: memref<10240x128xf32, #tpu.memory_space<hbm>>, %arg6: memref<2x10240x128xf32, #tpu.memory_space<hbm>>, %arg7: memref<10240x128xf32, #tpu.memory_space<vmem_shared>>, %arg8: memref<80xi32, #tpu.memory_space<vmem>>, %arg9: memref<80xi32, #tpu.memory_space<vmem>>, %arg10: memref<80x128xf32, #tpu.memory_space<vmem>>, %arg11: memref<80xi32, #tpu.memory_space<vmem>>, %arg12: memref<80xi32, #tpu.memory_space<vmem>>, %arg13: memref<80x128xf32, #tpu.memory_space<vmem>>, %arg14: memref<!tpu.dma_semaphore, #tpu.memory_space<semaphore_mem>>, %arg15: memref<!tpu.dma_semaphore, #tpu.memory_space<semaphore_mem>>, %arg16: memref<!tpu.dma_semaphore, #tpu.memory_space<semaphore_mem>>, %arg17: memref<!tpu.dma_semaphore, #tpu.memory_space<semaphore_mem>>) attributes {dimension_semantics = [#tpu.dimension_semantics<core_parallel>, #tpu.dimension_semantics<subcore_parallel>], iteration_bounds = array<i64: 2, 16>, scalar_prefetch = 0 : i64, scratch_operands = 11 : i64, tpu.core_type = #tpu.core_type<sc_vector_subcore>, window_params = [{transform_indices = #map}, {transform_indices = #map1}, {transform_indices = #map1}, {transform_indices = #map}, {transform_indices = #map2}]} {
    %mul3A = arith.constant 640 : i32
    %mul3A_0 = arith.muli %arg1, %mul3A : i32
    "tpu.region"() ({
      %run_scoped3A = tpu.sem_alloc : memref<!tpu.dma_semaphore, #tpu.memory_space<semaphore_mem>>
      %dma_start3A = arith.constant 0 : i32
      %dma_start3A_11 = tpu.memref_slice %arg7[%mul3A_0, %dma_start3A] : memref<10240x128xf32, #tpu.memory_space<vmem_shared>> -> memref<640x128xf32, #tpu.memory_space<vmem_shared>>
      %dma_start3A_12 = arith.constant 0 : i32
      %dma_start3A_13 = tpu.memref_slice %arg5[%mul3A_0, %dma_start3A_12] : memref<10240x128xf32, #tpu.memory_space<hbm>> -> memref<640x128xf32, #tpu.memory_space<hbm>>
      tpu.enqueue_dma source(%dma_start3A_13 : memref<640x128xf32, #tpu.memory_space<hbm>>) target(%dma_start3A_11 : memref<640x128xf32, #tpu.memory_space<vmem_shared>>) target_semaphore(%run_scoped3A : memref<!tpu.dma_semaphore, #tpu.memory_space<semaphore_mem>>)
      %dma_wait3A = arith.constant 0 : i32
      %dma_wait3A_14 = tpu.memref_slice %arg7[%mul3A_0, %dma_wait3A] : memref<10240x128xf32, #tpu.memory_space<vmem_shared>> -> memref<640x128xf32, #tpu.memory_space<vmem_shared>>
      %dma_wait3A_15 = arith.constant 0 : i32
      %dma_wait3A_16 = tpu.memref_slice %arg5[%mul3A_0, %dma_wait3A_15] : memref<10240x128xf32, #tpu.memory_space<hbm>> -> memref<640x128xf32, #tpu.memory_space<hbm>>
      tpu.wait_dma2 semaphore(%run_scoped3A : memref<!tpu.dma_semaphore, #tpu.memory_space<semaphore_mem>>) src(%dma_wait3A_16 : memref<640x128xf32, #tpu.memory_space<hbm>>) dst(%dma_wait3A_14 : memref<640x128xf32, #tpu.memory_space<vmem_shared>>)
      tpu.yield
    }) : () -> ()
    %barrier3A = arith.constant 0 : index
    tpu.barrier barrier_id(%barrier3A)
    %mul3A_1 = arith.constant 16 : i32
    %mul3A_2 = arith.muli %arg0, %mul3A_1 : i32
    %add3A = arith.addi %mul3A_2, %arg1 : i32
    %mul3A_3 = arith.constant 10000 : i32
    %mul3A_4 = arith.muli %add3A, %mul3A_3 : i32
    %scan3A = arith.constant 0 : i32
    %scan3A_5 = arith.constant 0 : i32
    %scan3A_6 = arith.constant 125 : i32
    %scan3A_7 = arith.addi %scan3A_5, %scan3A_6 : i32
    %scan3A_8 = arith.constant 1 : i32
    scf.for %scan3A_11 = %scan3A_5 to %scan3A_7 step %scan3A_8  : i32 {
      %mul3A_12 = arith.constant 80 : i32
      %mul3A_13 = arith.muli %scan3A_11, %mul3A_12 : i32
      %add3A_14 = arith.addi %mul3A_4, %mul3A_13 : i32
      "tpu.region"() ({
        %run_scoped3A = tpu.sem_alloc : memref<!tpu.dma_semaphore, #tpu.memory_space<semaphore_mem>>
        %dma_start3A_19 = tpu.memref_slice %arg3[%add3A_14] : memref<320000xi32, #tpu.memory_space<hbm>> -> memref<80xi32, #tpu.memory_space<hbm>>
        %dma_start3A_20 = tpu.memref_slice %arg3[%add3A_14] : memref<320000xi32, #tpu.memory_space<hbm>> -> memref<80xi32, #tpu.memory_space<hbm>>
        tpu.enqueue_dma source(%dma_start3A_20 : memref<80xi32, #tpu.memory_space<hbm>>) target(%arg8 : memref<80xi32, #tpu.memory_space<vmem>>) target_semaphore(%run_scoped3A : memref<!tpu.dma_semaphore, #tpu.memory_space<semaphore_mem>>)
        %dma_wait3A_21 = tpu.memref_slice %arg3[%add3A_14] : memref<320000xi32, #tpu.memory_space<hbm>> -> memref<80xi32, #tpu.memory_space<hbm>>
        %dma_wait3A_22 = tpu.memref_slice %arg3[%add3A_14] : memref<320000xi32, #tpu.memory_space<hbm>> -> memref<80xi32, #tpu.memory_space<hbm>>
        tpu.wait_dma2 semaphore(%run_scoped3A : memref<!tpu.dma_semaphore, #tpu.memory_space<semaphore_mem>>) src(%dma_wait3A_22 : memref<80xi32, #tpu.memory_space<hbm>>) dst(%arg8 : memref<80xi32, #tpu.memory_space<vmem>>)
        tpu.yield
      }) : () -> ()
      "tpu.region"() ({
        %run_scoped3A = tpu.sem_alloc : memref<!tpu.dma_semaphore, #tpu.memory_space<semaphore_mem>>
        %dma_start3A_19 = tpu.memref_slice %arg4[%add3A_14] : memref<320000xi32, #tpu.memory_space<hbm>> -> memref<80xi32, #tpu.memory_space<hbm>>
        %dma_start3A_20 = tpu.memref_slice %arg4[%add3A_14] : memref<320000xi32, #tpu.memory_space<hbm>> -> memref<80xi32, #tpu.memory_space<hbm>>
        tpu.enqueue_dma source(%dma_start3A_20 : memref<80xi32, #tpu.memory_space<hbm>>) target(%arg9 : memref<80xi32, #tpu.memory_space<vmem>>) target_semaphore(%run_scoped3A : memref<!tpu.dma_semaphore, #tpu.memory_space<semaphore_mem>>)
        %dma_wait3A_21 = tpu.memref_slice %arg4[%add3A_14] : memref<320000xi32, #tpu.memory_space<hbm>> -> memref<80xi32, #tpu.memory_space<hbm>>
        %dma_wait3A_22 = tpu.memref_slice %arg4[%add3A_14] : memref<320000xi32, #tpu.memory_space<hbm>> -> memref<80xi32, #tpu.memory_space<hbm>>
        tpu.wait_dma2 semaphore(%run_scoped3A : memref<!tpu.dma_semaphore, #tpu.memory_space<semaphore_mem>>) src(%dma_wait3A_22 : memref<80xi32, #tpu.memory_space<hbm>>) dst(%arg9 : memref<80xi32, #tpu.memory_space<vmem>>)
        tpu.yield
      }) : () -> ()
      %dma_start3A = arith.constant 0 : i32
      %dma_start3A_15 = arith.constant 0 : i32
      %dma_start3A_16 = tpu.memref_slice %arg2[%dma_start3A, %dma_start3A_15] : memref<10240x128xf32, #tpu.memory_space<hbm>> -> memref<10240x128xf32, #tpu.memory_space<hbm>>
      tpu.enqueue_indirect_dma source(%dma_start3A_16 : memref<10240x128xf32, #tpu.memory_space<hbm>>) target(%arg10 : memref<80x128xf32, #tpu.memory_space<vmem>>) offsets(%arg8 : memref<80xi32, #tpu.memory_space<vmem>>) semaphore(%arg14 : memref<!tpu.dma_semaphore, #tpu.memory_space<semaphore_mem>>)
      %dma_wait3A = arith.constant 0 : i32
      %dma_wait3A_17 = arith.constant 0 : i32
      %dma_wait3A_18 = tpu.memref_slice %arg2[%dma_wait3A, %dma_wait3A_17] : memref<10240x128xf32, #tpu.memory_space<hbm>> -> memref<10240x128xf32, #tpu.memory_space<hbm>>
      tpu.wait_indirect_dma semaphore(%arg14 : memref<!tpu.dma_semaphore, #tpu.memory_space<semaphore_mem>>) src(%dma_wait3A_18 : memref<10240x128xf32, #tpu.memory_space<hbm>>) dst(%arg10 : memref<80x128xf32, #tpu.memory_space<vmem>>)
      "tpu.region"() ({
        %run_scoped3A = tpu.sem_alloc : memref<!tpu.dma_semaphore, #tpu.memory_space<semaphore_mem>>
        %dma_start3A_19 = arith.constant 0 : i32
        %dma_start3A_20 = arith.constant 0 : i32
        %dma_start3A_21 = tpu.memref_slice %arg7[%dma_start3A_19, %dma_start3A_20] : memref<10240x128xf32, #tpu.memory_space<vmem_shared>> -> memref<10240x128xf32, #tpu.memory_space<vmem_shared>>
        tpu.enqueue_indirect_dma source(%arg10 : memref<80x128xf32, #tpu.memory_space<vmem>>) target(%dma_start3A_21 : memref<10240x128xf32, #tpu.memory_space<vmem_shared>>) offsets(%arg9 : memref<80xi32, #tpu.memory_space<vmem>>) semaphore(%run_scoped3A : memref<!tpu.dma_semaphore, #tpu.memory_space<semaphore_mem>>) {add = true}
        %dma_wait3A_22 = arith.constant 0 : i32
        %dma_wait3A_23 = arith.constant 0 : i32
        %dma_wait3A_24 = tpu.memref_slice %arg7[%dma_wait3A_22, %dma_wait3A_23] : memref<10240x128xf32, #tpu.memory_space<vmem_shared>> -> memref<10240x128xf32, #tpu.memory_space<vmem_shared>>
        tpu.wait_indirect_dma semaphore(%run_scoped3A : memref<!tpu.dma_semaphore, #tpu.memory_space<semaphore_mem>>) src(%arg10 : memref<80x128xf32, #tpu.memory_space<vmem>>) dst(%dma_wait3A_24 : memref<10240x128xf32, #tpu.memory_space<vmem_shared>>)
        tpu.yield
      }) : () -> ()
    }
    %scan3A_9 = arith.constant 125 : i32
    %barrier3A_10 = arith.constant 0 : index
    tpu.barrier barrier_id(%barrier3A_10)
    "tpu.region"() ({
      %run_scoped3A = tpu.sem_alloc : memref<!tpu.dma_semaphore, #tpu.memory_space<semaphore_mem>>
      %dma_start3A = arith.constant 0 : i32
      %dma_start3A_11 = tpu.memref_slice %arg6[%arg0, %mul3A_0, %dma_start3A] : memref<2x10240x128xf32, #tpu.memory_space<hbm>> -> memref<1x640x128xf32, #tpu.memory_space<hbm>>
      %dma_start3A_12 = tpu.memref_squeeze %dma_start3A_11 : memref<1x640x128xf32, #tpu.memory_space<hbm>> -> memref<640x128xf32, #tpu.memory_space<hbm>>
      %dma_start3A_13 = arith.constant 0 : i32
      %dma_start3A_14 = tpu.memref_slice %arg7[%mul3A_0, %dma_start3A_13] : memref<10240x128xf32, #tpu.memory_space<vmem_shared>> -> memref<640x128xf32, #tpu.memory_space<vmem_shared>>
      tpu.enqueue_dma source(%dma_start3A_14 : memref<640x128xf32, #tpu.memory_space<vmem_shared>>) target(%dma_start3A_12 : memref<640x128xf32, #tpu.memory_space<hbm>>) target_semaphore(%run_scoped3A : memref<!tpu.dma_semaphore, #tpu.memory_space<semaphore_mem>>)
      %dma_wait3A = arith.constant 0 : i32
      %dma_wait3A_15 = tpu.memref_slice %arg6[%arg0, %mul3A_0, %dma_wait3A] : memref<2x10240x128xf32, #tpu.memory_space<hbm>> -> memref<1x640x128xf32, #tpu.memory_space<hbm>>
      %dma_wait3A_16 = tpu.memref_squeeze %dma_wait3A_15 : memref<1x640x128xf32, #tpu.memory_space<hbm>> -> memref<640x128xf32, #tpu.memory_space<hbm>>
      %dma_wait3A_17 = arith.constant 0 : i32
      %dma_wait3A_18 = tpu.memref_slice %arg7[%mul3A_0, %dma_wait3A_17] : memref<10240x128xf32, #tpu.memory_space<vmem_shared>> -> memref<640x128xf32, #tpu.memory_space<vmem_shared>>
      tpu.wait_dma2 semaphore(%run_scoped3A : memref<!tpu.dma_semaphore, #tpu.memory_space<semaphore_mem>>) src(%dma_wait3A_18 : memref<640x128xf32, #tpu.memory_space<vmem_shared>>) dst(%dma_wait3A_16 : memref<640x128xf32, #tpu.memory_space<hbm>>)
      tpu.yield
    }) : () -> ()
    return
  }
}

#map = affine_map<(d0, d1) -> (0, 0)>
#map1 = affine_map<(d0, d1) -> (0)>
#map2 = affine_map<(d0, d1) -> (0, 0, 0)>
module attributes {stable_mosaic.version = 14 : i64} {
  func.func @_agg_body(%arg0: i32, %arg1: i32, %arg2: memref<10240x128xf32, #tpu.memory_space<hbm>>, %arg3: memref<320000xi32, #tpu.memory_space<hbm>>, %arg4: memref<320000xi32, #tpu.memory_space<hbm>>, %arg5: memref<10240x128xf32, #tpu.memory_space<hbm>>, %arg6: memref<2x10240x128xf32, #tpu.memory_space<hbm>>, %arg7: memref<10240x128xf32, #tpu.memory_space<vmem_shared>>, %arg8: memref<80xi32, #tpu.memory_space<vmem>>, %arg9: memref<80xi32, #tpu.memory_space<vmem>>, %arg10: memref<80x128xf32, #tpu.memory_space<vmem>>, %arg11: memref<80xi32, #tpu.memory_space<vmem>>, %arg12: memref<80xi32, #tpu.memory_space<vmem>>, %arg13: memref<80x128xf32, #tpu.memory_space<vmem>>, %arg14: memref<!tpu.dma_semaphore, #tpu.memory_space<semaphore_mem>>, %arg15: memref<!tpu.dma_semaphore, #tpu.memory_space<semaphore_mem>>, %arg16: memref<!tpu.dma_semaphore, #tpu.memory_space<semaphore_mem>>, %arg17: memref<!tpu.dma_semaphore, #tpu.memory_space<semaphore_mem>>) attributes {dimension_semantics = [#tpu.dimension_semantics<core_parallel>, #tpu.dimension_semantics<subcore_parallel>], iteration_bounds = array<i64: 2, 16>, scalar_prefetch = 0 : i64, scratch_operands = 11 : i64, tpu.core_type = #tpu.core_type<sc_vector_subcore>, window_params = [{transform_indices = #map}, {transform_indices = #map1}, {transform_indices = #map1}, {transform_indices = #map}, {transform_indices = #map2}]} {
    %mul3A = arith.constant 640 : i32
    %mul3A_0 = arith.muli %arg1, %mul3A : i32
    "tpu.region"() ({
      %run_scoped3A = tpu.sem_alloc : memref<!tpu.dma_semaphore, #tpu.memory_space<semaphore_mem>>
      %dma_start3A = arith.constant 0 : i32
      %dma_start3A_11 = tpu.memref_slice %arg7[%mul3A_0, %dma_start3A] : memref<10240x128xf32, #tpu.memory_space<vmem_shared>> -> memref<640x128xf32, #tpu.memory_space<vmem_shared>>
      %dma_start3A_12 = arith.constant 0 : i32
      %dma_start3A_13 = tpu.memref_slice %arg5[%mul3A_0, %dma_start3A_12] : memref<10240x128xf32, #tpu.memory_space<hbm>> -> memref<640x128xf32, #tpu.memory_space<hbm>>
      tpu.enqueue_dma source(%dma_start3A_13 : memref<640x128xf32, #tpu.memory_space<hbm>>) target(%dma_start3A_11 : memref<640x128xf32, #tpu.memory_space<vmem_shared>>) target_semaphore(%run_scoped3A : memref<!tpu.dma_semaphore, #tpu.memory_space<semaphore_mem>>)
      %dma_wait3A = arith.constant 0 : i32
      %dma_wait3A_14 = tpu.memref_slice %arg7[%mul3A_0, %dma_wait3A] : memref<10240x128xf32, #tpu.memory_space<vmem_shared>> -> memref<640x128xf32, #tpu.memory_space<vmem_shared>>
      %dma_wait3A_15 = arith.constant 0 : i32
      %dma_wait3A_16 = tpu.memref_slice %arg5[%mul3A_0, %dma_wait3A_15] : memref<10240x128xf32, #tpu.memory_space<hbm>> -> memref<640x128xf32, #tpu.memory_space<hbm>>
      tpu.wait_dma2 semaphore(%run_scoped3A : memref<!tpu.dma_semaphore, #tpu.memory_space<semaphore_mem>>) src(%dma_wait3A_16 : memref<640x128xf32, #tpu.memory_space<hbm>>) dst(%dma_wait3A_14 : memref<640x128xf32, #tpu.memory_space<vmem_shared>>)
      tpu.yield
    }) : () -> ()
    %barrier3A = arith.constant 0 : index
    tpu.barrier barrier_id(%barrier3A)
    %mul3A_1 = arith.constant 16 : i32
    %mul3A_2 = arith.muli %arg0, %mul3A_1 : i32
    %add3A = arith.addi %mul3A_2, %arg1 : i32
    %mul3A_3 = arith.constant 10000 : i32
    %mul3A_4 = arith.muli %add3A, %mul3A_3 : i32
    %scan3A = arith.constant 0 : i32
    %scan3A_5 = arith.constant 0 : i32
    %scan3A_6 = arith.constant 125 : i32
    %scan3A_7 = arith.addi %scan3A_5, %scan3A_6 : i32
    %scan3A_8 = arith.constant 1 : i32
    scf.for %scan3A_11 = %scan3A_5 to %scan3A_7 step %scan3A_8  : i32 {
      %mul3A_12 = arith.constant 80 : i32
      %mul3A_13 = arith.muli %scan3A_11, %mul3A_12 : i32
      %add3A_14 = arith.addi %mul3A_4, %mul3A_13 : i32
      "tpu.region"() ({
        %run_scoped3A = tpu.sem_alloc : memref<!tpu.dma_semaphore, #tpu.memory_space<semaphore_mem>>
        %dma_start3A_19 = tpu.memref_slice %arg3[%add3A_14] : memref<320000xi32, #tpu.memory_space<hbm>> -> memref<80xi32, #tpu.memory_space<hbm>>
        %dma_start3A_20 = tpu.memref_slice %arg3[%add3A_14] : memref<320000xi32, #tpu.memory_space<hbm>> -> memref<80xi32, #tpu.memory_space<hbm>>
        tpu.enqueue_dma source(%dma_start3A_20 : memref<80xi32, #tpu.memory_space<hbm>>) target(%arg8 : memref<80xi32, #tpu.memory_space<vmem>>) target_semaphore(%run_scoped3A : memref<!tpu.dma_semaphore, #tpu.memory_space<semaphore_mem>>)
        %dma_wait3A_21 = tpu.memref_slice %arg3[%add3A_14] : memref<320000xi32, #tpu.memory_space<hbm>> -> memref<80xi32, #tpu.memory_space<hbm>>
        %dma_wait3A_22 = tpu.memref_slice %arg3[%add3A_14] : memref<320000xi32, #tpu.memory_space<hbm>> -> memref<80xi32, #tpu.memory_space<hbm>>
        tpu.wait_dma2 semaphore(%run_scoped3A : memref<!tpu.dma_semaphore, #tpu.memory_space<semaphore_mem>>) src(%dma_wait3A_22 : memref<80xi32, #tpu.memory_space<hbm>>) dst(%arg8 : memref<80xi32, #tpu.memory_space<vmem>>)
        tpu.yield
      }) : () -> ()
      "tpu.region"() ({
        %run_scoped3A = tpu.sem_alloc : memref<!tpu.dma_semaphore, #tpu.memory_space<semaphore_mem>>
        %dma_start3A_19 = tpu.memref_slice %arg4[%add3A_14] : memref<320000xi32, #tpu.memory_space<hbm>> -> memref<80xi32, #tpu.memory_space<hbm>>
        %dma_start3A_20 = tpu.memref_slice %arg4[%add3A_14] : memref<320000xi32, #tpu.memory_space<hbm>> -> memref<80xi32, #tpu.memory_space<hbm>>
        tpu.enqueue_dma source(%dma_start3A_20 : memref<80xi32, #tpu.memory_space<hbm>>) target(%arg9 : memref<80xi32, #tpu.memory_space<vmem>>) target_semaphore(%run_scoped3A : memref<!tpu.dma_semaphore, #tpu.memory_space<semaphore_mem>>)
        %dma_wait3A_21 = tpu.memref_slice %arg4[%add3A_14] : memref<320000xi32, #tpu.memory_space<hbm>> -> memref<80xi32, #tpu.memory_space<hbm>>
        %dma_wait3A_22 = tpu.memref_slice %arg4[%add3A_14] : memref<320000xi32, #tpu.memory_space<hbm>> -> memref<80xi32, #tpu.memory_space<hbm>>
        tpu.wait_dma2 semaphore(%run_scoped3A : memref<!tpu.dma_semaphore, #tpu.memory_space<semaphore_mem>>) src(%dma_wait3A_22 : memref<80xi32, #tpu.memory_space<hbm>>) dst(%arg9 : memref<80xi32, #tpu.memory_space<vmem>>)
        tpu.yield
      }) : () -> ()
      %dma_start3A = arith.constant 0 : i32
      %dma_start3A_15 = arith.constant 0 : i32
      %dma_start3A_16 = tpu.memref_slice %arg2[%dma_start3A, %dma_start3A_15] : memref<10240x128xf32, #tpu.memory_space<hbm>> -> memref<10240x128xf32, #tpu.memory_space<hbm>>
      tpu.enqueue_indirect_dma source(%dma_start3A_16 : memref<10240x128xf32, #tpu.memory_space<hbm>>) target(%arg10 : memref<80x128xf32, #tpu.memory_space<vmem>>) offsets(%arg8 : memref<80xi32, #tpu.memory_space<vmem>>) semaphore(%arg14 : memref<!tpu.dma_semaphore, #tpu.memory_space<semaphore_mem>>)
      %dma_wait3A = arith.constant 0 : i32
      %dma_wait3A_17 = arith.constant 0 : i32
      %dma_wait3A_18 = tpu.memref_slice %arg2[%dma_wait3A, %dma_wait3A_17] : memref<10240x128xf32, #tpu.memory_space<hbm>> -> memref<10240x128xf32, #tpu.memory_space<hbm>>
      tpu.wait_indirect_dma semaphore(%arg14 : memref<!tpu.dma_semaphore, #tpu.memory_space<semaphore_mem>>) src(%dma_wait3A_18 : memref<10240x128xf32, #tpu.memory_space<hbm>>) dst(%arg10 : memref<80x128xf32, #tpu.memory_space<vmem>>)
      "tpu.region"() ({
        %run_scoped3A = tpu.sem_alloc : memref<!tpu.dma_semaphore, #tpu.memory_space<semaphore_mem>>
        %dma_start3A_19 = arith.constant 0 : i32
        %dma_start3A_20 = arith.constant 0 : i32
        %dma_start3A_21 = tpu.memref_slice %arg7[%dma_start3A_19, %dma_start3A_20] : memref<10240x128xf32, #tpu.memory_space<vmem_shared>> -> memref<10240x128xf32, #tpu.memory_space<vmem_shared>>
        tpu.enqueue_indirect_dma source(%arg10 : memref<80x128xf32, #tpu.memory_space<vmem>>) target(%dma_start3A_21 : memref<10240x128xf32, #tpu.memory_space<vmem_shared>>) offsets(%arg9 : memref<80xi32, #tpu.memory_space<vmem>>) semaphore(%run_scoped3A : memref<!tpu.dma_semaphore, #tpu.memory_space<semaphore_mem>>) {add = true}
        %dma_wait3A_22 = arith.constant 0 : i32
        %dma_wait3A_23 = arith.constant 0 : i32
        %dma_wait3A_24 = tpu.memref_slice %arg7[%dma_wait3A_22, %dma_wait3A_23] : memref<10240x128xf32, #tpu.memory_space<vmem_shared>> -> memref<10240x128xf32, #tpu.memory_space<vmem_shared>>
        tpu.wait_indirect_dma semaphore(%run_scoped3A : memref<!tpu.dma_semaphore, #tpu.memory_space<semaphore_mem>>) src(%arg10 : memref<80x128xf32, #tpu.memory_space<vmem>>) dst(%dma_wait3A_24 : memref<10240x128xf32, #tpu.memory_space<vmem_shared>>)
        tpu.yield
      }) : () -> ()
    }
    %scan3A_9 = arith.constant 125 : i32
    %barrier3A_10 = arith.constant 0 : index
    tpu.barrier barrier_id(%barrier3A_10)
    "tpu.region"() ({
      %run_scoped3A = tpu.sem_alloc : memref<!tpu.dma_semaphore, #tpu.memory_space<semaphore_mem>>
      %dma_start3A = arith.constant 0 : i32
      %dma_start3A_11 = tpu.memref_slice %arg6[%arg0, %mul3A_0, %dma_start3A] : memref<2x10240x128xf32, #tpu.memory_space<hbm>> -> memref<1x640x128xf32, #tpu.memory_space<hbm>>
      %dma_start3A_12 = tpu.memref_squeeze %dma_start3A_11 : memref<1x640x128xf32, #tpu.memory_space<hbm>> -> memref<640x128xf32, #tpu.memory_space<hbm>>
      %dma_start3A_13 = arith.constant 0 : i32
      %dma_start3A_14 = tpu.memref_slice %arg7[%mul3A_0, %dma_start3A_13] : memref<10240x128xf32, #tpu.memory_space<vmem_shared>> -> memref<640x128xf32, #tpu.memory_space<vmem_shared>>
      tpu.enqueue_dma source(%dma_start3A_14 : memref<640x128xf32, #tpu.memory_space<vmem_shared>>) target(%dma_start3A_12 : memref<640x128xf32, #tpu.memory_space<hbm>>) target_semaphore(%run_scoped3A : memref<!tpu.dma_semaphore, #tpu.memory_space<semaphore_mem>>)
      %dma_wait3A = arith.constant 0 : i32
      %dma_wait3A_15 = tpu.memref_slice %arg6[%arg0, %mul3A_0, %dma_wait3A] : memref<2x10240x128xf32, #tpu.memory_space<hbm>> -> memref<1x640x128xf32, #tpu.memory_space<hbm>>
      %dma_wait3A_16 = tpu.memref_squeeze %dma_wait3A_15 : memref<1x640x128xf32, #tpu.memory_space<hbm>> -> memref<640x128xf32, #tpu.memory_space<hbm>>
      %dma_wait3A_17 = arith.constant 0 : i32
      %dma_wait3A_18 = tpu.memref_slice %arg7[%mul3A_0, %dma_wait3A_17] : memref<10240x128xf32, #tpu.memory_space<vmem_shared>> -> memref<640x128xf32, #tpu.memory_space<vmem_shared>>
      tpu.wait_dma2 semaphore(%run_scoped3A : memref<!tpu.dma_semaphore, #tpu.memory_space<semaphore_mem>>) src(%dma_wait3A_18 : memref<640x128xf32, #tpu.memory_space<vmem_shared>>) dst(%dma_wait3A_16 : memref<640x128xf32, #tpu.memory_space<hbm>>)
      tpu.yield
    }) : () -> ()
    return
  }
}

module attributes {stable_mosaic.version = 14 : i64} {
  func.func @_mid_body(%arg0: i32, %arg1: memref<2x1024x128xf32, #tpu.memory_space<vmem>>, %arg2: memref<2x1024x128xf32, #tpu.memory_space<vmem>>, %arg3: memref<128x128xf32, #tpu.memory_space<vmem>>, %arg4: memref<1x128xf32, #tpu.memory_space<vmem>>, %arg5: memref<128x128xf32, #tpu.memory_space<vmem>>, %arg6: memref<1x128xf32, #tpu.memory_space<vmem>>, %arg7: memref<1024x128xf32, #tpu.memory_space<vmem>>, %arg8: memref<1024x128xf32, #tpu.memory_space<vmem>>, %arg9: memref<1024x128xf32, #tpu.memory_space<vmem>>) attributes {dimension_semantics = [#tpu.dimension_semantics<arbitrary>], iteration_bounds = array<i64: 10>, scalar_prefetch = 0 : i64, scratch_operands = 0 : i64, tpu.core_type = #tpu.core_type<tc>, window_params = [{transform_indices = @transform_0, window_bounds = array<i64: 2, 1024, 128>}, {transform_indices = @transform_1, window_bounds = array<i64: 2, 1024, 128>}, {pipeline_mode = #tpu.pipeline_mode<synchronous>, transform_indices = @transform_2, window_bounds = array<i64: 128, 128>}, {pipeline_mode = #tpu.pipeline_mode<synchronous>, transform_indices = @transform_3, window_bounds = array<i64: 1, 128>}, {pipeline_mode = #tpu.pipeline_mode<synchronous>, transform_indices = @transform_4, window_bounds = array<i64: 128, 128>}, {pipeline_mode = #tpu.pipeline_mode<synchronous>, transform_indices = @transform_5, window_bounds = array<i64: 1, 128>}, {transform_indices = @transform_6, window_bounds = array<i64: 1024, 128>}, {transform_indices = @transform_7, window_bounds = array<i64: 1024, 128>}, {transform_indices = @transform_8, window_bounds = array<i64: 1024, 128>}]} {
    %get3A = arith.constant 0 : index
    %get3A_0 = arith.constant 0 : index
    %get3A_1 = arith.constant 0 : index
    %get3A_2 = vector.load %arg2[%get3A, %get3A_0, %get3A_1] : memref<2x1024x128xf32, #tpu.memory_space<vmem>>, vector<1x1024x1xf32>
    %get3A_3 = vector.shape_cast %get3A_2 : vector<1x1024x1xf32> to vector<1024x1xf32>
    %get3A_4 = arith.constant 1 : index
    %get3A_5 = arith.constant 0 : index
    %get3A_6 = arith.constant 0 : index
    %get3A_7 = vector.load %arg2[%get3A_4, %get3A_5, %get3A_6] : memref<2x1024x128xf32, #tpu.memory_space<vmem>>, vector<1x1024x1xf32>
    %get3A_8 = vector.shape_cast %get3A_7 : vector<1x1024x1xf32> to vector<1024x1xf32>
    %add3A = arith.addf %get3A_3, %get3A_8 : vector<1024x1xf32>
    %max3A = arith.constant 1.000000e+00 : f32
    %max3A_9 = vector.broadcast %max3A : f32 to vector<1024x1xf32>
    %max3A_10 = arith.maximumf %add3A, %max3A_9 : vector<1024x1xf32>
    %div3A = arith.constant 1.000000e+00 : f32
    %div3A_11 = vector.broadcast %div3A : f32 to vector<1024x1xf32>
    %div3A_12 = arith.divf %div3A_11, %max3A_10 : vector<1024x1xf32>
    %get3A_13 = arith.constant 0 : index
    %get3A_14 = arith.constant 0 : index
    %get3A_15 = arith.constant 0 : index
    %get3A_16 = vector.load %arg1[%get3A_13, %get3A_14, %get3A_15] : memref<2x1024x128xf32, #tpu.memory_space<vmem>>, vector<1x1024x128xf32>
    %get3A_17 = vector.shape_cast %get3A_16 : vector<1x1024x128xf32> to vector<1024x128xf32>
    %get3A_18 = arith.constant 1 : index
    %get3A_19 = arith.constant 0 : index
    %get3A_20 = arith.constant 0 : index
    %get3A_21 = vector.load %arg1[%get3A_18, %get3A_19, %get3A_20] : memref<2x1024x128xf32, #tpu.memory_space<vmem>>, vector<1x1024x128xf32>
    %get3A_22 = vector.shape_cast %get3A_21 : vector<1x1024x128xf32> to vector<1024x128xf32>
    %add3A_23 = arith.addf %get3A_17, %get3A_22 : vector<1024x128xf32>
    %mul3A = vector.broadcast %div3A_12 : vector<1024x1xf32> to vector<1024x128xf32>
    %mul3A_24 = arith.mulf %add3A_23, %mul3A : vector<1024x128xf32>
    %swap3A = arith.constant 0 : index
    %swap3A_25 = arith.constant 0 : index
    %swap3A_26 = vector.load %arg7[%swap3A, %swap3A_25] : memref<1024x128xf32, #tpu.memory_space<vmem>>, vector<1024x128xf32>
    tpu.vector_store %arg7[%swap3A, %swap3A_25], %mul3A_24 {strides = array<i32>} : memref<1024x128xf32, #tpu.memory_space<vmem>>, vector<1024x128xf32>,
    %get3A_27 = arith.constant 0 : index
    %get3A_28 = arith.constant 0 : index
    %get3A_29 = vector.load %arg3[%get3A_27, %get3A_28] : memref<128x128xf32, #tpu.memory_space<vmem>>, vector<128x128xf32>
    %dot_general3A = arith.constant dense<0.000000e+00> : vector<1024x128xf32>
    %dot_general3A_30 = tpu.matmul %mul3A_24, %get3A_29, %dot_general3A {dimension_numbers = #tpu.dot_dimension_numbers<[1], [0], [0], [1], [0, 0, 1, 1], [], []>, precision = #tpu.contract_precision<fp32>, transpose_lhs_hint = false} : vector<1024x128xf32>, vector<128x128xf32>, vector<1024x128xf32> -> vector<1024x128xf32>
    %get3A_31 = arith.constant 0 : index
    %get3A_32 = arith.constant 0 : index
    %get3A_33 = vector.load %arg4[%get3A_31, %get3A_32] : memref<1x128xf32, #tpu.memory_space<vmem>>, vector<1x128xf32>
    %add3A_34 = vector.broadcast %get3A_33 : vector<1x128xf32> to vector<1024x128xf32>
    %add3A_35 = arith.addf %dot_general3A_30, %add3A_34 : vector<1024x128xf32>
    %max3A_36 = arith.constant 0.000000e+00 : f32
    %max3A_37 = vector.broadcast %max3A_36 : f32 to vector<1024x128xf32>
    %max3A_38 = arith.maximumf %add3A_35, %max3A_37 : vector<1024x128xf32>
    %swap3A_39 = arith.constant 0 : index
    %swap3A_40 = arith.constant 0 : index
    %swap3A_41 = vector.load %arg8[%swap3A_39, %swap3A_40] : memref<1024x128xf32, #tpu.memory_space<vmem>>, vector<1024x128xf32>
    tpu.vector_store %arg8[%swap3A_39, %swap3A_40], %max3A_38 {strides = array<i32>} : memref<1024x128xf32, #tpu.memory_space<vmem>>, vector<1024x128xf32>,
    %get3A_42 = arith.constant 0 : index
    %get3A_43 = arith.constant 0 : index
    %get3A_44 = vector.load %arg5[%get3A_42, %get3A_43] : memref<128x128xf32, #tpu.memory_space<vmem>>, vector<128x128xf32>
    %dot_general3A_45 = arith.constant dense<0.000000e+00> : vector<1024x128xf32>
    %dot_general3A_46 = tpu.matmul %mul3A_24, %get3A_44, %dot_general3A_45 {dimension_numbers = #tpu.dot_dimension_numbers<[1], [0], [0], [1], [0, 0, 1, 1], [], []>, precision = #tpu.contract_precision<fp32>, transpose_lhs_hint = false} : vector<1024x128xf32>, vector<128x128xf32>, vector<1024x128xf32> -> vector<1024x128xf32>
    %get3A_47 = arith.constant 0 : index
    %get3A_48 = arith.constant 0 : index
    %get3A_49 = vector.load %arg6[%get3A_47, %get3A_48] : memref<1x128xf32, #tpu.memory_space<vmem>>, vector<1x128xf32>
    %add3A_50 = vector.broadcast %get3A_49 : vector<1x128xf32> to vector<1024x128xf32>
    %add3A_51 = arith.addf %dot_general3A_46, %add3A_50 : vector<1024x128xf32>
    %max3A_52 = arith.constant 0.000000e+00 : f32
    %max3A_53 = vector.broadcast %max3A_52 : f32 to vector<1024x128xf32>
    %max3A_54 = arith.maximumf %add3A_51, %max3A_53 : vector<1024x128xf32>
    %swap3A_55 = arith.constant 0 : index
    %swap3A_56 = arith.constant 0 : index
    %swap3A_57 = vector.load %arg9[%swap3A_55, %swap3A_56] : memref<1024x128xf32, #tpu.memory_space<vmem>>, vector<1024x128xf32>
    tpu.vector_store %arg9[%swap3A_55, %swap3A_56], %max3A_54 {strides = array<i32>} : memref<1024x128xf32, #tpu.memory_space<vmem>>, vector<1024x128xf32>,
    return
  }
  func.func @transform_0(%arg0: i32) -> (i32, i32, i32) {
    %c0_i32 = arith.constant 0 : i32
    %c0_i32_0 = arith.constant 0 : i32
    %c0_i32_1 = arith.constant 0 : i32
    return %c0_i32, %arg0, %c0_i32_0 : i32, i32, i32
  }
  func.func @transform_1(%arg0: i32) -> (i32, i32, i32) {
    %c0_i32 = arith.constant 0 : i32
    %c0_i32_0 = arith.constant 0 : i32
    %c0_i32_1 = arith.constant 0 : i32
    return %c0_i32, %arg0, %c0_i32_0 : i32, i32, i32
  }
  func.func @transform_2(%arg0: i32) -> (i32, i32) {
    %c0_i32 = arith.constant 0 : i32
    %c0_i32_0 = arith.constant 0 : i32
    %c0_i32_1 = arith.constant 0 : i32
    return %c0_i32, %c0_i32_0 : i32, i32
  }
  func.func @transform_3(%arg0: i32) -> (i32, i32) {
    %c0_i32 = arith.constant 0 : i32
    %c0_i32_0 = arith.constant 0 : i32
    %c0_i32_1 = arith.constant 0 : i32
    return %c0_i32, %c0_i32_0 : i32, i32
  }
  func.func @transform_4(%arg0: i32) -> (i32, i32) {
    %c0_i32 = arith.constant 0 : i32
    %c0_i32_0 = arith.constant 0 : i32
    %c0_i32_1 = arith.constant 0 : i32
    return %c0_i32, %c0_i32_0 : i32, i32
  }
  func.func @transform_5(%arg0: i32) -> (i32, i32) {
    %c0_i32 = arith.constant 0 : i32
    %c0_i32_0 = arith.constant 0 : i32
    %c0_i32_1 = arith.constant 0 : i32
    return %c0_i32, %c0_i32_0 : i32, i32
  }
  func.func @transform_6(%arg0: i32) -> (i32, i32) {
    %c0_i32 = arith.constant 0 : i32
    %c0_i32_0 = arith.constant 0 : i32
    return %arg0, %c0_i32 : i32, i32
  }
  func.func @transform_7(%arg0: i32) -> (i32, i32) {
    %c0_i32 = arith.constant 0 : i32
    %c0_i32_0 = arith.constant 0 : i32
    return %arg0, %c0_i32 : i32, i32
  }
  func.func @transform_8(%arg0: i32) -> (i32, i32) {
    %c0_i32 = arith.constant 0 : i32
    %c0_i32_0 = arith.constant 0 : i32
    return %arg0, %c0_i32 : i32, i32
  }
}

module attributes {stable_mosaic.version = 14 : i64} {
  func.func @_a2_body(%arg0: i32, %arg1: memref<2x1024x128xf32, #tpu.memory_space<vmem>>, %arg2: memref<2x1024x128xf32, #tpu.memory_space<vmem>>, %arg3: memref<1024x128xf32, #tpu.memory_space<vmem>>) attributes {dimension_semantics = [#tpu.dimension_semantics<arbitrary>], iteration_bounds = array<i64: 10>, scalar_prefetch = 0 : i64, scratch_operands = 0 : i64, tpu.core_type = #tpu.core_type<tc>, window_params = [{transform_indices = @transform_0, window_bounds = array<i64: 2, 1024, 128>}, {transform_indices = @transform_1, window_bounds = array<i64: 2, 1024, 128>}, {transform_indices = @transform_2, window_bounds = array<i64: 1024, 128>}]} {
    %get3A = arith.constant 0 : index
    %get3A_0 = arith.constant 0 : index
    %get3A_1 = arith.constant 0 : index
    %get3A_2 = vector.load %arg2[%get3A, %get3A_0, %get3A_1] : memref<2x1024x128xf32, #tpu.memory_space<vmem>>, vector<1x1024x1xf32>
    %get3A_3 = vector.shape_cast %get3A_2 : vector<1x1024x1xf32> to vector<1024x1xf32>
    %get3A_4 = arith.constant 1 : index
    %get3A_5 = arith.constant 0 : index
    %get3A_6 = arith.constant 0 : index
    %get3A_7 = vector.load %arg2[%get3A_4, %get3A_5, %get3A_6] : memref<2x1024x128xf32, #tpu.memory_space<vmem>>, vector<1x1024x1xf32>
    %get3A_8 = vector.shape_cast %get3A_7 : vector<1x1024x1xf32> to vector<1024x1xf32>
    %add3A = arith.addf %get3A_3, %get3A_8 : vector<1024x1xf32>
    %max3A = arith.constant 1.000000e+00 : f32
    %max3A_9 = vector.broadcast %max3A : f32 to vector<1024x1xf32>
    %max3A_10 = arith.maximumf %add3A, %max3A_9 : vector<1024x1xf32>
    %div3A = arith.constant 1.000000e+00 : f32
    %div3A_11 = vector.broadcast %div3A : f32 to vector<1024x1xf32>
    %div3A_12 = arith.divf %div3A_11, %max3A_10 : vector<1024x1xf32>
    %get3A_13 = arith.constant 0 : index
    %get3A_14 = arith.constant 0 : index
    %get3A_15 = arith.constant 0 : index
    %get3A_16 = vector.load %arg1[%get3A_13, %get3A_14, %get3A_15] : memref<2x1024x128xf32, #tpu.memory_space<vmem>>, vector<1x1024x128xf32>
    %get3A_17 = vector.shape_cast %get3A_16 : vector<1x1024x128xf32> to vector<1024x128xf32>
    %get3A_18 = arith.constant 1 : index
    %get3A_19 = arith.constant 0 : index
    %get3A_20 = arith.constant 0 : index
    %get3A_21 = vector.load %arg1[%get3A_18, %get3A_19, %get3A_20] : memref<2x1024x128xf32, #tpu.memory_space<vmem>>, vector<1x1024x128xf32>
    %get3A_22 = vector.shape_cast %get3A_21 : vector<1x1024x128xf32> to vector<1024x128xf32>
    %add3A_23 = arith.addf %get3A_17, %get3A_22 : vector<1024x128xf32>
    %mul3A = vector.broadcast %div3A_12 : vector<1024x1xf32> to vector<1024x128xf32>
    %mul3A_24 = arith.mulf %add3A_23, %mul3A : vector<1024x128xf32>
    %swap3A = arith.constant 0 : index
    %swap3A_25 = arith.constant 0 : index
    %swap3A_26 = vector.load %arg3[%swap3A, %swap3A_25] : memref<1024x128xf32, #tpu.memory_space<vmem>>, vector<1024x128xf32>
    tpu.vector_store %arg3[%swap3A, %swap3A_25], %mul3A_24 {strides = array<i32>} : memref<1024x128xf32, #tpu.memory_space<vmem>>, vector<1024x128xf32>,
    return
  }
  func.func @transform_0(%arg0: i32) -> (i32, i32, i32) {
    %c0_i32 = arith.constant 0 : i32
    %c0_i32_0 = arith.constant 0 : i32
    %c0_i32_1 = arith.constant 0 : i32
    return %c0_i32, %arg0, %c0_i32_0 : i32, i32, i32
  }
  func.func @transform_1(%arg0: i32) -> (i32, i32, i32) {
    %c0_i32 = arith.constant 0 : i32
    %c0_i32_0 = arith.constant 0 : i32
    %c0_i32_1 = arith.constant 0 : i32
    return %c0_i32, %arg0, %c0_i32_0 : i32, i32, i32
  }
  func.func @transform_2(%arg0: i32) -> (i32, i32) {
    %c0_i32 = arith.constant 0 : i32
    %c0_i32_0 = arith.constant 0 : i32
    return %arg0, %c0_i32 : i32, i32
  }
}

module attributes {stable_mosaic.version = 14 : i64} {
  func.func @_stats_body(%arg0: i32, %arg1: memref<10240x1xi32, #tpu.memory_space<vmem>>, %arg2: memref<2x10240x128xf32, #tpu.memory_space<vmem>>, %arg3: memref<8x64xf32, #tpu.memory_space<vmem>>) attributes {dimension_semantics = [#tpu.dimension_semantics<arbitrary>], iteration_bounds = array<i64: 1>, scalar_prefetch = 0 : i64, scratch_operands = 0 : i64, tpu.core_type = #tpu.core_type<tc>, window_params = [{pipeline_mode = #tpu.pipeline_mode<synchronous>, transform_indices = @transform_0, window_bounds = array<i64: 10240, 1>}, {pipeline_mode = #tpu.pipeline_mode<synchronous>, transform_indices = @transform_1, window_bounds = array<i64: 2, 10240, 128>}, {pipeline_mode = #tpu.pipeline_mode<synchronous>, transform_indices = @transform_2, window_bounds = array<i64: 8, 64>}]} {
    %iota3A = tpu.iota {dimensions = array<i32: 1>} : vector<10240x64xi32>
    %get3A = arith.constant 0 : index
    %get3A_0 = arith.constant 0 : index
    %get3A_1 = vector.load %arg1[%get3A, %get3A_0] : memref<10240x1xi32, #tpu.memory_space<vmem>>, vector<10240x1xi32>
    %eq3A = vector.broadcast %get3A_1 : vector<10240x1xi32> to vector<10240x64xi32>
    %eq3A_2 = arith.cmpi eq, %eq3A, %iota3A : vector<10240x64xi32>
    %convert_element_type3A = arith.extui %eq3A_2 : vector<10240x64xi1> to vector<10240x64xi32>
    %convert_element_type3A_3 = arith.sitofp %convert_element_type3A : vector<10240x64xi32> to vector<10240x64xf32>
    %get3A_4 = arith.constant 0 : index
    %get3A_5 = arith.constant 0 : index
    %get3A_6 = arith.constant 127 : index
    %get3A_7 = vector.load %arg2[%get3A_4, %get3A_5, %get3A_6] : memref<2x10240x128xf32, #tpu.memory_space<vmem>>, vector<1x10240x1xf32>
    %get3A_8 = vector.shape_cast %get3A_7 : vector<1x10240x1xf32> to vector<10240x1xf32>
    %get3A_9 = arith.constant 1 : index
    %get3A_10 = arith.constant 0 : index
    %get3A_11 = arith.constant 127 : index
    %get3A_12 = vector.load %arg2[%get3A_9, %get3A_10, %get3A_11] : memref<2x10240x128xf32, #tpu.memory_space<vmem>>, vector<1x10240x1xf32>
    %get3A_13 = vector.shape_cast %get3A_12 : vector<1x10240x1xf32> to vector<10240x1xf32>
    %add3A = arith.addf %get3A_8, %get3A_13 : vector<10240x1xf32>
    %reduce_sum3A = arith.constant dense<0.000000e+00> : vector<64xf32>
    %reduce_sum3A_14 = vector.multi_reduction <add>, %convert_element_type3A_3, %reduce_sum3A [0] : vector<10240x64xf32> to vector<64xf32>
    %broadcast_in_dim3A = vector.shape_cast %reduce_sum3A_14 : vector<64xf32> to vector<1x64xf32>
    %mul3A = vector.broadcast %add3A : vector<10240x1xf32> to vector<10240x64xf32>
    %mul3A_15 = arith.mulf %convert_element_type3A_3, %mul3A : vector<10240x64xf32>
    %reduce_sum3A_16 = arith.constant dense<0.000000e+00> : vector<64xf32>
    %reduce_sum3A_17 = vector.multi_reduction <add>, %mul3A_15, %reduce_sum3A_16 [0] : vector<10240x64xf32> to vector<64xf32>
    %broadcast_in_dim3A_18 = vector.shape_cast %reduce_sum3A_17 : vector<64xf32> to vector<1x64xf32>
    %mul3A_19 = arith.mulf %broadcast_in_dim3A, %broadcast_in_dim3A : vector<1x64xf32>
    %add3A_20 = arith.constant 9.99999997E-7 : f32
    %add3A_21 = vector.broadcast %add3A_20 : f32 to vector<1x64xf32>
    %add3A_22 = arith.addf %mul3A_19, %add3A_21 : vector<1x64xf32>
    %div3A = arith.divf %broadcast_in_dim3A_18, %add3A_22 : vector<1x64xf32>
    %log1p3A = math.log1p %broadcast_in_dim3A : vector<1x64xf32>
    %log1p3A_23 = math.log1p %broadcast_in_dim3A_18 : vector<1x64xf32>
    %log3A = arith.constant 1.000000e+04 : f32
    %log3A_24 = math.log %log3A : f32
    %div3A_25 = vector.broadcast %log3A_24 : f32 to vector<1x64xf32>
    %div3A_26 = arith.divf %log1p3A, %div3A_25 : vector<1x64xf32>
    %broadcast_in_dim3A_27 = arith.constant 0.000000e+00 : f32
    %broadcast_in_dim3A_28 = vector.broadcast %broadcast_in_dim3A_27 : f32 to vector<1x64xf32>
    %concatenate3A = tpu.concatenate %log1p3A, %log1p3A_23, %div3A, %div3A_26, %broadcast_in_dim3A_28, %broadcast_in_dim3A_28, %broadcast_in_dim3A_28, %broadcast_in_dim3A_28 in 0 : vector<1x64xf32>, vector<1x64xf32>, vector<1x64xf32>, vector<1x64xf32>, vector<1x64xf32>, vector<1x64xf32>, vector<1x64xf32>, vector<1x64xf32> -> vector<8x64xf32>
    %swap3A = arith.constant 0 : index
    %swap3A_29 = arith.constant 0 : index
    %swap3A_30 = vector.load %arg3[%swap3A, %swap3A_29] : memref<8x64xf32, #tpu.memory_space<vmem>>, vector<8x64xf32>
    tpu.vector_store %arg3[%swap3A, %swap3A_29], %concatenate3A {strides = array<i32>} : memref<8x64xf32, #tpu.memory_space<vmem>>, vector<8x64xf32>,
    return
  }
  func.func @transform_0(%arg0: i32) -> (i32, i32) {
    %c0_i32 = arith.constant 0 : i32
    %c0_i32_0 = arith.constant 0 : i32
    %c0_i32_1 = arith.constant 0 : i32
    return %c0_i32, %c0_i32_0 : i32, i32
  }
  func.func @transform_1(%arg0: i32) -> (i32, i32, i32) {
    %c0_i32 = arith.constant 0 : i32
    %c0_i32_0 = arith.constant 0 : i32
    %c0_i32_1 = arith.constant 0 : i32
    %c0_i32_2 = arith.constant 0 : i32
    return %c0_i32, %c0_i32_0, %c0_i32_1 : i32, i32, i32
  }
  func.func @transform_2(%arg0: i32) -> (i32, i32) {
    %c0_i32 = arith.constant 0 : i32
    %c0_i32_0 = arith.constant 0 : i32
    %c0_i32_1 = arith.constant 0 : i32
    return %c0_i32, %c0_i32_0 : i32, i32
  }
}

module attributes {stable_mosaic.version = 14 : i64} {
  func.func @_out_body(%arg0: i32, %arg1: memref<1024x128xf32, #tpu.memory_space<vmem>>, %arg2: memref<1024x128xf32, #tpu.memory_space<vmem>>, %arg3: memref<1024x128xf32, #tpu.memory_space<vmem>>, %arg4: memref<2x1024x128xf32, #tpu.memory_space<vmem>>, %arg5: memref<2x1024x128xf32, #tpu.memory_space<vmem>>, %arg6: memref<2x1024x128xf32, #tpu.memory_space<vmem>>, %arg7: memref<2x1024x128xf32, #tpu.memory_space<vmem>>, %arg8: memref<1024x8xf32, #tpu.memory_space<vmem>>, %arg9: memref<128x128xf32, #tpu.memory_space<vmem>>, %arg10: memref<1x128xf32, #tpu.memory_space<vmem>>, %arg11: memref<128x128xf32, #tpu.memory_space<vmem>>, %arg12: memref<1x128xf32, #tpu.memory_space<vmem>>, %arg13: memref<256x128xf32, #tpu.memory_space<vmem>>, %arg14: memref<1x128xf32, #tpu.memory_space<vmem>>, %arg15: memref<384x128xf32, #tpu.memory_space<vmem>>, %arg16: memref<1x128xf32, #tpu.memory_space<vmem>>, %arg17: memref<512x128xf32, #tpu.memory_space<vmem>>, %arg18: memref<1x128xf32, #tpu.memory_space<vmem>>, %arg19: memref<128x128xf32, #tpu.memory_space<vmem>>, %arg20: memref<1x128xf32, #tpu.memory_space<vmem>>, %arg21: memref<128x128xf32, #tpu.memory_space<vmem>>, %arg22: memref<1x128xf32, #tpu.memory_space<vmem>>, %arg23: memref<1024x128xf32, #tpu.memory_space<vmem>>) attributes {dimension_semantics = [#tpu.dimension_semantics<arbitrary>], iteration_bounds = array<i64: 10>, scalar_prefetch = 0 : i64, scratch_operands = 0 : i64, tpu.core_type = #tpu.core_type<tc>, window_params = [{transform_indices = @transform_0, window_bounds = array<i64: 1024, 128>}, {transform_indices = @transform_1, window_bounds = array<i64: 1024, 128>}, {transform_indices = @transform_2, window_bounds = array<i64: 1024, 128>}, {transform_indices = @transform_3, window_bounds = array<i64: 2, 1024, 128>}, {transform_indices = @transform_4, window_bounds = array<i64: 2, 1024, 128>}, {transform_indices = @transform_5, window_bounds = array<i64: 2, 1024, 128>}, {transform_indices = @transform_6, window_bounds = array<i64: 2, 1024, 128>}, {transform_indices = @transform_7, window_bounds = array<i64: 1024, 8>}, {pipeline_mode = #tpu.pipeline_mode<synchronous>, transform_indices = @transform_8, window_bounds = array<i64: 128, 128>}, {pipeline_mode = #tpu.pipeline_mode<synchronous>, transform_indices = @transform_9, window_bounds = array<i64: 1, 128>}, {pipeline_mode = #tpu.pipeline_mode<synchronous>, transform_indices = @transform_10, window_bounds = array<i64: 128, 128>}, {pipeline_mode = #tpu.pipeline_mode<synchronous>, transform_indices = @transform_11, window_bounds = array<i64: 1, 128>}, {pipeline_mode = #tpu.pipeline_mode<synchronous>, transform_indices = @transform_12, window_bounds = array<i64: 256, 128>}, {pipeline_mode = #tpu.pipeline_mode<synchronous>, transform_indices = @transform_13, window_bounds = array<i64: 1, 128>}, {pipeline_mode = #tpu.pipeline_mode<synchronous>, transform_indices = @transform_14, window_bounds = array<i64: 384, 128>}, {pipeline_mode = #tpu.pipeline_mode<synchronous>, transform_indices = @transform_15, window_bounds = array<i64: 1, 128>}, {pipeline_mode = #tpu.pipeline_mode<synchronous>, transform_indices = @transform_16, window_bounds = array<i64: 512, 128>}, {pipeline_mode = #tpu.pipeline_mode<synchronous>, transform_indices = @transform_17, window_bounds = array<i64: 1, 128>}, {pipeline_mode = #tpu.pipeline_mode<synchronous>, transform_indices = @transform_18, window_bounds = array<i64: 128, 128>}, {pipeline_mode = #tpu.pipeline_mode<synchronous>, transform_indices = @transform_19, window_bounds = array<i64: 1, 128>}, {pipeline_mode = #tpu.pipeline_mode<synchronous>, transform_indices = @transform_20, window_bounds = array<i64: 128, 128>}, {pipeline_mode = #tpu.pipeline_mode<synchronous>, transform_indices = @transform_21, window_bounds = array<i64: 1, 128>}, {transform_indices = @transform_22, window_bounds = array<i64: 1024, 128>}]} {
    %get3A = arith.constant 0 : index
    %get3A_0 = arith.constant 0 : index
    %get3A_1 = vector.load %arg1[%get3A, %get3A_0] : memref<1024x128xf32, #tpu.memory_space<vmem>>, vector<1024x128xf32>
    %get3A_2 = arith.constant 0 : index
    %get3A_3 = arith.constant 0 : index
    %get3A_4 = vector.load %arg2[%get3A_2, %get3A_3] : memref<1024x128xf32, #tpu.memory_space<vmem>>, vector<1024x128xf32>
    %get3A_5 = arith.constant 0 : index
    %get3A_6 = arith.constant 0 : index
    %get3A_7 = vector.load %arg3[%get3A_5, %get3A_6] : memref<1024x128xf32, #tpu.memory_space<vmem>>, vector<1024x128xf32>
    %get3A_8 = arith.constant 0 : index
    %get3A_9 = arith.constant 0 : index
    %get3A_10 = arith.constant 0 : index
    %get3A_11 = vector.load %arg7[%get3A_8, %get3A_9, %get3A_10] : memref<2x1024x128xf32, #tpu.memory_space<vmem>>, vector<1x1024x1xf32>
    %get3A_12 = vector.shape_cast %get3A_11 : vector<1x1024x1xf32> to vector<1024x1xf32>
    %get3A_13 = arith.constant 1 : index
    %get3A_14 = arith.constant 0 : index
    %get3A_15 = arith.constant 0 : index
    %get3A_16 = vector.load %arg7[%get3A_13, %get3A_14, %get3A_15] : memref<2x1024x128xf32, #tpu.memory_space<vmem>>, vector<1x1024x1xf32>
    %get3A_17 = vector.shape_cast %get3A_16 : vector<1x1024x1xf32> to vector<1024x1xf32>
    %add3A = arith.addf %get3A_12, %get3A_17 : vector<1024x1xf32>
    %max3A = arith.constant 1.000000e+00 : f32
    %max3A_18 = vector.broadcast %max3A : f32 to vector<1024x1xf32>
    %max3A_19 = arith.maximumf %add3A, %max3A_18 : vector<1024x1xf32>
    %div3A = arith.constant 1.000000e+00 : f32
    %div3A_20 = vector.broadcast %div3A : f32 to vector<1024x1xf32>
    %div3A_21 = arith.divf %div3A_20, %max3A_19 : vector<1024x1xf32>
    %get3A_22 = arith.constant 0 : index
    %get3A_23 = arith.constant 0 : index
    %get3A_24 = arith.constant 0 : index
    %get3A_25 = vector.load %arg4[%get3A_22, %get3A_23, %get3A_24] : memref<2x1024x128xf32, #tpu.memory_space<vmem>>, vector<1x1024x128xf32>
    %get3A_26 = vector.shape_cast %get3A_25 : vector<1x1024x128xf32> to vector<1024x128xf32>
    %get3A_27 = arith.constant 1 : index
    %get3A_28 = arith.constant 0 : index
    %get3A_29 = arith.constant 0 : index
    %get3A_30 = vector.load %arg4[%get3A_27, %get3A_28, %get3A_29] : memref<2x1024x128xf32, #tpu.memory_space<vmem>>, vector<1x1024x128xf32>
    %get3A_31 = vector.shape_cast %get3A_30 : vector<1x1024x128xf32> to vector<1024x128xf32>
    %add3A_32 = arith.addf %get3A_26, %get3A_31 : vector<1024x128xf32>
    %mul3A = vector.broadcast %div3A_21 : vector<1024x1xf32> to vector<1024x128xf32>
    %mul3A_33 = arith.mulf %add3A_32, %mul3A : vector<1024x128xf32>
    %get3A_34 = arith.constant 0 : index
    %get3A_35 = arith.constant 0 : index
    %get3A_36 = arith.constant 0 : index
    %get3A_37 = vector.load %arg5[%get3A_34, %get3A_35, %get3A_36] : memref<2x1024x128xf32, #tpu.memory_space<vmem>>, vector<1x1024x128xf32>
    %get3A_38 = vector.shape_cast %get3A_37 : vector<1x1024x128xf32> to vector<1024x128xf32>
    %get3A_39 = arith.constant 1 : index
    %get3A_40 = arith.constant 0 : index
    %get3A_41 = arith.constant 0 : index
    %get3A_42 = vector.load %arg5[%get3A_39, %get3A_40, %get3A_41] : memref<2x1024x128xf32, #tpu.memory_space<vmem>>, vector<1x1024x128xf32>
    %get3A_43 = vector.shape_cast %get3A_42 : vector<1x1024x128xf32> to vector<1024x128xf32>
    %add3A_44 = arith.addf %get3A_38, %get3A_43 : vector<1024x128xf32>
    %mul3A_45 = vector.broadcast %div3A_21 : vector<1024x1xf32> to vector<1024x128xf32>
    %mul3A_46 = arith.mulf %add3A_44, %mul3A_45 : vector<1024x128xf32>
    %get3A_47 = arith.constant 0 : index
    %get3A_48 = arith.constant 0 : index
    %get3A_49 = arith.constant 0 : index
    %get3A_50 = vector.load %arg6[%get3A_47, %get3A_48, %get3A_49] : memref<2x1024x128xf32, #tpu.memory_space<vmem>>, vector<1x1024x128xf32>
    %get3A_51 = vector.shape_cast %get3A_50 : vector<1x1024x128xf32> to vector<1024x128xf32>
    %get3A_52 = arith.constant 1 : index
    %get3A_53 = arith.constant 0 : index
    %get3A_54 = arith.constant 0 : index
    %get3A_55 = vector.load %arg6[%get3A_52, %get3A_53, %get3A_54] : memref<2x1024x128xf32, #tpu.memory_space<vmem>>, vector<1x1024x128xf32>
    %get3A_56 = vector.shape_cast %get3A_55 : vector<1x1024x128xf32> to vector<1024x128xf32>
    %add3A_57 = arith.addf %get3A_51, %get3A_56 : vector<1024x128xf32>
    %mul3A_58 = vector.broadcast %div3A_21 : vector<1024x1xf32> to vector<1024x128xf32>
    %mul3A_59 = arith.mulf %add3A_57, %mul3A_58 : vector<1024x128xf32>
    %get3A_60 = arith.constant 0 : index
    %get3A_61 = arith.constant 0 : index
    %get3A_62 = vector.load %arg9[%get3A_60, %get3A_61] : memref<128x128xf32, #tpu.memory_space<vmem>>, vector<128x128xf32>
    %dot_general3A = arith.constant dense<0.000000e+00> : vector<1024x128xf32>
    %dot_general3A_63 = tpu.matmul %mul3A_33, %get3A_62, %dot_general3A {dimension_numbers = #tpu.dot_dimension_numbers<[1], [0], [0], [1], [0, 0, 1, 1], [], []>, precision = #tpu.contract_precision<fp32>, transpose_lhs_hint = false} : vector<1024x128xf32>, vector<128x128xf32>, vector<1024x128xf32> -> vector<1024x128xf32>
    %get3A_64 = arith.constant 0 : index
    %get3A_65 = arith.constant 0 : index
    %get3A_66 = vector.load %arg10[%get3A_64, %get3A_65] : memref<1x128xf32, #tpu.memory_space<vmem>>, vector<1x128xf32>
    %add3A_67 = vector.broadcast %get3A_66 : vector<1x128xf32> to vector<1024x128xf32>
    %add3A_68 = arith.addf %dot_general3A_63, %add3A_67 : vector<1024x128xf32>
    %get3A_69 = arith.constant 0 : index
    %get3A_70 = arith.constant 0 : index
    %get3A_71 = vector.load %arg11[%get3A_69, %get3A_70] : memref<128x128xf32, #tpu.memory_space<vmem>>, vector<128x128xf32>
    %dot_general3A_72 = arith.constant dense<0.000000e+00> : vector<1024x128xf32>
    %dot_general3A_73 = tpu.matmul %mul3A_46, %get3A_71, %dot_general3A_72 {dimension_numbers = #tpu.dot_dimension_numbers<[1], [0], [0], [1], [0, 0, 1, 1], [], []>, precision = #tpu.contract_precision<fp32>, transpose_lhs_hint = false} : vector<1024x128xf32>, vector<128x128xf32>, vector<1024x128xf32> -> vector<1024x128xf32>
    %get3A_74 = arith.constant 0 : index
    %get3A_75 = arith.constant 0 : index
    %get3A_76 = vector.load %arg12[%get3A_74, %get3A_75] : memref<1x128xf32, #tpu.memory_space<vmem>>, vector<1x128xf32>
    %add3A_77 = vector.broadcast %get3A_76 : vector<1x128xf32> to vector<1024x128xf32>
    %add3A_78 = arith.addf %dot_general3A_73, %add3A_77 : vector<1024x128xf32>
    %get3A_79 = arith.constant 0 : index
    %get3A_80 = arith.constant 0 : index
    %get3A_81 = vector.load %arg13[%get3A_79, %get3A_80] : memref<256x128xf32, #tpu.memory_space<vmem>>, vector<128x128xf32>
    %dot_general3A_82 = arith.constant dense<0.000000e+00> : vector<1024x128xf32>
    %dot_general3A_83 = tpu.matmul %get3A_1, %get3A_81, %dot_general3A_82 {dimension_numbers = #tpu.dot_dimension_numbers<[1], [0], [0], [1], [0, 0, 1, 1], [], []>, precision = #tpu.contract_precision<fp32>, transpose_lhs_hint = false} : vector<1024x128xf32>, vector<128x128xf32>, vector<1024x128xf32> -> vector<1024x128xf32>
    %get3A_84 = arith.constant 128 : index
    %get3A_85 = arith.constant 0 : index
    %get3A_86 = vector.load %arg13[%get3A_84, %get3A_85] : memref<256x128xf32, #tpu.memory_space<vmem>>, vector<128x128xf32>
    %dot_general3A_87 = arith.constant dense<0.000000e+00> : vector<1024x128xf32>
    %dot_general3A_88 = tpu.matmul %get3A_4, %get3A_86, %dot_general3A_87 {dimension_numbers = #tpu.dot_dimension_numbers<[1], [0], [0], [1], [0, 0, 1, 1], [], []>, precision = #tpu.contract_precision<fp32>, transpose_lhs_hint = false} : vector<1024x128xf32>, vector<128x128xf32>, vector<1024x128xf32> -> vector<1024x128xf32>
    %add3A_89 = arith.addf %dot_general3A_83, %dot_general3A_88 : vector<1024x128xf32>
    %get3A_90 = arith.constant 0 : index
    %get3A_91 = arith.constant 0 : index
    %get3A_92 = vector.load %arg14[%get3A_90, %get3A_91] : memref<1x128xf32, #tpu.memory_space<vmem>>, vector<1x128xf32>
    %add3A_93 = vector.broadcast %get3A_92 : vector<1x128xf32> to vector<1024x128xf32>
    %add3A_94 = arith.addf %add3A_89, %add3A_93 : vector<1024x128xf32>
    %get3A_95 = arith.constant 0 : index
    %get3A_96 = arith.constant 0 : index
    %get3A_97 = vector.load %arg15[%get3A_95, %get3A_96] : memref<384x128xf32, #tpu.memory_space<vmem>>, vector<128x128xf32>
    %dot_general3A_98 = arith.constant dense<0.000000e+00> : vector<1024x128xf32>
    %dot_general3A_99 = tpu.matmul %get3A_1, %get3A_97, %dot_general3A_98 {dimension_numbers = #tpu.dot_dimension_numbers<[1], [0], [0], [1], [0, 0, 1, 1], [], []>, precision = #tpu.contract_precision<fp32>, transpose_lhs_hint = false} : vector<1024x128xf32>, vector<128x128xf32>, vector<1024x128xf32> -> vector<1024x128xf32>
    %get3A_100 = arith.constant 128 : index
    %get3A_101 = arith.constant 0 : index
    %get3A_102 = vector.load %arg15[%get3A_100, %get3A_101] : memref<384x128xf32, #tpu.memory_space<vmem>>, vector<128x128xf32>
    %dot_general3A_103 = arith.constant dense<0.000000e+00> : vector<1024x128xf32>
    %dot_general3A_104 = tpu.matmul %get3A_4, %get3A_102, %dot_general3A_103 {dimension_numbers = #tpu.dot_dimension_numbers<[1], [0], [0], [1], [0, 0, 1, 1], [], []>, precision = #tpu.contract_precision<fp32>, transpose_lhs_hint = false} : vector<1024x128xf32>, vector<128x128xf32>, vector<1024x128xf32> -> vector<1024x128xf32>
    %add3A_105 = arith.addf %dot_general3A_99, %dot_general3A_104 : vector<1024x128xf32>
    %get3A_106 = arith.constant 256 : index
    %get3A_107 = arith.constant 0 : index
    %get3A_108 = vector.load %arg15[%get3A_106, %get3A_107] : memref<384x128xf32, #tpu.memory_space<vmem>>, vector<128x128xf32>
    %dot_general3A_109 = arith.constant dense<0.000000e+00> : vector<1024x128xf32>
    %dot_general3A_110 = tpu.matmul %get3A_7, %get3A_108, %dot_general3A_109 {dimension_numbers = #tpu.dot_dimension_numbers<[1], [0], [0], [1], [0, 0, 1, 1], [], []>, precision = #tpu.contract_precision<fp32>, transpose_lhs_hint = false} : vector<1024x128xf32>, vector<128x128xf32>, vector<1024x128xf32> -> vector<1024x128xf32>
    %add3A_111 = arith.addf %add3A_105, %dot_general3A_110 : vector<1024x128xf32>
    %get3A_112 = arith.constant 0 : index
    %get3A_113 = arith.constant 0 : index
    %get3A_114 = vector.load %arg16[%get3A_112, %get3A_113] : memref<1x128xf32, #tpu.memory_space<vmem>>, vector<1x128xf32>
    %add3A_115 = vector.broadcast %get3A_114 : vector<1x128xf32> to vector<1024x128xf32>
    %add3A_116 = arith.addf %add3A_111, %add3A_115 : vector<1024x128xf32>
    %get3A_117 = arith.constant 0 : index
    %get3A_118 = arith.constant 0 : index
    %get3A_119 = vector.load %arg17[%get3A_117, %get3A_118] : memref<512x128xf32, #tpu.memory_space<vmem>>, vector<128x128xf32>
    %dot_general3A_120 = arith.constant dense<0.000000e+00> : vector<1024x128xf32>
    %dot_general3A_121 = tpu.matmul %get3A_1, %get3A_119, %dot_general3A_120 {dimension_numbers = #tpu.dot_dimension_numbers<[1], [0], [0], [1], [0, 0, 1, 1], [], []>, precision = #tpu.contract_precision<fp32>, transpose_lhs_hint = false} : vector<1024x128xf32>, vector<128x128xf32>, vector<1024x128xf32> -> vector<1024x128xf32>
    %get3A_122 = arith.constant 128 : index
    %get3A_123 = arith.constant 0 : index
    %get3A_124 = vector.load %arg17[%get3A_122, %get3A_123] : memref<512x128xf32, #tpu.memory_space<vmem>>, vector<128x128xf32>
    %dot_general3A_125 = arith.constant dense<0.000000e+00> : vector<1024x128xf32>
    %dot_general3A_126 = tpu.matmul %get3A_4, %get3A_124, %dot_general3A_125 {dimension_numbers = #tpu.dot_dimension_numbers<[1], [0], [0], [1], [0, 0, 1, 1], [], []>, precision = #tpu.contract_precision<fp32>, transpose_lhs_hint = false} : vector<1024x128xf32>, vector<128x128xf32>, vector<1024x128xf32> -> vector<1024x128xf32>
    %add3A_127 = arith.addf %dot_general3A_121, %dot_general3A_126 : vector<1024x128xf32>
    %get3A_128 = arith.constant 256 : index
    %get3A_129 = arith.constant 0 : index
    %get3A_130 = vector.load %arg17[%get3A_128, %get3A_129] : memref<512x128xf32, #tpu.memory_space<vmem>>, vector<128x128xf32>
    %dot_general3A_131 = arith.constant dense<0.000000e+00> : vector<1024x128xf32>
    %dot_general3A_132 = tpu.matmul %get3A_7, %get3A_130, %dot_general3A_131 {dimension_numbers = #tpu.dot_dimension_numbers<[1], [0], [0], [1], [0, 0, 1, 1], [], []>, precision = #tpu.contract_precision<fp32>, transpose_lhs_hint = false} : vector<1024x128xf32>, vector<128x128xf32>, vector<1024x128xf32> -> vector<1024x128xf32>
    %add3A_133 = arith.addf %add3A_127, %dot_general3A_132 : vector<1024x128xf32>
    %get3A_134 = arith.constant 384 : index
    %get3A_135 = arith.constant 0 : index
    %get3A_136 = vector.load %arg17[%get3A_134, %get3A_135] : memref<512x128xf32, #tpu.memory_space<vmem>>, vector<128x128xf32>
    %dot_general3A_137 = arith.constant dense<0.000000e+00> : vector<1024x128xf32>
    %dot_general3A_138 = tpu.matmul %mul3A_59, %get3A_136, %dot_general3A_137 {dimension_numbers = #tpu.dot_dimension_numbers<[1], [0], [0], [1], [0, 0, 1, 1], [], []>, precision = #tpu.contract_precision<fp32>, transpose_lhs_hint = false} : vector<1024x128xf32>, vector<128x128xf32>, vector<1024x128xf32> -> vector<1024x128xf32>
    %add3A_139 = arith.addf %add3A_133, %dot_general3A_138 : vector<1024x128xf32>
    %get3A_140 = arith.constant 0 : index
    %get3A_141 = arith.constant 0 : index
    %get3A_142 = vector.load %arg18[%get3A_140, %get3A_141] : memref<1x128xf32, #tpu.memory_space<vmem>>, vector<1x128xf32>
    %add3A_143 = vector.broadcast %get3A_142 : vector<1x128xf32> to vector<1024x128xf32>
    %add3A_144 = arith.addf %add3A_139, %add3A_143 : vector<1024x128xf32>
    %get3A_145 = arith.constant 0 : index
    %get3A_146 = arith.constant 0 : index
    %get3A_147 = vector.load %arg19[%get3A_145, %get3A_146] : memref<128x128xf32, #tpu.memory_space<vmem>>, vector<128x128xf32>
    %dot_general3A_148 = arith.constant dense<0.000000e+00> : vector<1024x128xf32>
    %dot_general3A_149 = tpu.matmul %get3A_1, %get3A_147, %dot_general3A_148 {dimension_numbers = #tpu.dot_dimension_numbers<[1], [0], [0], [1], [0, 0, 1, 1], [], []>, precision = #tpu.contract_precision<fp32>, transpose_lhs_hint = false} : vector<1024x128xf32>, vector<128x128xf32>, vector<1024x128xf32> -> vector<1024x128xf32>
    %get3A_150 = arith.constant 0 : index
    %get3A_151 = arith.constant 0 : index
    %get3A_152 = vector.load %arg20[%get3A_150, %get3A_151] : memref<1x128xf32, #tpu.memory_space<vmem>>, vector<1x128xf32>
    %add3A_153 = vector.broadcast %get3A_152 : vector<1x128xf32> to vector<1024x128xf32>
    %add3A_154 = arith.addf %dot_general3A_149, %add3A_153 : vector<1024x128xf32>
    %max3A_155 = arith.constant 0.000000e+00 : f32
    %max3A_156 = vector.broadcast %max3A_155 : f32 to vector<1024x128xf32>
    %max3A_157 = arith.maximumf %add3A_154, %max3A_156 : vector<1024x128xf32>
    %get3A_158 = arith.constant 0 : index
    %get3A_159 = arith.constant 0 : index
    %get3A_160 = vector.load %arg21[%get3A_158, %get3A_159] : memref<128x128xf32, #tpu.memory_space<vmem>>, vector<128x128xf32>
    %dot_general3A_161 = arith.constant dense<0.000000e+00> : vector<1024x128xf32>
    %dot_general3A_162 = tpu.matmul %max3A_157, %get3A_160, %dot_general3A_161 {dimension_numbers = #tpu.dot_dimension_numbers<[1], [0], [0], [1], [0, 0, 1, 1], [], []>, precision = #tpu.contract_precision<fp32>, transpose_lhs_hint = false} : vector<1024x128xf32>, vector<128x128xf32>, vector<1024x128xf32> -> vector<1024x128xf32>
    %get3A_163 = arith.constant 0 : index
    %get3A_164 = arith.constant 0 : index
    %get3A_165 = vector.load %arg22[%get3A_163, %get3A_164] : memref<1x128xf32, #tpu.memory_space<vmem>>, vector<1x128xf32>
    %add3A_166 = vector.broadcast %get3A_165 : vector<1x128xf32> to vector<1024x128xf32>
    %add3A_167 = arith.addf %dot_general3A_162, %add3A_166 : vector<1024x128xf32>
    %get3A_168 = arith.constant 0 : index
    %get3A_169 = arith.constant 0 : index
    %get3A_170 = vector.load %arg8[%get3A_168, %get3A_169] : memref<1024x8xf32, #tpu.memory_space<vmem>>, vector<1024x8xf32>
    %slice3A = vector.extract_strided_slice %get3A_170 {offsets = [0, 0], sizes = [1024, 1], strides = [1, 1]} : vector<1024x8xf32> to vector<1024x1xf32>
    %mul3A_171 = vector.broadcast %slice3A : vector<1024x1xf32> to vector<1024x128xf32>
    %mul3A_172 = arith.mulf %mul3A_171, %add3A_68 : vector<1024x128xf32>
    %slice3A_173 = vector.extract_strided_slice %get3A_170 {offsets = [0, 1], sizes = [1024, 1], strides = [1, 1]} : vector<1024x8xf32> to vector<1024x1xf32>
    %mul3A_174 = vector.broadcast %slice3A_173 : vector<1024x1xf32> to vector<1024x128xf32>
    %mul3A_175 = arith.mulf %mul3A_174, %add3A_78 : vector<1024x128xf32>
    %add3A_176 = arith.addf %mul3A_172, %mul3A_175 : vector<1024x128xf32>
    %slice3A_177 = vector.extract_strided_slice %get3A_170 {offsets = [0, 2], sizes = [1024, 1], strides = [1, 1]} : vector<1024x8xf32> to vector<1024x1xf32>
    %mul3A_178 = vector.broadcast %slice3A_177 : vector<1024x1xf32> to vector<1024x128xf32>
    %mul3A_179 = arith.mulf %mul3A_178, %add3A_94 : vector<1024x128xf32>
    %add3A_180 = arith.addf %add3A_176, %mul3A_179 : vector<1024x128xf32>
    %slice3A_181 = vector.extract_strided_slice %get3A_170 {offsets = [0, 3], sizes = [1024, 1], strides = [1, 1]} : vector<1024x8xf32> to vector<1024x1xf32>
    %mul3A_182 = vector.broadcast %slice3A_181 : vector<1024x1xf32> to vector<1024x128xf32>
    %mul3A_183 = arith.mulf %mul3A_182, %add3A_116 : vector<1024x128xf32>
    %add3A_184 = arith.addf %add3A_180, %mul3A_183 : vector<1024x128xf32>
    %slice3A_185 = vector.extract_strided_slice %get3A_170 {offsets = [0, 4], sizes = [1024, 1], strides = [1, 1]} : vector<1024x8xf32> to vector<1024x1xf32>
    %mul3A_186 = vector.broadcast %slice3A_185 : vector<1024x1xf32> to vector<1024x128xf32>
    %mul3A_187 = arith.mulf %mul3A_186, %add3A_144 : vector<1024x128xf32>
    %add3A_188 = arith.addf %add3A_184, %mul3A_187 : vector<1024x128xf32>
    %slice3A_189 = vector.extract_strided_slice %get3A_170 {offsets = [0, 5], sizes = [1024, 1], strides = [1, 1]} : vector<1024x8xf32> to vector<1024x1xf32>
    %mul3A_190 = vector.broadcast %slice3A_189 : vector<1024x1xf32> to vector<1024x128xf32>
    %mul3A_191 = arith.mulf %mul3A_190, %add3A_167 : vector<1024x128xf32>
    %add3A_192 = arith.addf %add3A_188, %mul3A_191 : vector<1024x128xf32>
    %swap3A = arith.constant 0 : index
    %swap3A_193 = arith.constant 0 : index
    %swap3A_194 = vector.load %arg23[%swap3A, %swap3A_193] : memref<1024x128xf32, #tpu.memory_space<vmem>>, vector<1024x128xf32>
    tpu.vector_store %arg23[%swap3A, %swap3A_193], %add3A_192 {strides = array<i32>} : memref<1024x128xf32, #tpu.memory_space<vmem>>, vector<1024x128xf32>,
    return
  }
  func.func @transform_0(%arg0: i32) -> (i32, i32) {
    %c0_i32 = arith.constant 0 : i32
    %c0_i32_0 = arith.constant 0 : i32
    return %arg0, %c0_i32 : i32, i32
  }
  func.func @transform_1(%arg0: i32) -> (i32, i32) {
    %c0_i32 = arith.constant 0 : i32
    %c0_i32_0 = arith.constant 0 : i32
    return %arg0, %c0_i32 : i32, i32
  }
  func.func @transform_2(%arg0: i32) -> (i32, i32) {
    %c0_i32 = arith.constant 0 : i32
    %c0_i32_0 = arith.constant 0 : i32
    return %arg0, %c0_i32 : i32, i32
  }
  func.func @transform_3(%arg0: i32) -> (i32, i32, i32) {
    %c0_i32 = arith.constant 0 : i32
    %c0_i32_0 = arith.constant 0 : i32
    %c0_i32_1 = arith.constant 0 : i32
    return %c0_i32, %arg0, %c0_i32_0 : i32, i32, i32
  }
  func.func @transform_4(%arg0: i32) -> (i32, i32, i32) {
    %c0_i32 = arith.constant 0 : i32
    %c0_i32_0 = arith.constant 0 : i32
    %c0_i32_1 = arith.constant 0 : i32
    return %c0_i32, %arg0, %c0_i32_0 : i32, i32, i32
  }
  func.func @transform_5(%arg0: i32) -> (i32, i32, i32) {
    %c0_i32 = arith.constant 0 : i32
    %c0_i32_0 = arith.constant 0 : i32
    %c0_i32_1 = arith.constant 0 : i32
    return %c0_i32, %arg0, %c0_i32_0 : i32, i32, i32
  }
  func.func @transform_6(%arg0: i32) -> (i32, i32, i32) {
    %c0_i32 = arith.constant 0 : i32
    %c0_i32_0 = arith.constant 0 : i32
    %c0_i32_1 = arith.constant 0 : i32
    return %c0_i32, %arg0, %c0_i32_0 : i32, i32, i32
  }
  func.func @transform_7(%arg0: i32) -> (i32, i32) {
    %c0_i32 = arith.constant 0 : i32
    %c0_i32_0 = arith.constant 0 : i32
    return %arg0, %c0_i32 : i32, i32
  }
  func.func @transform_8(%arg0: i32) -> (i32, i32) {
    %c0_i32 = arith.constant 0 : i32
    %c0_i32_0 = arith.constant 0 : i32
    %c0_i32_1 = arith.constant 0 : i32
    return %c0_i32, %c0_i32_0 : i32, i32
  }
  func.func @transform_9(%arg0: i32) -> (i32, i32) {
    %c0_i32 = arith.constant 0 : i32
    %c0_i32_0 = arith.constant 0 : i32
    %c0_i32_1 = arith.constant 0 : i32
    return %c0_i32, %c0_i32_0 : i32, i32
  }
  func.func @transform_10(%arg0: i32) -> (i32, i32) {
    %c0_i32 = arith.constant 0 : i32
    %c0_i32_0 = arith.constant 0 : i32
    %c0_i32_1 = arith.constant 0 : i32
    return %c0_i32, %c0_i32_0 : i32, i32
  }
  func.func @transform_11(%arg0: i32) -> (i32, i32) {
    %c0_i32 = arith.constant 0 : i32
    %c0_i32_0 = arith.constant 0 : i32
    %c0_i32_1 = arith.constant 0 : i32
    return %c0_i32, %c0_i32_0 : i32, i32
  }
  func.func @transform_12(%arg0: i32) -> (i32, i32) {
    %c0_i32 = arith.constant 0 : i32
    %c0_i32_0 = arith.constant 0 : i32
    %c0_i32_1 = arith.constant 0 : i32
    return %c0_i32, %c0_i32_0 : i32, i32
  }
  func.func @transform_13(%arg0: i32) -> (i32, i32) {
    %c0_i32 = arith.constant 0 : i32
    %c0_i32_0 = arith.constant 0 : i32
    %c0_i32_1 = arith.constant 0 : i32
    return %c0_i32, %c0_i32_0 : i32, i32
  }
  func.func @transform_14(%arg0: i32) -> (i32, i32) {
    %c0_i32 = arith.constant 0 : i32
    %c0_i32_0 = arith.constant 0 : i32
    %c0_i32_1 = arith.constant 0 : i32
    return %c0_i32, %c0_i32_0 : i32, i32
  }
  func.func @transform_15(%arg0: i32) -> (i32, i32) {
    %c0_i32 = arith.constant 0 : i32
    %c0_i32_0 = arith.constant 0 : i32
    %c0_i32_1 = arith.constant 0 : i32
    return %c0_i32, %c0_i32_0 : i32, i32
  }
  func.func @transform_16(%arg0: i32) -> (i32, i32) {
    %c0_i32 = arith.constant 0 : i32
    %c0_i32_0 = arith.constant 0 : i32
    %c0_i32_1 = arith.constant 0 : i32
    return %c0_i32, %c0_i32_0 : i32, i32
  }
  func.func @transform_17(%arg0: i32) -> (i32, i32) {
    %c0_i32 = arith.constant 0 : i32
    %c0_i32_0 = arith.constant 0 : i32
    %c0_i32_1 = arith.constant 0 : i32
    return %c0_i32, %c0_i32_0 : i32, i32
  }
  func.func @transform_18(%arg0: i32) -> (i32, i32) {
    %c0_i32 = arith.constant 0 : i32
    %c0_i32_0 = arith.constant 0 : i32
    %c0_i32_1 = arith.constant 0 : i32
    return %c0_i32, %c0_i32_0 : i32, i32
  }
  func.func @transform_19(%arg0: i32) -> (i32, i32) {
    %c0_i32 = arith.constant 0 : i32
    %c0_i32_0 = arith.constant 0 : i32
    %c0_i32_1 = arith.constant 0 : i32
    return %c0_i32, %c0_i32_0 : i32, i32
  }
  func.func @transform_20(%arg0: i32) -> (i32, i32) {
    %c0_i32 = arith.constant 0 : i32
    %c0_i32_0 = arith.constant 0 : i32
    %c0_i32_1 = arith.constant 0 : i32
    return %c0_i32, %c0_i32_0 : i32, i32
  }
  func.func @transform_21(%arg0: i32) -> (i32, i32) {
    %c0_i32 = arith.constant 0 : i32
    %c0_i32_0 = arith.constant 0 : i32
    %c0_i32_1 = arith.constant 0 : i32
    return %c0_i32, %c0_i32_0 : i32, i32
  }
  func.func @transform_22(%arg0: i32) -> (i32, i32) {
    %c0_i32 = arith.constant 0 : i32
    %c0_i32_0 = arith.constant 0 : i32
    return %arg0, %c0_i32 : i32, i32
  }
}

</mosaic_0001>

<sc_bundles>
// kernel: kernel.12.cloned.1.call-start
scs
__scs_entry_jumppad:
0x0: {  	(pc) =	sbr.rel $0x88, $3  }
0x1: {  	(tag) =	ssettag $0x0;
	lr =	simm.s32 $0x1  }
0x2: {  	[smem:$0x3F85] =	sst lr;
	_ =	strace $0xD0000000  }
0x3: {  	_ = 	snop  }
0x4: {  	_ = 	snop  }
0x5: {  	_ = 	snop  }
0x6: {  	_ = 	snop  }
0x7: {  	_ = 	snop  }
__scs_overlays_trampoline_lowered:
0x8: {  	[smem:$0x3F94] =	sst s0  }
0x9: {  	[smem:$0x3F95] =	sst s1  }
0xa: {  	[smem:$0x3F96] =	sst s2  }
0xb: {  	[smem:$0x3F97] =	sst s3  }
0xc: {  	[smem:$0x3F98] =	sst s4  }
0xd: {  	[smem:$0x3F99] =	sst s5  }
0xe: {  	[smem:$0x3F9A] =	sst s6  }
0xf: {  	[smem:$0x3F9B] =	sst s7  }
0x10: {  	[smem:$0x3F9C] =	sst s8  }
0x11: {  	[smem:$0x3F9D] =	sst s9;
	s0 =	simm.s32 @!p0 $0x0  }
0x12: {  	s1 =	sld [smem:$0x3F83];
	s0 =	simm.s32 @p0 $0x1  }
0x13: {  	[smem:$0x3F9E] =	sst s0;
	s0 =	simm.s32 @!p1 $0x0  }
0x14: {  	s2 =	sld [smem:$0x3F82];
	s0 =	simm.s32 @p1 $0x1  }
0x15: {  	[smem:$0x3F9F] =	sst s0;
	s0 =	simm.s32 @!p2 $0x0  }
0x16: {  	s3 =	sld [smem:$0x3FDB];
	s0 =	simm.s32 @p2 $0x1  }
0x17: {  	s4 =	simm.s32 $0x1BF5;
	[smem:$0x3FA1] =	sst s0  }
0x18: {  	s0 =	sld [smem:$0x3F84];
	_ =	swait.ge [sflag:s4], $0x0  }
0x19: {  	s7 =	sld [smem:$0x3F85]  }
0x1a: {  	s8 =	sadd.s32 $0xFFFFE003, lr  }
0x1b: {  	s9 =	sadd.s32 $0xFFFFFEF7, lr;
	s5 =	simm.s32 $0xFFFFFFFF;
	p2 =	slt.u32 s8, $0xFFFFF086  }
0x1c: {  	p1 =	slt.u32 s9, $0xF7A;
	s5 =	simm.s32 @!p2 $0x0  }
0x1d: {  	s5 =	simm.s32 @p1 $0x1;
	p0 =	seq.s32 s7, s2  }
0x1e: {  	s7 =	smul.u32 @!p0 $0xF7A, s2;
	p2 =	seq.s32 @!p0 s5, $0x0  }
0x1f: {  	s9 =	smul.u32 $0xF7A, s1;
	s8 =	simm.s32 @!p0 $0x1BF5;
	p2 =	por !p2, p0  }
0x20: {  	[sflag:s8] =	ssyncset.s32 @!p0 $0xFFFFF086;
	s6 =	sadd.s32 @!p0 s3, s7;
	s7 =	simm.s32 @!p0 $0x108  }
0x21: {  	s3 =	sadd.s32 s3, s9;
	s6 =	sadd.s32 @!p0 $0x88, s6;
	s7 =	simm.s32 @p2 $0x1082  }
0x22: {  	[simem:s7], [sflag:s8] =	dma.local @!p0 [hbm:s6], $0xF7A  }
0x23: {  	s9 =	sor.u32 $0xD0000000, s2;
	s6 =	simm.s32 $0x108;
	_ =	swait.ge @!p0 [sflag:s8], $0x0  }
0x24: {  	s3 =	sadd.s32 $0x88, s3;
	s6 =	simm.s32 @!p1 $0x1082;
	[sflag:s4] =	ssyncset.s32 $0xFFFFF086  }
0x25: {  	[simem:s6], [sflag:s4] =	dma.local [hbm:s3], $0xF7A  }
0x26: {  	[smem:$0x3F85] =	sst s1;
	(tag) =	ssettag s2;
	_ =	strace s9  }
0x27: {  	s1 =	sld [smem:$0x3F95]  }
0x28: {  	s2 =	sld [smem:$0x3F96]  }
0x29: {  	s4 =	sld [smem:$0x3F98]  }
0x2a: {  	p0 =	seq.s32 s5, $0x0;
	s5 =	sld [smem:$0x3F99]  }
0x2b: {  	s6 =	sld [smem:$0x3F9A]  }
0x2c: {  	s7 =	sld [smem:$0x3F9B]  }
0x2d: {  	s3 =	simm.s32 $0x108;
	s8 =	sld [smem:$0x3F9C]  }
0x2e: {  	s3 =	simm.s32 @!p0 $0x1082;
	s9 =	sld [smem:$0x3F9D]  }
0x2f: {  	lr =	sadd.s32 s0, s3;
	s0 =	sld [smem:$0x3F94]  }
0x30: {  	s3 =	sld [smem:$0x3F97]  }
0x31: {  	[smem:$0x3FA0] =	sst s10  }
0x32: {  	s10 =	sld [smem:$0x3F9E];
	_ =	sdelay $0x3  }
0x33: {  	p0 =	seq.s32 s10, $0x1;
	s10 =	sld [smem:$0x3FA0];
	_ =	sdelay $0x3  }
0x34: {  	[smem:$0x3FA0] =	sst s10  }
0x35: {  	s10 =	sld [smem:$0x3F9F];
	_ =	sdelay $0x3  }
0x36: {  	p1 =	seq.s32 s10, $0x1;
	s10 =	sld [smem:$0x3FA0];
	_ =	sdelay $0x3  }
0x37: {  	[smem:$0x3FA0] =	sst s10  }
0x38: {  	s10 =	sld [smem:$0x3FA1]  }
0x39: {  	_ = 	snop;
	(pc) =	sbr.ind lr, $3  }
0x3a: {  	_ = 	snop  }
0x3b: {  	_ = 	snop  }
0x3c: {  	p2 =	seq.s32 s10, $0x1;
	s10 =	sld [smem:$0x3FA0]  }
0x3d: {  	_ =	shalt  }
0x3e: {  	_ =	shalt  }
0x3f: {  	_ =	shalt  }
0x40: {  	_ =	shalt  }
0x41: {  	_ =	shalt  }
0x42: {  	_ =	shalt  }
0x43: {  	_ =	shalt  }
0x44: {  	_ =	shalt  }
0x45: {  	_ =	shalt  }
0x46: {  	_ =	shalt  }
0x47: {  	_ =	shalt  }
0x48: {  	_ =	shalt  }
0x49: {  	_ =	shalt  }
0x4a: {  	_ =	shalt  }
0x4b: {  	_ =	shalt  }
0x4c: {  	_ =	shalt  }
0x4d: {  	_ =	shalt  }
0x4e: {  	_ =	shalt  }
0x4f: {  	_ =	shalt  }
0x50: {  	_ =	shalt  }
0x51: {  	_ =	shalt  }
0x52: {  	_ =	shalt  }
0x53: {  	_ =	shalt  }
0x54: {  	_ =	shalt  }
0x55: {  	_ =	shalt  }
0x56: {  	_ =	shalt  }
0x57: {  	_ =	shalt  }
0x58: {  	_ =	shalt  }
0x59: {  	_ =	shalt  }
0x5a: {  	_ =	shalt  }
0x5b: {  	_ =	shalt  }
0x5c: {  	_ =	shalt  }
0x5d: {  	_ =	shalt  }
0x5e: {  	_ =	shalt  }
0x5f: {  	_ =	shalt  }
0x60: {  	_ =	shalt  }
0x61: {  	_ =	shalt  }
0x62: {  	_ =	shalt  }
0x63: {  	_ =	shalt  }
0x64: {  	_ =	shalt  }
0x65: {  	_ =	shalt  }
0x66: {  	_ =	shalt  }
0x67: {  	_ =	shalt  }
0x68: {  	_ =	shalt  }
0x69: {  	_ =	shalt  }
0x6a: {  	_ =	shalt  }
0x6b: {  	_ =	shalt  }
0x6c: {  	_ =	shalt  }
0x6d: {  	_ =	shalt  }
0x6e: {  	_ =	shalt  }
0x6f: {  	_ =	shalt  }
0x70: {  	_ =	shalt  }
0x71: {  	_ =	shalt  }
0x72: {  	_ =	shalt  }
0x73: {  	_ =	shalt  }
0x74: {  	_ =	shalt  }
0x75: {  	_ =	shalt  }
0x76: {  	_ =	shalt  }
0x77: {  	_ =	shalt  }
0x78: {  	_ =	shalt  }
0x79: {  	_ =	shalt  }
0x7a: {  	_ =	shalt  }
0x7b: {  	_ =	shalt  }
0x7c: {  	_ =	shalt  }
0x7d: {  	_ =	shalt  }
0x7e: {  	_ =	shalt  }
0x7f: {  	_ =	shalt  }
0x80: {  	_ =	shalt  }
0x81: {  	_ =	shalt  }
0x82: {  	_ =	shalt  }
0x83: {  	_ =	shalt  }
0x84: {  	_ =	shalt  }
0x85: {  	_ =	shalt  }
0x86: {  	_ =	shalt  }
0x87: {  	_ =	shalt  }
.Lfunc_end0:
.L_simem_size_0:
called_computation_lowered:
.L_overlay_start_0:
0x88: {  	s2 =	sld [smem:$0x3FD9]  }
0x89: {  	s3 =	sld [smem:$0x3FFE];
	_ =	sdelay $0x1  }
0x8a: {  	s1 =	srdreg.scid  }
0x8b: {  	s0 =	sand.u32 $0x1, s1  }
0x8c: {  	s17 =	sshll.u32 s0, $0xA;
	s2 =	sadd.s32 s3, s2  }
0x8d: {  	s2 =	sadd.s32 s2, s17  }
0x8e: {  	[smem:$0x3FAC] =	sst s2  }
0x8f: {  	_ = 	snop  }
0x90: {  	s18 =	sld [smem:$0x3FD0];
	(tm) =	ssettm $0x1  }
0x91: {  	s19 =	sld [smem:$0x3FFB];
	_ =	sdelay $0x3  }
0x92: {  	_ =	strace s19  }
0x93: {  	s2 =	sld [smem:$0x3FFC];
	_ =	sdelay $0x3  }
0x94: {  	_ =	strace s2  }
0x95: {  	s2 =	sld [smem:$0x3FFD];
	_ =	sdelay $0x3  }
0x96: {  	_ =	strace s2  }
0x97: {  	_ =	strace $0x8FFFFFFF  }
0x98: {  	s20 =	sld [smem:$0x3FDB];
	_ =	sdelay $0x1  }
0x99: {  	s4 =	simm.s32 $_scs_section_size  }
0x9a: {  	s5 =	simm.s32 $_size__tile_overlayer_lowered;
	s6 =	simm.s32 $_tile_overlayer_lowered  }
0x9b: {  	s7 =	simm.s32 $0x1BFF;
	s21 =	sshll.u32 s6, $0x1;
	s4 =	sadd.s32 s4, s20  }
0x9c: {  	s22 =	simm.s32 $0x0;
	s5 =	sshll.u32 s5, $0x1;
	s6 =	sadd.s32 s21, s4  }
0x9d: {  	[timem:s22], [sflag:s7] =	dma.local [hbm:s6], s5  }
0x9e: {  	_ =	swait.ge [sflag:s7], s5  }
0x9f: {  	s5 =	ssub.s32 $0x0, s5;
	[sflag:s7] =	ssyncset.done $0x0  }
0xa0: {  	[sflag:s7] =	ssyncadd.s32 s5;
	_ =	sdelay $0x1  }
0xa1: {  	s23 =	simm.s32 $0x1B8B  }
0xa2: {  	_ =	swait.ge [sflag:s23], $0x1  }
0xa3: {  	[sflag:s23] =	ssyncset.done $0x0  }
0xa4: {  	[sflag:s23] =	ssyncadd.s32 $0xFFFFFFFF  }
0xa5: {  	s5 =	sld [smem:$0x0]  }
0xa6: {  	s6 =	sand.u32 $0xFFFFFFFE, s1  }
0xa7: {  	p0 =	sne.s32 s1, s6  }
0xa8: {  	s6 =	sshll.u32 @p0 s6, $0xE  }
0xa9: {  	s6 =	sadd.s32 @p0 $0x11B8D, s6;
	s7 =	sshll.u32 @p0 s5, $0x11  }
0xaa: {  	s6 =	sor.u32 @p0 s7, s6  }
0xab: {  	[sflag:s6] =	ssyncadd.remote.s32 @p0 $0x1;
	_ =	sdelay $0x1  }
0xac: {  	s6 =	simm.s32 @p0 $0x1B8D  }
0xad: {  	_ =	swait.eq @p0 [sflag:s6], $0x1  }
0xae: {  	[sflag:s6] =	ssyncadd.s32 @p0 $0xFFFFFFFF  }
0xaf: {  	s7 =	sshll.u32 @!p0 s1, $0xE  }
0xb0: {  	s7 =	sor.u32 @!p0 $0x4000, s7;
	s6 =	simm.s32 @!p0 $0x1B8D  }
0xb1: {  	s5 =	sshll.u32 @!p0 s5, $0x11;
	s7 =	sadd.s32 @!p0 $0x11B8D, s7;
	_ =	swait.eq @!p0 [sflag:s6], $0x1  }
0xb2: {  	s5 =	sor.u32 @!p0 s5, s7;
	[sflag:s6] =	ssyncadd.s32 @!p0 $0xFFFFFFFF  }
0xb3: {  	s25 =	simm.s32 $0x1B8E;
	s24 =	sld [smem:$0x3FFE];
	[sflag:s5] =	ssyncadd.remote.s32 @!p0 $0x1  }
0xb4: {  	s26 =	simm.s32 $execute0_lowered;
	[smem:$0x3FD2] =	sst s25  }
0xb5: {  	s6 =	sshll.u32 s26, $0x1;
	_ =	strace $0x80000049;
	[dreg:$0x1] =	wrdreg $0xFFFFFFFF  }
0xb6: {  	s28 =	simm.s32 $_size_execute0_lowered;
	s4 =	sadd.s32 s4, s6;
	[dreg:$0x0] =	wrdreg $0x0  }
0xb7: {  	s6 =	sshll.u32 s28, $0x1;
	[dreg:$0x2] =	wrdreg s4  }
0xb8: {  	[dreg:$0x3] =	wrdreg s6  }
0xb9: {  	[dreg:$0x4] =	wrdreg $0xC0  }
0xba: {  	_ =	task [dreg:s22], $0x5FFFF  }
0xbb: {  	[dreg:$0x1] =	wrdreg $0xFFFFFFFF  }
0xbc: {  	[dreg:$0x0] =	wrdreg $0x60  }
0xbd: {  	[dreg:$0x2] =	wrdreg s24  }
0xbe: {  	[dreg:$0x3] =	wrdreg s18  }
0xbf: {  	[dreg:$0x4] =	wrdreg $0x0  }
0xc0: {  	[dreg:$0x5] =	wrdreg $0x9  }
0xc1: {  	_ =	task.clear_ibuf [dreg:s22], $0x6FFFF;
	_ =	strace $0x90000049  }
0xc2: {  	s29 =	simm.s32 $0x9;
	_ =	strace $0x8000004B  }
0xc3: {  	_ =	swait.ge [sflag:s29], $0x1  }
0xc4: {  	[sflag:s29] =	ssyncadd.s32 $0xFFFFFFFF  }
0xc5: {  	_ =	strace $0x9000004B  }
0xc6: {  	_ =	sfence  }
0xc7: {  	s30 =	sld [smem:$0x0];
	_ =	sdelay $0x2  }
0xc8: {  	s31 =	sshll.u32 s1, $0xD;
	s1 =	sshrl.u32 s1, $0x2  }
0xc9: {  	s4 =	sand.u32 $0x4000, s31;
	s1 =	sadd.s32 s1, s30  }
0xca: {  	s0 =	sor.u32 s4, s0;
	s1 =	sshll.u32 s1, $0x11  }
0xcb: {  	s0 =	sor.u32 s1, s0  }
0xcc: {  	s0 =	sadd.s32 $0x8F2B, s0  }
0xcd: {  	[sflag:s0] =	ssyncadd.remote.s32 $0x1  }
0xce: {  	_ =	sfence.sel $0xFFFF  }
0xcf: {  	[dreg:$0x0] =	wrdreg $0xFFFFFFFF;
	(pc) =	sbr.abs _section_cstart, $3  }
0xd0: {  	[dreg:$0x1] =	wrdreg $0xFFFFFFFF  }
0xd1: {  	_ =	task.clear_ibuf [dreg:s22], $0x2FFFF;
	_ =	strace $0x9FFFFFFF  }
0xd2: {  	(tm) =	ssettm $0x7FFFFFFF  }
0xd3: {  	_ =	shalt  }
tec
execute0_lowered:
.L_overlay_start_1:
0x0: {  	(tag) =	ssettag $0x1  }
0x1: {  	s6 =	rddreg [dreg:$0x0]  }
0x2: {  	s10 =	rddreg [dreg:$0x1]  }
0x3: {  	s0 =	srdreg.scid;
	s2 =	rddreg [dreg:$0x2]  }
0x4: {  	s1 =	rddreg [dreg:$0x3];
	s7 =	sand.u32 $0x1, s0  }
0x5: {  	s3 =	simm.s32 $0x0;
	s0 =	stileid.u32;
	s4 =	smul.u32 $0x27100, s7  }
0x6: {  	s16 =	simm.s32 $0x14000;
	s17 =	simm.s32 $0x14080;
	s5 =	smul.u32 $0x2710, s0  }
0x7: {  	s18 =	simm.s32 $0x50;
	[smem:$0x7FF] =	sst s3;
	s8 =	smul.u32 $0x14000, s0  }
0x8: {  	s19 =	simm.s32 $0x0;
	s9 =	smul.u32 $0x140000, s7;
	_ =	strace $0x8000004A  }
0x9: {  	s7 =	ssub.s32 $0x2, s7;
	s28 =	smul.u32 $0x50000, s0;
	s31 =	sshll.u32 s0, $0x6  }
0xa: {  	s29 =	sshrl.u32 s7, $0x1;
	s4 =	sadd.s32 s5, s4;
	s5 =	sadd.s32 $0xB0000, s6  }
0xb: {  	s13 =	sshrl.u32 s8, $0x3;
	s8 =	sadd.s32 s8, s9;
	s14 =	ssub.s32 s7, s29  }
0xc: {  	s30 =	sshrl.u32 s28, $0x2;
	s7 =	sor.u32 $0x1C01, s31;
	s11 =	sshrl.u32 s4, $0x3  }
0xd: {  	s4 =	sadd.s32 $0xAFA00, s6;
	s8 =	sshrl.u32 s8, $0x3;
	s13 =	sadd.s32 s13, s6  }
0xe: {  	s15 =	sadd.s32 s30, s2;
	s9 =	smax.u32 s14, $0x1;
	s14 =	simm.s32 $0x14100  }
0xf: {  	s12 =	sadd.s32 s11, s6;
	s8 =	sadd.s32 s8, s6;
	s6 =	sadd.s32 $0x37A00, s13  }
0x10: {  	s10 =	sadd.s32 s11, s10;
	s13 =	simm.s32 $0x1;
	s8 =	sadd.s32 $0xB0600, s8  }
0x11: {  	s11 =	sadd.s32 $0x5C00, s12;
	s12 =	sshrl.u32 s15, $0x3;
	s15 =	simm.s32 $0x16900  }
.LBB2_1:
0x12: {  	[spmem:s12], [sflag:s7] =	dma.local [hbm:s6], $0x2800  }
0x13: {  	_ =	swait.ge [sflag:s13], $0x2800  }
0x14: {  	[sflag:s13] =	ssyncset.done $0x0  }
0x15: {  	[sflag:s13] =	ssyncadd.s32 $0xFFFFD800  }
0x16: {  	[tilespmem:s14], [sflag:$0x1] =	stream.linear.gather [hbm4b:s4+s3], $0x2800, $0x38;
	[tilespmem:$0x19100] =	vst v63  }
0x17: {  	_ =	swait.ge [sflag:s13], $0x2800  }
0x18: {  	[sflag:s13] =	ssyncset.done $0x0  }
0x19: {  	[sflag:s13] =	ssyncadd.s32 $0xFFFFD800  }
0x1a: {  	[tilespmem:s15], [sflag:$0x1] =	stream.linear.gather [hbm4b:s5+s3], $0x2800, $0x38;
	[tilespmem:$0x19100] =	vst v63  }
0x1b: {  	_ =	swait.ge [sflag:s13], $0x2800  }
0x1c: {  	[sflag:s13] =	ssyncset.done $0x0  }
0x1d: {  	[sflag:s13] =	ssyncadd.s32 $0xFFFFD800  }
0x1e: {  	s20 =	sadd.s32 $0x0, s11;
	[bflag:$0x0] =	sbarrier.arrive $0xFFFF  }
0x1f: {  	[tilespmem:s16], [sflag:$0x1] =	stream.linear.gather [hbm4b:s20+s3], $0x50, $0x38;
	[tilespmem:$0x19100] =	vst v63  }
0x20: {  	_ =	swait.ge [sflag:s13], $0x50  }
0x21: {  	[sflag:s13] =	ssyncset.done $0x0  }
0x22: {  	s31 =	sadd.s32 $0x0, s10;
	[sflag:s13] =	ssyncadd.s32 $0xFFFFFFB0  }
0x23: {  	[tilespmem:s17], [sflag:$0x1] =	stream.linear.gather [hbm4b:s31+s3], $0x50, $0x38;
	[tilespmem:$0x19100] =	vst v63  }
0x24: {  	_ =	swait.ge [sflag:s13], $0x50  }
0x25: {  	[sflag:s13] =	ssyncset.done $0x0  }
0x26: {  	[sflag:s13] =	ssyncadd.s32 $0xFFFFFFB0  }
0x27: {  	[spmem:s2] =	stream.indirect.scatter.add.f32 [tilespmem:s14], [sflag:$0x1], $0x80, s17, s18, $0xb8;
	[tilespmem:$0x19100] =	vst v63  }
0x28: {  	_ =	swait.ge [sflag:s13], $0x2800  }
0x29: {  	[sflag:s13] =	ssyncset.done $0x0  }
0x2a: {  	[sflag:s13] =	ssyncadd.s32 $0xFFFFD800  }
0x2b: {  	[spmem:s2] =	stream.indirect.scatter.add.f32 [tilespmem:s15], [sflag:$0x1], $0x80, s16, s18, $0xb8;
	[tilespmem:$0x19100] =	vst v63  }
0x2c: {  	_ =	swait.ge [sflag:s13], $0x2800  }
0x2d: {  	s21 =	simm.s32 $0x14;
	s20 =	simm.s32 $0xA;
	[sflag:s13] =	ssyncset.done $0x0  }
.LBB2_2:
0x2e: {  	s22 =	sadd.s32 s20, s11  }
0x2f: {  	[sflag:s13] =	ssyncadd.s32 $0xFFFFD800;
	s23 =	smov.u32 s21;
	s24 =	sadd.s32 $0xA, s21  }
0x30: {  	[tilespmem:s16], [sflag:$0x1] =	stream.linear.gather [hbm4b:s22+s3], $0x50, $0x38;
	[tilespmem:$0x19100] =	vst v63  }
0x31: {  	p0 =	sne.s32 s21, $0x4D8;
	_ =	swait.ge [sflag:s13], $0x50  }
0x32: {  	[sflag:s13] =	ssyncset.done $0x0  }
0x33: {  	s21 =	sadd.s32 s20, s10;
	s20 =	smov.u32 s23;
	[sflag:s13] =	ssyncadd.s32 $0xFFFFFFB0  }
0x34: {  	[tilespmem:s17], [sflag:$0x1] =	stream.linear.gather [hbm4b:s21+s3], $0x50, $0x38;
	[tilespmem:$0x19100] =	vst v63  }
0x35: {  	_ =	swait.ge [sflag:s13], $0x50  }
0x36: {  	[sflag:s13] =	ssyncset.done $0x0  }
0x37: {  	[sflag:s13] =	ssyncadd.s32 $0xFFFFFFB0  }
0x38: {  	[spmem:s2] =	stream.indirect.scatter.add.f32 [tilespmem:s14], [sflag:$0x1], $0x80, s17, s18, $0xb8;
	[tilespmem:$0x19100] =	vst v63  }
0x39: {  	_ =	swait.ge [sflag:s13], $0x2800  }
.Ltmp0:
0x3a: {  	[sflag:s13] =	ssyncset.done $0x0;
	(pc) =	sbr.rel @p0 .LBB2_2-.Ltmp0, $4  }
0x3b: {  	[sflag:s13] =	ssyncadd.s32 $0xFFFFD800  }
0x3c: {  	[spmem:s2] =	stream.indirect.scatter.add.f32 [tilespmem:s15], [sflag:$0x1], $0x80, s16, s18, $0xb8;
	[tilespmem:$0x19100] =	vst v63  }
0x3d: {  	_ =	swait.ge [sflag:s13], $0x2800  }
0x3e: {  	s21 =	smov.u32 s24;
	[sflag:s13] =	ssyncset.done $0x0  }
0x3f: {  	s21 =	sadd.s32 s20, s11;
	[sflag:s13] =	ssyncadd.s32 $0xFFFFD800  }
0x40: {  	[tilespmem:s16], [sflag:$0x1] =	stream.linear.gather [hbm4b:s21+s3], $0x50, $0x38;
	[tilespmem:$0x19100] =	vst v63  }
0x41: {  	_ =	swait.ge [sflag:s13], $0x50  }
0x42: {  	[sflag:s13] =	ssyncset.done $0x0  }
0x43: {  	s31 =	sadd.s32 s20, s10;
	[sflag:s13] =	ssyncadd.s32 $0xFFFFFFB0  }
0x44: {  	[tilespmem:s17], [sflag:$0x1] =	stream.linear.gather [hbm4b:s31+s3], $0x50, $0x38;
	[tilespmem:$0x19100] =	vst v63  }
0x45: {  	_ =	swait.ge [sflag:s13], $0x50  }
0x46: {  	[sflag:s13] =	ssyncset.done $0x0  }
0x47: {  	[sflag:s13] =	ssyncadd.s32 $0xFFFFFFB0  }
0x48: {  	[spmem:s2] =	stream.indirect.scatter.add.f32 [tilespmem:s14], [sflag:$0x1], $0x80, s17, s18, $0xb8;
	[tilespmem:$0x19100] =	vst v63  }
0x49: {  	_ =	swait.ge [sflag:s13], $0x2800  }
0x4a: {  	[sflag:s13] =	ssyncset.done $0x0  }
0x4b: {  	[sflag:s13] =	ssyncadd.s32 $0xFFFFD800  }
0x4c: {  	[spmem:s2] =	stream.indirect.scatter.add.f32 [tilespmem:s15], [sflag:$0x1], $0x80, s16, s18, $0xb8;
	[tilespmem:$0x19100] =	vst v63  }
0x4d: {  	_ =	swait.ge [sflag:s13], $0x2800  }
0x4e: {  	s19 =	sadd.s32 $0x1, s19;
	[sflag:s13] =	ssyncset.done $0x0  }
0x4f: {  	p0 =	sne.s32 s19, s9;
	[sflag:s13] =	ssyncadd.s32 $0xFFFFD800  }
.Ltmp1:
0x50: {  	[bflag:$0x0] =	sbarrier.arrive $0xFFFF;
	(pc) =	sbr.rel @p0 .LBB2_1-.Ltmp1, $4  }
0x51: {  	[hbm:s8], [sflag:s7] =	dma.local [spmem:s12], $0x2800  }
0x52: {  	_ =	swait.ge [sflag:s13], $0x2800  }
0x53: {  	[sflag:s13] =	ssyncset.done $0x0  }
0x54: {  	[sflag:s13] =	ssyncadd.s32 $0xFFFFD800  }
0x55: {  	_ =	sfence.sel $0x180000  }
0x56: {  	[bflag:$0x0] =	sbarrier.arrive $0xFFFF  }
0x57: {  	p0 =	sne.s32 s0, $0x0;
	_ =	strace $0x9000004A  }
0x58: {  	s0 =	sadd.s32 @!p0 $0x100000, s1;
	[bflag:$0x2] =	sbarrier.arrive $0xFFFF  }
0x59: {  	[sflag:s0] =	ssyncadd.tile.s32 @!p0 $0x1;
	_ =	shalt  }
.Lfunc_end2:
_tile_overlayer_lowered:
.L_overlay_start_2:
0x5a: {  	(tag) =	ssettag $0x2  }
0x5b: {  	s0 =	rddreg [dreg:$0x0];
	s2 =	stileid.u32  }
0x5c: {  	s1 =	rddreg [dreg:$0x1];
	p0 =	sne.s32 s2, $0x0  }
0x5d: {  	s3 =	rddreg [dreg:$0x2];
	[bflag:$0x3] =	sbarrier.arrive $0xFFFF;
	s2 =	simm.s32 @!p0 $0x1C01  }
0x5e: {  	[timem:s3], [sflag:s2] =	dma.local @!p0 [hbm:s0], s1  }
0x5f: {  	s0 =	simm.s32 @!p0 $0x1  }
0x60: {  	_ =	swait.ge @!p0 [sflag:s0], s1  }
0x61: {  	s1 =	ssub.s32 @!p0 $0x0, s1;
	[sflag:s0] =	ssyncset.done @!p0 $0x0  }
0x62: {  	[sflag:s0] =	ssyncadd.s32 @!p0 s1  }
0x63: {  	[bflag:$0x3] =	sbarrier.arrive $0xFFFF  }
0x64: {  	_ =	shalt  }

// kernel: kernel.15.cloned.1.call-start
scs
__scs_entry_jumppad:
0x0: {  	(pc) =	sbr.rel $0x88, $3  }
0x1: {  	(tag) =	ssettag $0x0;
	lr =	simm.s32 $0x1  }
0x2: {  	[smem:$0x3F85] =	sst lr;
	_ =	strace $0xD0000000  }
0x3: {  	_ = 	snop  }
0x4: {  	_ = 	snop  }
0x5: {  	_ = 	snop  }
0x6: {  	_ = 	snop  }
0x7: {  	_ = 	snop  }
__scs_overlays_trampoline_lowered:
0x8: {  	[smem:$0x3F94] =	sst s0  }
0x9: {  	[smem:$0x3F95] =	sst s1  }
0xa: {  	[smem:$0x3F96] =	sst s2  }
0xb: {  	[smem:$0x3F97] =	sst s3  }
0xc: {  	[smem:$0x3F98] =	sst s4  }
0xd: {  	[smem:$0x3F99] =	sst s5  }
0xe: {  	[smem:$0x3F9A] =	sst s6  }
0xf: {  	[smem:$0x3F9B] =	sst s7  }
0x10: {  	[smem:$0x3F9C] =	sst s8  }
0x11: {  	[smem:$0x3F9D] =	sst s9;
	s0 =	simm.s32 @!p0 $0x0  }
0x12: {  	s1 =	sld [smem:$0x3F83];
	s0 =	simm.s32 @p0 $0x1  }
0x13: {  	[smem:$0x3F9E] =	sst s0;
	s0 =	simm.s32 @!p1 $0x0  }
0x14: {  	s2 =	sld [smem:$0x3F82];
	s0 =	simm.s32 @p1 $0x1  }
0x15: {  	[smem:$0x3F9F] =	sst s0;
	s0 =	simm.s32 @!p2 $0x0  }
0x16: {  	s3 =	sld [smem:$0x3FDB];
	s0 =	simm.s32 @p2 $0x1  }
0x17: {  	s4 =	simm.s32 $0x1BF5;
	[smem:$0x3FA1] =	sst s0  }
0x18: {  	s0 =	sld [smem:$0x3F84];
	_ =	swait.ge [sflag:s4], $0x0  }
0x19: {  	s7 =	sld [smem:$0x3F85]  }
0x1a: {  	s8 =	sadd.s32 $0xFFFFE003, lr  }
0x1b: {  	s9 =	sadd.s32 $0xFFFFFEF7, lr;
	s5 =	simm.s32 $0xFFFFFFFF;
	p2 =	slt.u32 s8, $0xFFFFF086  }
0x1c: {  	p1 =	slt.u32 s9, $0xF7A;
	s5 =	simm.s32 @!p2 $0x0  }
0x1d: {  	s5 =	simm.s32 @p1 $0x1;
	p0 =	seq.s32 s7, s2  }
0x1e: {  	s7 =	smul.u32 @!p0 $0xF7A, s2;
	p2 =	seq.s32 @!p0 s5, $0x0  }
0x1f: {  	s9 =	smul.u32 $0xF7A, s1;
	s8 =	simm.s32 @!p0 $0x1BF5;
	p2 =	por !p2, p0  }
0x20: {  	[sflag:s8] =	ssyncset.s32 @!p0 $0xFFFFF086;
	s6 =	sadd.s32 @!p0 s3, s7;
	s7 =	simm.s32 @!p0 $0x108  }
0x21: {  	s3 =	sadd.s32 s3, s9;
	s6 =	sadd.s32 @!p0 $0x88, s6;
	s7 =	simm.s32 @p2 $0x1082  }
0x22: {  	[simem:s7], [sflag:s8] =	dma.local @!p0 [hbm:s6], $0xF7A  }
0x23: {  	s9 =	sor.u32 $0xD0000000, s2;
	s6 =	simm.s32 $0x108;
	_ =	swait.ge @!p0 [sflag:s8], $0x0  }
0x24: {  	s3 =	sadd.s32 $0x88, s3;
	s6 =	simm.s32 @!p1 $0x1082;
	[sflag:s4] =	ssyncset.s32 $0xFFFFF086  }
0x25: {  	[simem:s6], [sflag:s4] =	dma.local [hbm:s3], $0xF7A  }
0x26: {  	[smem:$0x3F85] =	sst s1;
	(tag) =	ssettag s2;
	_ =	strace s9  }
0x27: {  	s1 =	sld [smem:$0x3F95]  }
0x28: {  	s2 =	sld [smem:$0x3F96]  }
0x29: {  	s4 =	sld [smem:$0x3F98]  }
0x2a: {  	p0 =	seq.s32 s5, $0x0;
	s5 =	sld [smem:$0x3F99]  }
0x2b: {  	s6 =	sld [smem:$0x3F9A]  }
0x2c: {  	s7 =	sld [smem:$0x3F9B]  }
0x2d: {  	s3 =	simm.s32 $0x108;
	s8 =	sld [smem:$0x3F9C]  }
0x2e: {  	s3 =	simm.s32 @!p0 $0x1082;
	s9 =	sld [smem:$0x3F9D]  }
0x2f: {  	lr =	sadd.s32 s0, s3;
	s0 =	sld [smem:$0x3F94]  }
0x30: {  	s3 =	sld [smem:$0x3F97]  }
0x31: {  	[smem:$0x3FA0] =	sst s10  }
0x32: {  	s10 =	sld [smem:$0x3F9E];
	_ =	sdelay $0x3  }
0x33: {  	p0 =	seq.s32 s10, $0x1;
	s10 =	sld [smem:$0x3FA0];
	_ =	sdelay $0x3  }
0x34: {  	[smem:$0x3FA0] =	sst s10  }
0x35: {  	s10 =	sld [smem:$0x3F9F];
	_ =	sdelay $0x3  }
0x36: {  	p1 =	seq.s32 s10, $0x1;
	s10 =	sld [smem:$0x3FA0];
	_ =	sdelay $0x3  }
0x37: {  	[smem:$0x3FA0] =	sst s10  }
0x38: {  	s10 =	sld [smem:$0x3FA1]  }
0x39: {  	_ = 	snop;
	(pc) =	sbr.ind lr, $3  }
0x3a: {  	_ = 	snop  }
0x3b: {  	_ = 	snop  }
0x3c: {  	p2 =	seq.s32 s10, $0x1;
	s10 =	sld [smem:$0x3FA0]  }
0x3d: {  	_ =	shalt  }
0x3e: {  	_ =	shalt  }
0x3f: {  	_ =	shalt  }
0x40: {  	_ =	shalt  }
0x41: {  	_ =	shalt  }
0x42: {  	_ =	shalt  }
0x43: {  	_ =	shalt  }
0x44: {  	_ =	shalt  }
0x45: {  	_ =	shalt  }
0x46: {  	_ =	shalt  }
0x47: {  	_ =	shalt  }
0x48: {  	_ =	shalt  }
0x49: {  	_ =	shalt  }
0x4a: {  	_ =	shalt  }
0x4b: {  	_ =	shalt  }
0x4c: {  	_ =	shalt  }
0x4d: {  	_ =	shalt  }
0x4e: {  	_ =	shalt  }
0x4f: {  	_ =	shalt  }
0x50: {  	_ =	shalt  }
0x51: {  	_ =	shalt  }
0x52: {  	_ =	shalt  }
0x53: {  	_ =	shalt  }
0x54: {  	_ =	shalt  }
0x55: {  	_ =	shalt  }
0x56: {  	_ =	shalt  }
0x57: {  	_ =	shalt  }
0x58: {  	_ =	shalt  }
0x59: {  	_ =	shalt  }
0x5a: {  	_ =	shalt  }
0x5b: {  	_ =	shalt  }
0x5c: {  	_ =	shalt  }
0x5d: {  	_ =	shalt  }
0x5e: {  	_ =	shalt  }
0x5f: {  	_ =	shalt  }
0x60: {  	_ =	shalt  }
0x61: {  	_ =	shalt  }
0x62: {  	_ =	shalt  }
0x63: {  	_ =	shalt  }
0x64: {  	_ =	shalt  }
0x65: {  	_ =	shalt  }
0x66: {  	_ =	shalt  }
0x67: {  	_ =	shalt  }
0x68: {  	_ =	shalt  }
0x69: {  	_ =	shalt  }
0x6a: {  	_ =	shalt  }
0x6b: {  	_ =	shalt  }
0x6c: {  	_ =	shalt  }
0x6d: {  	_ =	shalt  }
0x6e: {  	_ =	shalt  }
0x6f: {  	_ =	shalt  }
0x70: {  	_ =	shalt  }
0x71: {  	_ =	shalt  }
0x72: {  	_ =	shalt  }
0x73: {  	_ =	shalt  }
0x74: {  	_ =	shalt  }
0x75: {  	_ =	shalt  }
0x76: {  	_ =	shalt  }
0x77: {  	_ =	shalt  }
0x78: {  	_ =	shalt  }
0x79: {  	_ =	shalt  }
0x7a: {  	_ =	shalt  }
0x7b: {  	_ =	shalt  }
0x7c: {  	_ =	shalt  }
0x7d: {  	_ =	shalt  }
0x7e: {  	_ =	shalt  }
0x7f: {  	_ =	shalt  }
0x80: {  	_ =	shalt  }
0x81: {  	_ =	shalt  }
0x82: {  	_ =	shalt  }
0x83: {  	_ =	shalt  }
0x84: {  	_ =	shalt  }
0x85: {  	_ =	shalt  }
0x86: {  	_ =	shalt  }
0x87: {  	_ =	shalt  }
.Lfunc_end0:
.L_simem_size_0:
called_computation.1_lowered:
.L_overlay_start_0:
0x88: {  	s2 =	sld [smem:$0x3FD9]  }
0x89: {  	s3 =	sld [smem:$0x3FFE];
	_ =	sdelay $0x1  }
0x8a: {  	s1 =	srdreg.scid  }
0x8b: {  	s0 =	sand.u32 $0x1, s1  }
0x8c: {  	s17 =	sshll.u32 s0, $0xA;
	s2 =	sadd.s32 s3, s2  }
0x8d: {  	s2 =	sadd.s32 s2, s17  }
0x8e: {  	[smem:$0x3FAC] =	sst s2  }
0x8f: {  	_ = 	snop  }
0x90: {  	s2 =	sld [smem:$0x3FD0];
	(tm) =	ssettm $0x1  }
0x91: {  	s18 =	sld [smem:$0x3FFB];
	_ =	sdelay $0x3  }
0x92: {  	_ =	strace s18  }
0x93: {  	s3 =	sld [smem:$0x3FFC];
	_ =	sdelay $0x3  }
0x94: {  	_ =	strace s3  }
0x95: {  	s3 =	sld [smem:$0x3FFD];
	_ =	sdelay $0x3  }
0x96: {  	_ =	strace s3  }
0x97: {  	_ =	strace $0x8FFFFFFF  }
0x98: {  	s19 =	sld [smem:$0x3FDB];
	_ =	sdelay $0x1  }
0x99: {  	s4 =	simm.s32 $_scs_section_size  }
0x9a: {  	s5 =	simm.s32 $_size__tile_overlayer_lowered;
	s6 =	simm.s32 $_tile_overlayer_lowered  }
0x9b: {  	s22 =	simm.s32 $0x1BFF;
	s21 =	sshll.u32 s6, $0x1;
	s3 =	sadd.s32 s4, s19  }
0x9c: {  	s7 =	simm.s32 $0x0;
	s20 =	sshll.u32 s5, $0x1;
	s5 =	sadd.s32 s21, s3  }
0x9d: {  	[timem:s7], [sflag:s22] =	dma.local [hbm:s5], s20  }
0x9e: {  	_ =	swait.ge [sflag:s22], s20  }
0x9f: {  	s4 =	ssub.s32 $0x0, s20;
	[sflag:s22] =	ssyncset.done $0x0  }
0xa0: {  	[sflag:s22] =	ssyncadd.s32 s4;
	_ =	sdelay $0x1  }
0xa1: {  	s23 =	simm.s32 $0x1B8B  }
0xa2: {  	_ =	swait.ge [sflag:s23], $0x1  }
0xa3: {  	[sflag:s23] =	ssyncset.done $0x0  }
0xa4: {  	s25 =	simm.s32 $0x1B8E;
	s24 =	sld [smem:$0x3FFE];
	[sflag:s23] =	ssyncadd.s32 $0xFFFFFFFF  }
0xa5: {  	s26 =	simm.s32 $execute0_lowered;
	[smem:$0x3FD2] =	sst s25  }
0xa6: {  	s5 =	sshll.u32 s26, $0x1;
	_ =	strace $0x80000046;
	[dreg:$0x1] =	wrdreg $0xFFFFFFFF  }
0xa7: {  	s28 =	simm.s32 $_size_execute0_lowered;
	s3 =	sadd.s32 s3, s5;
	[dreg:$0x0] =	wrdreg $0x0  }
0xa8: {  	s5 =	sshll.u32 s28, $0x1;
	[dreg:$0x2] =	wrdreg s3  }
0xa9: {  	[dreg:$0x3] =	wrdreg s5  }
0xaa: {  	[dreg:$0x4] =	wrdreg $0xC0  }
0xab: {  	_ =	task [dreg:s7], $0x5FFFF  }
0xac: {  	[dreg:$0x1] =	wrdreg $0xFFFFFFFF  }
0xad: {  	[dreg:$0x0] =	wrdreg $0x60  }
0xae: {  	[dreg:$0x2] =	wrdreg s24  }
0xaf: {  	[dreg:$0x3] =	wrdreg s2  }
0xb0: {  	[dreg:$0x4] =	wrdreg $0x0  }
0xb1: {  	[dreg:$0x5] =	wrdreg $0xA  }
0xb2: {  	_ =	task.clear_ibuf [dreg:s7], $0x6FFFF;
	_ =	strace $0x90000046  }
0xb3: {  	s29 =	simm.s32 $0xA;
	_ =	strace $0x80000048  }
0xb4: {  	_ =	swait.ge [sflag:s29], $0x1  }
0xb5: {  	[sflag:s29] =	ssyncadd.s32 $0xFFFFFFFF  }
0xb6: {  	_ =	strace $0x90000048  }
0xb7: {  	_ =	sfence  }
0xb8: {  	s30 =	sld [smem:$0x0];
	_ =	sdelay $0x2  }
0xb9: {  	s31 =	sshll.u32 s1, $0xD;
	s1 =	sshrl.u32 s1, $0x2  }
0xba: {  	s3 =	sand.u32 $0x4000, s31;
	s1 =	sadd.s32 s1, s30  }
0xbb: {  	s0 =	sor.u32 s3, s0;
	s1 =	sshll.u32 s1, $0x11  }
0xbc: {  	s0 =	sor.u32 s1, s0  }
0xbd: {  	s0 =	sadd.s32 $0x8F2B, s0  }
0xbe: {  	[sflag:s0] =	ssyncadd.remote.s32 $0x1  }
0xbf: {  	_ =	sfence.sel $0xFFFF  }
0xc0: {  	[dreg:$0x0] =	wrdreg $0xFFFFFFFF;
	(pc) =	sbr.abs _section_cstart, $3  }
0xc1: {  	[dreg:$0x1] =	wrdreg $0xFFFFFFFF  }
0xc2: {  	_ =	task.clear_ibuf [dreg:s7], $0x2FFFF;
	_ =	strace $0x9FFFFFFF  }
0xc3: {  	(tm) =	ssettm $0x7FFFFFFF  }
tec
execute0_lowered:
.L_overlay_start_1:
0x0: {  	(tag) =	ssettag $0x1  }
0x1: {  	s5 =	rddreg [dreg:$0x0]  }
0x2: {  	s9 =	rddreg [dreg:$0x1]  }
0x3: {  	s0 =	srdreg.scid;
	s2 =	rddreg [dreg:$0x2]  }
0x4: {  	s1 =	rddreg [dreg:$0x3];
	s6 =	sand.u32 $0x1, s0  }
0x5: {  	s0 =	stileid.u32;
	s4 =	smul.u32 $0x27100, s6  }
0x6: {  	s3 =	simm.s32 $0x0;
	s15 =	simm.s32 $0x50;
	s7 =	smul.u32 $0x2710, s0  }
0x7: {  	s16 =	simm.s32 $0x14100;
	s17 =	simm.s32 $0x1;
	s8 =	smul.u32 $0x14000, s0  }
0x8: {  	s18 =	simm.s32 $0x0;
	[smem:$0x7FF] =	sst s3;
	s10 =	smul.u32 $0x140000, s6  }
0x9: {  	_ =	strace $0x80000047;
	s6 =	ssub.s32 $0x2, s6;
	s28 =	smul.u32 $0x50000, s0  }
0xa: {  	s31 =	sshll.u32 s0, $0x6;
	s29 =	sshrl.u32 s6, $0x1;
	s7 =	sadd.s32 s7, s4  }
0xb: {  	s4 =	sadd.s32 $0xFA00, s5;
	s26 =	sshrl.u32 s8, $0x3;
	s8 =	sadd.s32 s8, s10  }
0xc: {  	s13 =	ssub.s32 s6, s29;
	s30 =	sshrl.u32 s28, $0x2;
	s6 =	sor.u32 $0x1C02, s31  }
0xd: {  	s11 =	sshrl.u32 s7, $0x3;
	s8 =	sshrl.u32 s8, $0x3;
	s7 =	sadd.s32 s26, s5  }
0xe: {  	s14 =	sadd.s32 s30, s2;
	s12 =	sadd.s32 s11, s5;
	s8 =	sadd.s32 s8, s5  }
0xf: {  	s5 =	sadd.s32 $0x37A00, s7;
	s9 =	sadd.s32 s11, s9;
	s11 =	sshrl.u32 s14, $0x3  }
0x10: {  	s14 =	simm.s32 $0x14080;
	s7 =	sadd.s32 $0x5FA00, s8;
	s8 =	smax.u32 s13, $0x1  }
0x11: {  	s10 =	sadd.s32 $0x5C00, s12;
	s12 =	simm.s32 $0x2;
	s13 =	simm.s32 $0x14000  }
.LBB2_1:
0x12: {  	[spmem:s11], [sflag:s6] =	dma.local [hbm:s5], $0x2800  }
0x13: {  	_ =	swait.ge [sflag:s12], $0x2800  }
0x14: {  	[sflag:s12] =	ssyncset.done $0x0  }
0x15: {  	[sflag:s12] =	ssyncadd.s32 $0xFFFFD800  }
0x16: {  	s19 =	sadd.s32 $0x0, s10;
	[bflag:$0x0] =	sbarrier.arrive $0xFFFF  }
0x17: {  	[tilespmem:s13], [sflag:$0x2] =	stream.linear.gather [hbm4b:s19+s3], $0x50, $0x38;
	[tilespmem:$0x16900] =	vst v63  }
0x18: {  	_ =	swait.ge [sflag:s12], $0x50  }
0x19: {  	[sflag:s12] =	ssyncset.done $0x0  }
0x1a: {  	s31 =	sadd.s32 $0x0, s9;
	[sflag:s12] =	ssyncadd.s32 $0xFFFFFFB0  }
0x1b: {  	[tilespmem:s14], [sflag:$0x2] =	stream.linear.gather [hbm4b:s31+s3], $0x50, $0x38;
	[tilespmem:$0x16900] =	vst v63  }
0x1c: {  	_ =	swait.ge [sflag:s12], $0x50  }
0x1d: {  	[sflag:s12] =	ssyncset.done $0x0  }
0x1e: {  	[sflag:s12] =	ssyncadd.s32 $0xFFFFFFB0  }
0x1f: {  	[tilespmem:s16], [sflag:$0x1] =	stream.indirect.gather [hbm4b:s4+s15], $0x80, s13, s15, $0xb8;
	[tilespmem:$0x16900] =	vst v63  }
0x20: {  	_ =	swait.ge [sflag:s17], $0x2800  }
0x21: {  	[sflag:s17] =	ssyncset.done $0x0  }
0x22: {  	[sflag:s17] =	ssyncadd.s32 $0xFFFFD800  }
0x23: {  	[spmem:s2] =	stream.indirect.scatter.add.f32 [tilespmem:s16], [sflag:$0x2], $0x80, s14, s15, $0xb8;
	[tilespmem:$0x16900] =	vst v63  }
0x24: {  	_ =	swait.ge [sflag:s12], $0x2800  }
0x25: {  	s20 =	simm.s32 $0x14;
	s19 =	simm.s32 $0xA;
	[sflag:s12] =	ssyncset.done $0x0  }
.LBB2_2:
0x26: {  	s21 =	sadd.s32 s19, s10  }
0x27: {  	[sflag:s12] =	ssyncadd.s32 $0xFFFFD800;
	s22 =	smov.u32 s20;
	s23 =	sadd.s32 $0xA, s20  }
0x28: {  	[tilespmem:s13], [sflag:$0x2] =	stream.linear.gather [hbm4b:s21+s3], $0x50, $0x38;
	[tilespmem:$0x16900] =	vst v63  }
0x29: {  	p0 =	sne.s32 s20, $0x4D8;
	_ =	swait.ge [sflag:s12], $0x50  }
0x2a: {  	[sflag:s12] =	ssyncset.done $0x0  }
0x2b: {  	s20 =	sadd.s32 s19, s9;
	s19 =	smov.u32 s22;
	[sflag:s12] =	ssyncadd.s32 $0xFFFFFFB0  }
0x2c: {  	[tilespmem:s14], [sflag:$0x2] =	stream.linear.gather [hbm4b:s20+s3], $0x50, $0x38;
	[tilespmem:$0x16900] =	vst v63  }
0x2d: {  	_ =	swait.ge [sflag:s12], $0x50  }
0x2e: {  	[sflag:s12] =	ssyncset.done $0x0  }
0x2f: {  	[sflag:s12] =	ssyncadd.s32 $0xFFFFFFB0  }
0x30: {  	[tilespmem:s16], [sflag:$0x1] =	stream.indirect.gather [hbm4b:s4+s15], $0x80, s13, s15, $0xb8;
	[tilespmem:$0x16900] =	vst v63  }
0x31: {  	_ =	swait.ge [sflag:s17], $0x2800  }
.Ltmp0:
0x32: {  	[sflag:s17] =	ssyncset.done $0x0;
	(pc) =	sbr.rel @p0 .LBB2_2-.Ltmp0, $4  }
0x33: {  	[sflag:s17] =	ssyncadd.s32 $0xFFFFD800  }
0x34: {  	[spmem:s2] =	stream.indirect.scatter.add.f32 [tilespmem:s16], [sflag:$0x2], $0x80, s14, s15, $0xb8;
	[tilespmem:$0x16900] =	vst v63  }
0x35: {  	_ =	swait.ge [sflag:s12], $0x2800  }
0x36: {  	s20 =	smov.u32 s23;
	[sflag:s12] =	ssyncset.done $0x0  }
0x37: {  	s20 =	sadd.s32 s19, s10;
	[sflag:s12] =	ssyncadd.s32 $0xFFFFD800  }
0x38: {  	[tilespmem:s13], [sflag:$0x2] =	stream.linear.gather [hbm4b:s20+s3], $0x50, $0x38;
	[tilespmem:$0x16900] =	vst v63  }
0x39: {  	_ =	swait.ge [sflag:s12], $0x50  }
0x3a: {  	[sflag:s12] =	ssyncset.done $0x0  }
0x3b: {  	s31 =	sadd.s32 s19, s9;
	[sflag:s12] =	ssyncadd.s32 $0xFFFFFFB0  }
0x3c: {  	[tilespmem:s14], [sflag:$0x2] =	stream.linear.gather [hbm4b:s31+s3], $0x50, $0x38;
	[tilespmem:$0x16900] =	vst v63  }
0x3d: {  	_ =	swait.ge [sflag:s12], $0x50  }
0x3e: {  	[sflag:s12] =	ssyncset.done $0x0  }
0x3f: {  	[sflag:s12] =	ssyncadd.s32 $0xFFFFFFB0  }
0x40: {  	[tilespmem:s16], [sflag:$0x1] =	stream.indirect.gather [hbm4b:s4+s15], $0x80, s13, s15, $0xb8;
	[tilespmem:$0x16900] =	vst v63  }
0x41: {  	_ =	swait.ge [sflag:s17], $0x2800  }
0x42: {  	[sflag:s17] =	ssyncset.done $0x0  }
0x43: {  	[sflag:s17] =	ssyncadd.s32 $0xFFFFD800  }
0x44: {  	[spmem:s2] =	stream.indirect.scatter.add.f32 [tilespmem:s16], [sflag:$0x2], $0x80, s14, s15, $0xb8;
	[tilespmem:$0x16900] =	vst v63  }
0x45: {  	_ =	swait.ge [sflag:s12], $0x2800  }
0x46: {  	s18 =	sadd.s32 $0x1, s18;
	[sflag:s12] =	ssyncset.done $0x0  }
0x47: {  	p0 =	sne.s32 s18, s8;
	[sflag:s12] =	ssyncadd.s32 $0xFFFFD800  }
.Ltmp1:
0x48: {  	[bflag:$0x0] =	sbarrier.arrive $0xFFFF;
	(pc) =	sbr.rel @p0 .LBB2_1-.Ltmp1, $4  }
0x49: {  	[hbm:s7], [sflag:s6] =	dma.local [spmem:s11], $0x2800  }
0x4a: {  	_ =	swait.ge [sflag:s12], $0x2800  }
0x4b: {  	[sflag:s12] =	ssyncset.done $0x0  }
0x4c: {  	[sflag:s12] =	ssyncadd.s32 $0xFFFFD800  }
0x4d: {  	_ =	sfence.sel $0x180000  }
0x4e: {  	[bflag:$0x0] =	sbarrier.arrive $0xFFFF  }
0x4f: {  	p0 =	sne.s32 s0, $0x0;
	_ =	strace $0x90000047  }
0x50: {  	s0 =	sadd.s32 @!p0 $0x100000, s1;
	[bflag:$0x2] =	sbarrier.arrive $0xFFFF  }
0x51: {  	[sflag:s0] =	ssyncadd.tile.s32 @!p0 $0x1;
	_ =	shalt  }
.Lfunc_end2:
_tile_overlayer_lowered:
.L_overlay_start_2:
0x52: {  	(tag) =	ssettag $0x2  }
0x53: {  	s0 =	rddreg [dreg:$0x0];
	s2 =	stileid.u32  }
0x54: {  	s1 =	rddreg [dreg:$0x1];
	p0 =	sne.s32 s2, $0x0  }
0x55: {  	s3 =	rddreg [dreg:$0x2];
	[bflag:$0x3] =	sbarrier.arrive $0xFFFF;
	s2 =	simm.s32 @!p0 $0x1C02  }
0x56: {  	[timem:s3], [sflag:s2] =	dma.local @!p0 [hbm:s0], s1  }
0x57: {  	s0 =	simm.s32 @!p0 $0x2  }
0x58: {  	_ =	swait.ge @!p0 [sflag:s0], s1  }
0x59: {  	s1 =	ssub.s32 @!p0 $0x0, s1;
	[sflag:s0] =	ssyncset.done @!p0 $0x0  }
0x5a: {  	[sflag:s0] =	ssyncadd.s32 @!p0 s1  }
0x5b: {  	[bflag:$0x3] =	sbarrier.arrive $0xFFFF  }
0x5c: {  	_ =	shalt  }

// kernel: kernel.18.cloned.1.call-start
scs
__scs_entry_jumppad:
0x0: {  	(pc) =	sbr.rel $0x88, $3  }
0x1: {  	(tag) =	ssettag $0x0;
	lr =	simm.s32 $0x1  }
0x2: {  	[smem:$0x3F85] =	sst lr;
	_ =	strace $0xD0000000  }
0x3: {  	_ = 	snop  }
0x4: {  	_ = 	snop  }
0x5: {  	_ = 	snop  }
0x6: {  	_ = 	snop  }
0x7: {  	_ = 	snop  }
__scs_overlays_trampoline_lowered:
0x8: {  	[smem:$0x3F94] =	sst s0  }
0x9: {  	[smem:$0x3F95] =	sst s1  }
0xa: {  	[smem:$0x3F96] =	sst s2  }
0xb: {  	[smem:$0x3F97] =	sst s3  }
0xc: {  	[smem:$0x3F98] =	sst s4  }
0xd: {  	[smem:$0x3F99] =	sst s5  }
0xe: {  	[smem:$0x3F9A] =	sst s6  }
0xf: {  	[smem:$0x3F9B] =	sst s7  }
0x10: {  	[smem:$0x3F9C] =	sst s8  }
0x11: {  	[smem:$0x3F9D] =	sst s9;
	s0 =	simm.s32 @!p0 $0x0  }
0x12: {  	s1 =	sld [smem:$0x3F83];
	s0 =	simm.s32 @p0 $0x1  }
0x13: {  	[smem:$0x3F9E] =	sst s0;
	s0 =	simm.s32 @!p1 $0x0  }
0x14: {  	s2 =	sld [smem:$0x3F82];
	s0 =	simm.s32 @p1 $0x1  }
0x15: {  	[smem:$0x3F9F] =	sst s0;
	s0 =	simm.s32 @!p2 $0x0  }
0x16: {  	s3 =	sld [smem:$0x3FDB];
	s0 =	simm.s32 @p2 $0x1  }
0x17: {  	s4 =	simm.s32 $0x1BF5;
	[smem:$0x3FA1] =	sst s0  }
0x18: {  	s0 =	sld [smem:$0x3F84];
	_ =	swait.ge [sflag:s4], $0x0  }
0x19: {  	s7 =	sld [smem:$0x3F85]  }
0x1a: {  	s8 =	sadd.s32 $0xFFFFE003, lr  }
0x1b: {  	s9 =	sadd.s32 $0xFFFFFEF7, lr;
	s5 =	simm.s32 $0xFFFFFFFF;
	p2 =	slt.u32 s8, $0xFFFFF086  }
0x1c: {  	p1 =	slt.u32 s9, $0xF7A;
	s5 =	simm.s32 @!p2 $0x0  }
0x1d: {  	s5 =	simm.s32 @p1 $0x1;
	p0 =	seq.s32 s7, s2  }
0x1e: {  	s7 =	smul.u32 @!p0 $0xF7A, s2;
	p2 =	seq.s32 @!p0 s5, $0x0  }
0x1f: {  	s9 =	smul.u32 $0xF7A, s1;
	s8 =	simm.s32 @!p0 $0x1BF5;
	p2 =	por !p2, p0  }
0x20: {  	[sflag:s8] =	ssyncset.s32 @!p0 $0xFFFFF086;
	s6 =	sadd.s32 @!p0 s3, s7;
	s7 =	simm.s32 @!p0 $0x108  }
0x21: {  	s3 =	sadd.s32 s3, s9;
	s6 =	sadd.s32 @!p0 $0x88, s6;
	s7 =	simm.s32 @p2 $0x1082  }
0x22: {  	[simem:s7], [sflag:s8] =	dma.local @!p0 [hbm:s6], $0xF7A  }
0x23: {  	s9 =	sor.u32 $0xD0000000, s2;
	s6 =	simm.s32 $0x108;
	_ =	swait.ge @!p0 [sflag:s8], $0x0  }
0x24: {  	s3 =	sadd.s32 $0x88, s3;
	s6 =	simm.s32 @!p1 $0x1082;
	[sflag:s4] =	ssyncset.s32 $0xFFFFF086  }
0x25: {  	[simem:s6], [sflag:s4] =	dma.local [hbm:s3], $0xF7A  }
0x26: {  	[smem:$0x3F85] =	sst s1;
	(tag) =	ssettag s2;
	_ =	strace s9  }
0x27: {  	s1 =	sld [smem:$0x3F95]  }
0x28: {  	s2 =	sld [smem:$0x3F96]  }
0x29: {  	s4 =	sld [smem:$0x3F98]  }
0x2a: {  	p0 =	seq.s32 s5, $0x0;
	s5 =	sld [smem:$0x3F99]  }
0x2b: {  	s6 =	sld [smem:$0x3F9A]  }
0x2c: {  	s7 =	sld [smem:$0x3F9B]  }
0x2d: {  	s3 =	simm.s32 $0x108;
	s8 =	sld [smem:$0x3F9C]  }
0x2e: {  	s3 =	simm.s32 @!p0 $0x1082;
	s9 =	sld [smem:$0x3F9D]  }
0x2f: {  	lr =	sadd.s32 s0, s3;
	s0 =	sld [smem:$0x3F94]  }
0x30: {  	s3 =	sld [smem:$0x3F97]  }
0x31: {  	[smem:$0x3FA0] =	sst s10  }
0x32: {  	s10 =	sld [smem:$0x3F9E];
	_ =	sdelay $0x3  }
0x33: {  	p0 =	seq.s32 s10, $0x1;
	s10 =	sld [smem:$0x3FA0];
	_ =	sdelay $0x3  }
0x34: {  	[smem:$0x3FA0] =	sst s10  }
0x35: {  	s10 =	sld [smem:$0x3F9F];
	_ =	sdelay $0x3  }
0x36: {  	p1 =	seq.s32 s10, $0x1;
	s10 =	sld [smem:$0x3FA0];
	_ =	sdelay $0x3  }
0x37: {  	[smem:$0x3FA0] =	sst s10  }
0x38: {  	s10 =	sld [smem:$0x3FA1]  }
0x39: {  	_ = 	snop;
	(pc) =	sbr.ind lr, $3  }
0x3a: {  	_ = 	snop  }
0x3b: {  	_ = 	snop  }
0x3c: {  	p2 =	seq.s32 s10, $0x1;
	s10 =	sld [smem:$0x3FA0]  }
0x3d: {  	_ =	shalt  }
0x3e: {  	_ =	shalt  }
0x3f: {  	_ =	shalt  }
0x40: {  	_ =	shalt  }
0x41: {  	_ =	shalt  }
0x42: {  	_ =	shalt  }
0x43: {  	_ =	shalt  }
0x44: {  	_ =	shalt  }
0x45: {  	_ =	shalt  }
0x46: {  	_ =	shalt  }
0x47: {  	_ =	shalt  }
0x48: {  	_ =	shalt  }
0x49: {  	_ =	shalt  }
0x4a: {  	_ =	shalt  }
0x4b: {  	_ =	shalt  }
0x4c: {  	_ =	shalt  }
0x4d: {  	_ =	shalt  }
0x4e: {  	_ =	shalt  }
0x4f: {  	_ =	shalt  }
0x50: {  	_ =	shalt  }
0x51: {  	_ =	shalt  }
0x52: {  	_ =	shalt  }
0x53: {  	_ =	shalt  }
0x54: {  	_ =	shalt  }
0x55: {  	_ =	shalt  }
0x56: {  	_ =	shalt  }
0x57: {  	_ =	shalt  }
0x58: {  	_ =	shalt  }
0x59: {  	_ =	shalt  }
0x5a: {  	_ =	shalt  }
0x5b: {  	_ =	shalt  }
0x5c: {  	_ =	shalt  }
0x5d: {  	_ =	shalt  }
0x5e: {  	_ =	shalt  }
0x5f: {  	_ =	shalt  }
0x60: {  	_ =	shalt  }
0x61: {  	_ =	shalt  }
0x62: {  	_ =	shalt  }
0x63: {  	_ =	shalt  }
0x64: {  	_ =	shalt  }
0x65: {  	_ =	shalt  }
0x66: {  	_ =	shalt  }
0x67: {  	_ =	shalt  }
0x68: {  	_ =	shalt  }
0x69: {  	_ =	shalt  }
0x6a: {  	_ =	shalt  }
0x6b: {  	_ =	shalt  }
0x6c: {  	_ =	shalt  }
0x6d: {  	_ =	shalt  }
0x6e: {  	_ =	shalt  }
0x6f: {  	_ =	shalt  }
0x70: {  	_ =	shalt  }
0x71: {  	_ =	shalt  }
0x72: {  	_ =	shalt  }
0x73: {  	_ =	shalt  }
0x74: {  	_ =	shalt  }
0x75: {  	_ =	shalt  }
0x76: {  	_ =	shalt  }
0x77: {  	_ =	shalt  }
0x78: {  	_ =	shalt  }
0x79: {  	_ =	shalt  }
0x7a: {  	_ =	shalt  }
0x7b: {  	_ =	shalt  }
0x7c: {  	_ =	shalt  }
0x7d: {  	_ =	shalt  }
0x7e: {  	_ =	shalt  }
0x7f: {  	_ =	shalt  }
0x80: {  	_ =	shalt  }
0x81: {  	_ =	shalt  }
0x82: {  	_ =	shalt  }
0x83: {  	_ =	shalt  }
0x84: {  	_ =	shalt  }
0x85: {  	_ =	shalt  }
0x86: {  	_ =	shalt  }
0x87: {  	_ =	shalt  }
.Lfunc_end0:
.L_simem_size_0:
called_computation.2_lowered:
.L_overlay_start_0:
0x88: {  	s2 =	sld [smem:$0x3FD9]  }
0x89: {  	s3 =	sld [smem:$0x3FFE];
	_ =	sdelay $0x1  }
0x8a: {  	s1 =	srdreg.scid  }
0x8b: {  	s0 =	sand.u32 $0x1, s1  }
0x8c: {  	s17 =	sshll.u32 s0, $0xA;
	s2 =	sadd.s32 s3, s2  }
0x8d: {  	s2 =	sadd.s32 s2, s17  }
0x8e: {  	[smem:$0x3FAC] =	sst s2  }
0x8f: {  	_ = 	snop  }
0x90: {  	s18 =	sld [smem:$0x3FD0];
	(tm) =	ssettm $0x1  }
0x91: {  	s19 =	sld [smem:$0x3FFB];
	_ =	sdelay $0x3  }
0x92: {  	_ =	strace s19  }
0x93: {  	s2 =	sld [smem:$0x3FFC];
	_ =	sdelay $0x3  }
0x94: {  	_ =	strace s2  }
0x95: {  	s2 =	sld [smem:$0x3FFD];
	_ =	sdelay $0x3  }
0x96: {  	_ =	strace s2  }
0x97: {  	_ =	strace $0x8FFFFFFF  }
0x98: {  	s20 =	sld [smem:$0x3FDB];
	_ =	sdelay $0x1  }
0x99: {  	s4 =	simm.s32 $_scs_section_size  }
0x9a: {  	s5 =	simm.s32 $_size__tile_overlayer_lowered;
	s6 =	simm.s32 $_tile_overlayer_lowered  }
0x9b: {  	s7 =	simm.s32 $0x1BFF;
	s21 =	sshll.u32 s6, $0x1;
	s4 =	sadd.s32 s4, s20  }
0x9c: {  	s22 =	simm.s32 $0x0;
	s5 =	sshll.u32 s5, $0x1;
	s6 =	sadd.s32 s21, s4  }
0x9d: {  	[timem:s22], [sflag:s7] =	dma.local [hbm:s6], s5  }
0x9e: {  	_ =	swait.ge [sflag:s7], s5  }
0x9f: {  	s5 =	ssub.s32 $0x0, s5;
	[sflag:s7] =	ssyncset.done $0x0  }
0xa0: {  	[sflag:s7] =	ssyncadd.s32 s5;
	_ =	sdelay $0x1  }
0xa1: {  	s23 =	simm.s32 $0x1B8B  }
0xa2: {  	_ =	swait.ge [sflag:s23], $0x1  }
0xa3: {  	[sflag:s23] =	ssyncset.done $0x0  }
0xa4: {  	[sflag:s23] =	ssyncadd.s32 $0xFFFFFFFF  }
0xa5: {  	s5 =	sld [smem:$0x0]  }
0xa6: {  	s6 =	sand.u32 $0xFFFFFFFE, s1  }
0xa7: {  	p0 =	sne.s32 s1, s6  }
0xa8: {  	s6 =	sshll.u32 @p0 s6, $0xE  }
0xa9: {  	s6 =	sadd.s32 @p0 $0x11B8D, s6;
	s7 =	sshll.u32 @p0 s5, $0x11  }
0xaa: {  	s6 =	sor.u32 @p0 s7, s6  }
0xab: {  	[sflag:s6] =	ssyncadd.remote.s32 @p0 $0x1;
	_ =	sdelay $0x1  }
0xac: {  	s6 =	simm.s32 @p0 $0x1B8D  }
0xad: {  	_ =	swait.eq @p0 [sflag:s6], $0x1  }
0xae: {  	[sflag:s6] =	ssyncadd.s32 @p0 $0xFFFFFFFF  }
0xaf: {  	s7 =	sshll.u32 @!p0 s1, $0xE  }
0xb0: {  	s7 =	sor.u32 @!p0 $0x4000, s7;
	s6 =	simm.s32 @!p0 $0x1B8D  }
0xb1: {  	s5 =	sshll.u32 @!p0 s5, $0x11;
	s7 =	sadd.s32 @!p0 $0x11B8D, s7;
	_ =	swait.eq @!p0 [sflag:s6], $0x1  }
0xb2: {  	s5 =	sor.u32 @!p0 s5, s7;
	[sflag:s6] =	ssyncadd.s32 @!p0 $0xFFFFFFFF  }
0xb3: {  	s25 =	simm.s32 $0x1B8E;
	s24 =	sld [smem:$0x3FFE];
	[sflag:s5] =	ssyncadd.remote.s32 @!p0 $0x1  }
0xb4: {  	s26 =	simm.s32 $execute0_lowered;
	[smem:$0x3FD2] =	sst s25  }
0xb5: {  	s6 =	sshll.u32 s26, $0x1;
	_ =	strace $0x8000004F;
	[dreg:$0x1] =	wrdreg $0xFFFFFFFF  }
0xb6: {  	s28 =	simm.s32 $_size_execute0_lowered;
	s4 =	sadd.s32 s4, s6;
	[dreg:$0x0] =	wrdreg $0x0  }
0xb7: {  	s6 =	sshll.u32 s28, $0x1;
	[dreg:$0x2] =	wrdreg s4  }
0xb8: {  	[dreg:$0x3] =	wrdreg s6  }
0xb9: {  	[dreg:$0x4] =	wrdreg $0xC0  }
0xba: {  	_ =	task [dreg:s22], $0x5FFFF  }
0xbb: {  	[dreg:$0x1] =	wrdreg $0xFFFFFFFF  }
0xbc: {  	[dreg:$0x0] =	wrdreg $0x60  }
0xbd: {  	[dreg:$0x2] =	wrdreg s24  }
0xbe: {  	[dreg:$0x3] =	wrdreg s18  }
0xbf: {  	[dreg:$0x4] =	wrdreg $0x0  }
0xc0: {  	[dreg:$0x5] =	wrdreg $0x9  }
0xc1: {  	_ =	task.clear_ibuf [dreg:s22], $0x6FFFF;
	_ =	strace $0x9000004F  }
0xc2: {  	s29 =	simm.s32 $0x9;
	_ =	strace $0x80000051  }
0xc3: {  	_ =	swait.ge [sflag:s29], $0x1  }
0xc4: {  	[sflag:s29] =	ssyncadd.s32 $0xFFFFFFFF  }
0xc5: {  	_ =	strace $0x90000051  }
0xc6: {  	_ =	sfence  }
0xc7: {  	s30 =	sld [smem:$0x0];
	_ =	sdelay $0x2  }
0xc8: {  	s31 =	sshll.u32 s1, $0xD;
	s1 =	sshrl.u32 s1, $0x2  }
0xc9: {  	s4 =	sand.u32 $0x4000, s31;
	s1 =	sadd.s32 s1, s30  }
0xca: {  	s0 =	sor.u32 s4, s0;
	s1 =	sshll.u32 s1, $0x11  }
0xcb: {  	s0 =	sor.u32 s1, s0  }
0xcc: {  	s0 =	sadd.s32 $0x8F2B, s0  }
0xcd: {  	[sflag:s0] =	ssyncadd.remote.s32 $0x1  }
0xce: {  	_ =	sfence.sel $0xFFFF  }
0xcf: {  	[dreg:$0x0] =	wrdreg $0xFFFFFFFF;
	(pc) =	sbr.abs _section_cstart, $3  }
0xd0: {  	[dreg:$0x1] =	wrdreg $0xFFFFFFFF  }
0xd1: {  	_ =	task.clear_ibuf [dreg:s22], $0x2FFFF;
	_ =	strace $0x9FFFFFFF  }
0xd2: {  	(tm) =	ssettm $0x7FFFFFFF  }
0xd3: {  	_ =	shalt  }
tec
execute0_lowered:
.L_overlay_start_1:
0x0: {  	(tag) =	ssettag $0x1  }
0x1: {  	s5 =	rddreg [dreg:$0x0]  }
0x2: {  	s9 =	rddreg [dreg:$0x1]  }
0x3: {  	s0 =	srdreg.scid;
	s2 =	rddreg [dreg:$0x2]  }
0x4: {  	s1 =	rddreg [dreg:$0x3];
	s6 =	sand.u32 $0x1, s0  }
0x5: {  	s0 =	stileid.u32;
	s4 =	smul.u32 $0x27100, s6  }
0x6: {  	s3 =	simm.s32 $0x0;
	s15 =	simm.s32 $0x50;
	s7 =	smul.u32 $0x2710, s0  }
0x7: {  	s16 =	simm.s32 $0x14100;
	s17 =	simm.s32 $0x1;
	s8 =	smul.u32 $0x14000, s0  }
0x8: {  	s18 =	simm.s32 $0x0;
	[smem:$0x7FF] =	sst s3;
	s10 =	smul.u32 $0x140000, s6  }
0x9: {  	_ =	strace $0x80000050;
	s6 =	ssub.s32 $0x2, s6;
	s28 =	smul.u32 $0x50000, s0  }
0xa: {  	s31 =	sshll.u32 s0, $0x6;
	s29 =	sshrl.u32 s6, $0x1;
	s7 =	sadd.s32 s7, s4  }
0xb: {  	s4 =	sadd.s32 $0x100600, s5;
	s26 =	sshrl.u32 s8, $0x3;
	s8 =	sadd.s32 s8, s10  }
0xc: {  	s13 =	ssub.s32 s6, s29;
	s30 =	sshrl.u32 s28, $0x2;
	s6 =	sor.u32 $0x1C02, s31  }
0xd: {  	s11 =	sshrl.u32 s7, $0x3;
	s8 =	sshrl.u32 s8, $0x3;
	s7 =	sadd.s32 s26, s5  }
0xe: {  	s14 =	sadd.s32 s30, s2;
	s12 =	sadd.s32 s11, s5;
	s8 =	sadd.s32 s8, s5  }
0xf: {  	s5 =	sadd.s32 $0x37A00, s7;
	s9 =	sadd.s32 s11, s9;
	s11 =	sshrl.u32 s14, $0x3  }
0x10: {  	s14 =	simm.s32 $0x14080;
	s7 =	sadd.s32 $0x178600, s8;
	s8 =	smax.u32 s13, $0x1  }
0x11: {  	s10 =	sadd.s32 $0x5C00, s12;
	s12 =	simm.s32 $0x2;
	s13 =	simm.s32 $0x14000  }
.LBB2_1:
0x12: {  	[spmem:s11], [sflag:s6] =	dma.local [hbm:s5], $0x2800  }
0x13: {  	_ =	swait.ge [sflag:s12], $0x2800  }
0x14: {  	[sflag:s12] =	ssyncset.done $0x0  }
0x15: {  	[sflag:s12] =	ssyncadd.s32 $0xFFFFD800  }
0x16: {  	s19 =	sadd.s32 $0x0, s10;
	[bflag:$0x0] =	sbarrier.arrive $0xFFFF  }
0x17: {  	[tilespmem:s13], [sflag:$0x2] =	stream.linear.gather [hbm4b:s19+s3], $0x50, $0x38;
	[tilespmem:$0x16900] =	vst v63  }
0x18: {  	_ =	swait.ge [sflag:s12], $0x50  }
0x19: {  	[sflag:s12] =	ssyncset.done $0x0  }
0x1a: {  	s31 =	sadd.s32 $0x0, s9;
	[sflag:s12] =	ssyncadd.s32 $0xFFFFFFB0  }
0x1b: {  	[tilespmem:s14], [sflag:$0x2] =	stream.linear.gather [hbm4b:s31+s3], $0x50, $0x38;
	[tilespmem:$0x16900] =	vst v63  }
0x1c: {  	_ =	swait.ge [sflag:s12], $0x50  }
0x1d: {  	[sflag:s12] =	ssyncset.done $0x0  }
0x1e: {  	[sflag:s12] =	ssyncadd.s32 $0xFFFFFFB0  }
0x1f: {  	[tilespmem:s16], [sflag:$0x1] =	stream.indirect.gather [hbm4b:s4+s15], $0x80, s13, s15, $0xb8;
	[tilespmem:$0x16900] =	vst v63  }
0x20: {  	_ =	swait.ge [sflag:s17], $0x2800  }
0x21: {  	[sflag:s17] =	ssyncset.done $0x0  }
0x22: {  	[sflag:s17] =	ssyncadd.s32 $0xFFFFD800  }
0x23: {  	[spmem:s2] =	stream.indirect.scatter.add.f32 [tilespmem:s16], [sflag:$0x2], $0x80, s14, s15, $0xb8;
	[tilespmem:$0x16900] =	vst v63  }
0x24: {  	_ =	swait.ge [sflag:s12], $0x2800  }
0x25: {  	s20 =	simm.s32 $0x14;
	s19 =	simm.s32 $0xA;
	[sflag:s12] =	ssyncset.done $0x0  }
.LBB2_2:
0x26: {  	s21 =	sadd.s32 s19, s10  }
0x27: {  	[sflag:s12] =	ssyncadd.s32 $0xFFFFD800;
	s22 =	smov.u32 s20;
	s23 =	sadd.s32 $0xA, s20  }
0x28: {  	[tilespmem:s13], [sflag:$0x2] =	stream.linear.gather [hbm4b:s21+s3], $0x50, $0x38;
	[tilespmem:$0x16900] =	vst v63  }
0x29: {  	p0 =	sne.s32 s20, $0x4D8;
	_ =	swait.ge [sflag:s12], $0x50  }
0x2a: {  	[sflag:s12] =	ssyncset.done $0x0  }
0x2b: {  	s20 =	sadd.s32 s19, s9;
	s19 =	smov.u32 s22;
	[sflag:s12] =	ssyncadd.s32 $0xFFFFFFB0  }
0x2c: {  	[tilespmem:s14], [sflag:$0x2] =	stream.linear.gather [hbm4b:s20+s3], $0x50, $0x38;
	[tilespmem:$0x16900] =	vst v63  }
0x2d: {  	_ =	swait.ge [sflag:s12], $0x50  }
0x2e: {  	[sflag:s12] =	ssyncset.done $0x0  }
0x2f: {  	[sflag:s12] =	ssyncadd.s32 $0xFFFFFFB0  }
0x30: {  	[tilespmem:s16], [sflag:$0x1] =	stream.indirect.gather [hbm4b:s4+s15], $0x80, s13, s15, $0xb8;
	[tilespmem:$0x16900] =	vst v63  }
0x31: {  	_ =	swait.ge [sflag:s17], $0x2800  }
.Ltmp0:
0x32: {  	[sflag:s17] =	ssyncset.done $0x0;
	(pc) =	sbr.rel @p0 .LBB2_2-.Ltmp0, $4  }
0x33: {  	[sflag:s17] =	ssyncadd.s32 $0xFFFFD800  }
0x34: {  	[spmem:s2] =	stream.indirect.scatter.add.f32 [tilespmem:s16], [sflag:$0x2], $0x80, s14, s15, $0xb8;
	[tilespmem:$0x16900] =	vst v63  }
0x35: {  	_ =	swait.ge [sflag:s12], $0x2800  }
0x36: {  	s20 =	smov.u32 s23;
	[sflag:s12] =	ssyncset.done $0x0  }
0x37: {  	s20 =	sadd.s32 s19, s10;
	[sflag:s12] =	ssyncadd.s32 $0xFFFFD800  }
0x38: {  	[tilespmem:s13], [sflag:$0x2] =	stream.linear.gather [hbm4b:s20+s3], $0x50, $0x38;
	[tilespmem:$0x16900] =	vst v63  }
0x39: {  	_ =	swait.ge [sflag:s12], $0x50  }
0x3a: {  	[sflag:s12] =	ssyncset.done $0x0  }
0x3b: {  	s31 =	sadd.s32 s19, s9;
	[sflag:s12] =	ssyncadd.s32 $0xFFFFFFB0  }
0x3c: {  	[tilespmem:s14], [sflag:$0x2] =	stream.linear.gather [hbm4b:s31+s3], $0x50, $0x38;
	[tilespmem:$0x16900] =	vst v63  }
0x3d: {  	_ =	swait.ge [sflag:s12], $0x50  }
0x3e: {  	[sflag:s12] =	ssyncset.done $0x0  }
0x3f: {  	[sflag:s12] =	ssyncadd.s32 $0xFFFFFFB0  }
0x40: {  	[tilespmem:s16], [sflag:$0x1] =	stream.indirect.gather [hbm4b:s4+s15], $0x80, s13, s15, $0xb8;
	[tilespmem:$0x16900] =	vst v63  }
0x41: {  	_ =	swait.ge [sflag:s17], $0x2800  }
0x42: {  	[sflag:s17] =	ssyncset.done $0x0  }
0x43: {  	[sflag:s17] =	ssyncadd.s32 $0xFFFFD800  }
0x44: {  	[spmem:s2] =	stream.indirect.scatter.add.f32 [tilespmem:s16], [sflag:$0x2], $0x80, s14, s15, $0xb8;
	[tilespmem:$0x16900] =	vst v63  }
0x45: {  	_ =	swait.ge [sflag:s12], $0x2800  }
0x46: {  	s18 =	sadd.s32 $0x1, s18;
	[sflag:s12] =	ssyncset.done $0x0  }
0x47: {  	p0 =	sne.s32 s18, s8;
	[sflag:s12] =	ssyncadd.s32 $0xFFFFD800  }
.Ltmp1:
0x48: {  	[bflag:$0x0] =	sbarrier.arrive $0xFFFF;
	(pc) =	sbr.rel @p0 .LBB2_1-.Ltmp1, $4  }
0x49: {  	[hbm:s7], [sflag:s6] =	dma.local [spmem:s11], $0x2800  }
0x4a: {  	_ =	swait.ge [sflag:s12], $0x2800  }
0x4b: {  	[sflag:s12] =	ssyncset.done $0x0  }
0x4c: {  	[sflag:s12] =	ssyncadd.s32 $0xFFFFD800  }
0x4d: {  	_ =	sfence.sel $0x180000  }
0x4e: {  	[bflag:$0x0] =	sbarrier.arrive $0xFFFF  }
0x4f: {  	p0 =	sne.s32 s0, $0x0;
	_ =	strace $0x90000050  }
0x50: {  	s0 =	sadd.s32 @!p0 $0x100000, s1;
	[bflag:$0x2] =	sbarrier.arrive $0xFFFF  }
0x51: {  	[sflag:s0] =	ssyncadd.tile.s32 @!p0 $0x1;
	_ =	shalt  }
.Lfunc_end2:
_tile_overlayer_lowered:
.L_overlay_start_2:
0x52: {  	(tag) =	ssettag $0x2  }
0x53: {  	s0 =	rddreg [dreg:$0x0];
	s2 =	stileid.u32  }
0x54: {  	s1 =	rddreg [dreg:$0x1];
	p0 =	sne.s32 s2, $0x0  }
0x55: {  	s3 =	rddreg [dreg:$0x2];
	[bflag:$0x3] =	sbarrier.arrive $0xFFFF;
	s2 =	simm.s32 @!p0 $0x1C02  }
0x56: {  	[timem:s3], [sflag:s2] =	dma.local @!p0 [hbm:s0], s1  }
0x57: {  	s0 =	simm.s32 @!p0 $0x2  }
0x58: {  	_ =	swait.ge @!p0 [sflag:s0], s1  }
0x59: {  	s1 =	ssub.s32 @!p0 $0x0, s1;
	[sflag:s0] =	ssyncset.done @!p0 $0x0  }
0x5a: {  	[sflag:s0] =	ssyncadd.s32 @!p0 s1  }
0x5b: {  	[bflag:$0x3] =	sbarrier.arrive $0xFFFF  }
0x5c: {  	_ =	shalt  }

// kernel: kernel.21.cloned.1.call-start
scs
__scs_entry_jumppad:
0x0: {  	(pc) =	sbr.rel $0x88, $3  }
0x1: {  	(tag) =	ssettag $0x0;
	lr =	simm.s32 $0x1  }
0x2: {  	[smem:$0x3F85] =	sst lr;
	_ =	strace $0xD0000000  }
0x3: {  	_ = 	snop  }
0x4: {  	_ = 	snop  }
0x5: {  	_ = 	snop  }
0x6: {  	_ = 	snop  }
0x7: {  	_ = 	snop  }
__scs_overlays_trampoline_lowered:
0x8: {  	[smem:$0x3F94] =	sst s0  }
0x9: {  	[smem:$0x3F95] =	sst s1  }
0xa: {  	[smem:$0x3F96] =	sst s2  }
0xb: {  	[smem:$0x3F97] =	sst s3  }
0xc: {  	[smem:$0x3F98] =	sst s4  }
0xd: {  	[smem:$0x3F99] =	sst s5  }
0xe: {  	[smem:$0x3F9A] =	sst s6  }
0xf: {  	[smem:$0x3F9B] =	sst s7  }
0x10: {  	[smem:$0x3F9C] =	sst s8  }
0x11: {  	[smem:$0x3F9D] =	sst s9;
	s0 =	simm.s32 @!p0 $0x0  }
0x12: {  	s1 =	sld [smem:$0x3F83];
	s0 =	simm.s32 @p0 $0x1  }
0x13: {  	[smem:$0x3F9E] =	sst s0;
	s0 =	simm.s32 @!p1 $0x0  }
0x14: {  	s2 =	sld [smem:$0x3F82];
	s0 =	simm.s32 @p1 $0x1  }
0x15: {  	[smem:$0x3F9F] =	sst s0;
	s0 =	simm.s32 @!p2 $0x0  }
0x16: {  	s3 =	sld [smem:$0x3FDB];
	s0 =	simm.s32 @p2 $0x1  }
0x17: {  	s4 =	simm.s32 $0x1BF5;
	[smem:$0x3FA1] =	sst s0  }
0x18: {  	s0 =	sld [smem:$0x3F84];
	_ =	swait.ge [sflag:s4], $0x0  }
0x19: {  	s7 =	sld [smem:$0x3F85]  }
0x1a: {  	s8 =	sadd.s32 $0xFFFFE003, lr  }
0x1b: {  	s9 =	sadd.s32 $0xFFFFFEF7, lr;
	s5 =	simm.s32 $0xFFFFFFFF;
	p2 =	slt.u32 s8, $0xFFFFF086  }
0x1c: {  	p1 =	slt.u32 s9, $0xF7A;
	s5 =	simm.s32 @!p2 $0x0  }
0x1d: {  	s5 =	simm.s32 @p1 $0x1;
	p0 =	seq.s32 s7, s2  }
0x1e: {  	s7 =	smul.u32 @!p0 $0xF7A, s2;
	p2 =	seq.s32 @!p0 s5, $0x0  }
0x1f: {  	s9 =	smul.u32 $0xF7A, s1;
	s8 =	simm.s32 @!p0 $0x1BF5;
	p2 =	por !p2, p0  }
0x20: {  	[sflag:s8] =	ssyncset.s32 @!p0 $0xFFFFF086;
	s6 =	sadd.s32 @!p0 s3, s7;
	s7 =	simm.s32 @!p0 $0x108  }
0x21: {  	s3 =	sadd.s32 s3, s9;
	s6 =	sadd.s32 @!p0 $0x88, s6;
	s7 =	simm.s32 @p2 $0x1082  }
0x22: {  	[simem:s7], [sflag:s8] =	dma.local @!p0 [hbm:s6], $0xF7A  }
0x23: {  	s9 =	sor.u32 $0xD0000000, s2;
	s6 =	simm.s32 $0x108;
	_ =	swait.ge @!p0 [sflag:s8], $0x0  }
0x24: {  	s3 =	sadd.s32 $0x88, s3;
	s6 =	simm.s32 @!p1 $0x1082;
	[sflag:s4] =	ssyncset.s32 $0xFFFFF086  }
0x25: {  	[simem:s6], [sflag:s4] =	dma.local [hbm:s3], $0xF7A  }
0x26: {  	[smem:$0x3F85] =	sst s1;
	(tag) =	ssettag s2;
	_ =	strace s9  }
0x27: {  	s1 =	sld [smem:$0x3F95]  }
0x28: {  	s2 =	sld [smem:$0x3F96]  }
0x29: {  	s4 =	sld [smem:$0x3F98]  }
0x2a: {  	p0 =	seq.s32 s5, $0x0;
	s5 =	sld [smem:$0x3F99]  }
0x2b: {  	s6 =	sld [smem:$0x3F9A]  }
0x2c: {  	s7 =	sld [smem:$0x3F9B]  }
0x2d: {  	s3 =	simm.s32 $0x108;
	s8 =	sld [smem:$0x3F9C]  }
0x2e: {  	s3 =	simm.s32 @!p0 $0x1082;
	s9 =	sld [smem:$0x3F9D]  }
0x2f: {  	lr =	sadd.s32 s0, s3;
	s0 =	sld [smem:$0x3F94]  }
0x30: {  	s3 =	sld [smem:$0x3F97]  }
0x31: {  	[smem:$0x3FA0] =	sst s10  }
0x32: {  	s10 =	sld [smem:$0x3F9E];
	_ =	sdelay $0x3  }
0x33: {  	p0 =	seq.s32 s10, $0x1;
	s10 =	sld [smem:$0x3FA0];
	_ =	sdelay $0x3  }
0x34: {  	[smem:$0x3FA0] =	sst s10  }
0x35: {  	s10 =	sld [smem:$0x3F9F];
	_ =	sdelay $0x3  }
0x36: {  	p1 =	seq.s32 s10, $0x1;
	s10 =	sld [smem:$0x3FA0];
	_ =	sdelay $0x3  }
0x37: {  	[smem:$0x3FA0] =	sst s10  }
0x38: {  	s10 =	sld [smem:$0x3FA1]  }
0x39: {  	_ = 	snop;
	(pc) =	sbr.ind lr, $3  }
0x3a: {  	_ = 	snop  }
0x3b: {  	_ = 	snop  }
0x3c: {  	p2 =	seq.s32 s10, $0x1;
	s10 =	sld [smem:$0x3FA0]  }
0x3d: {  	_ =	shalt  }
0x3e: {  	_ =	shalt  }
0x3f: {  	_ =	shalt  }
0x40: {  	_ =	shalt  }
0x41: {  	_ =	shalt  }
0x42: {  	_ =	shalt  }
0x43: {  	_ =	shalt  }
0x44: {  	_ =	shalt  }
0x45: {  	_ =	shalt  }
0x46: {  	_ =	shalt  }
0x47: {  	_ =	shalt  }
0x48: {  	_ =	shalt  }
0x49: {  	_ =	shalt  }
0x4a: {  	_ =	shalt  }
0x4b: {  	_ =	shalt  }
0x4c: {  	_ =	shalt  }
0x4d: {  	_ =	shalt  }
0x4e: {  	_ =	shalt  }
0x4f: {  	_ =	shalt  }
0x50: {  	_ =	shalt  }
0x51: {  	_ =	shalt  }
0x52: {  	_ =	shalt  }
0x53: {  	_ =	shalt  }
0x54: {  	_ =	shalt  }
0x55: {  	_ =	shalt  }
0x56: {  	_ =	shalt  }
0x57: {  	_ =	shalt  }
0x58: {  	_ =	shalt  }
0x59: {  	_ =	shalt  }
0x5a: {  	_ =	shalt  }
0x5b: {  	_ =	shalt  }
0x5c: {  	_ =	shalt  }
0x5d: {  	_ =	shalt  }
0x5e: {  	_ =	shalt  }
0x5f: {  	_ =	shalt  }
0x60: {  	_ =	shalt  }
0x61: {  	_ =	shalt  }
0x62: {  	_ =	shalt  }
0x63: {  	_ =	shalt  }
0x64: {  	_ =	shalt  }
0x65: {  	_ =	shalt  }
0x66: {  	_ =	shalt  }
0x67: {  	_ =	shalt  }
0x68: {  	_ =	shalt  }
0x69: {  	_ =	shalt  }
0x6a: {  	_ =	shalt  }
0x6b: {  	_ =	shalt  }
0x6c: {  	_ =	shalt  }
0x6d: {  	_ =	shalt  }
0x6e: {  	_ =	shalt  }
0x6f: {  	_ =	shalt  }
0x70: {  	_ =	shalt  }
0x71: {  	_ =	shalt  }
0x72: {  	_ =	shalt  }
0x73: {  	_ =	shalt  }
0x74: {  	_ =	shalt  }
0x75: {  	_ =	shalt  }
0x76: {  	_ =	shalt  }
0x77: {  	_ =	shalt  }
0x78: {  	_ =	shalt  }
0x79: {  	_ =	shalt  }
0x7a: {  	_ =	shalt  }
0x7b: {  	_ =	shalt  }
0x7c: {  	_ =	shalt  }
0x7d: {  	_ =	shalt  }
0x7e: {  	_ =	shalt  }
0x7f: {  	_ =	shalt  }
0x80: {  	_ =	shalt  }
0x81: {  	_ =	shalt  }
0x82: {  	_ =	shalt  }
0x83: {  	_ =	shalt  }
0x84: {  	_ =	shalt  }
0x85: {  	_ =	shalt  }
0x86: {  	_ =	shalt  }
0x87: {  	_ =	shalt  }
.Lfunc_end0:
.L_simem_size_0:
called_computation.3_lowered:
.L_overlay_start_0:
0x88: {  	s2 =	sld [smem:$0x3FD9]  }
0x89: {  	s3 =	sld [smem:$0x3FFE];
	_ =	sdelay $0x1  }
0x8a: {  	s1 =	srdreg.scid  }
0x8b: {  	s0 =	sand.u32 $0x1, s1  }
0x8c: {  	s17 =	sshll.u32 s0, $0xA;
	s2 =	sadd.s32 s3, s2  }
0x8d: {  	s2 =	sadd.s32 s2, s17  }
0x8e: {  	[smem:$0x3FAC] =	sst s2  }
0x8f: {  	_ = 	snop  }
0x90: {  	s18 =	sld [smem:$0x3FD0];
	(tm) =	ssettm $0x1  }
0x91: {  	s19 =	sld [smem:$0x3FFB];
	_ =	sdelay $0x3  }
0x92: {  	_ =	strace s19  }
0x93: {  	s2 =	sld [smem:$0x3FFC];
	_ =	sdelay $0x3  }
0x94: {  	_ =	strace s2  }
0x95: {  	s2 =	sld [smem:$0x3FFD];
	_ =	sdelay $0x3  }
0x96: {  	_ =	strace s2  }
0x97: {  	_ =	strace $0x8FFFFFFF  }
0x98: {  	s20 =	sld [smem:$0x3FDB];
	_ =	sdelay $0x1  }
0x99: {  	s4 =	simm.s32 $_scs_section_size  }
0x9a: {  	s5 =	simm.s32 $_size__tile_overlayer_lowered;
	s6 =	simm.s32 $_tile_overlayer_lowered  }
0x9b: {  	s7 =	simm.s32 $0x1BFF;
	s21 =	sshll.u32 s6, $0x1;
	s4 =	sadd.s32 s4, s20  }
0x9c: {  	s22 =	simm.s32 $0x0;
	s5 =	sshll.u32 s5, $0x1;
	s6 =	sadd.s32 s21, s4  }
0x9d: {  	[timem:s22], [sflag:s7] =	dma.local [hbm:s6], s5  }
0x9e: {  	_ =	swait.ge [sflag:s7], s5  }
0x9f: {  	s5 =	ssub.s32 $0x0, s5;
	[sflag:s7] =	ssyncset.done $0x0  }
0xa0: {  	[sflag:s7] =	ssyncadd.s32 s5;
	_ =	sdelay $0x1  }
0xa1: {  	s23 =	simm.s32 $0x1B8B  }
0xa2: {  	_ =	swait.ge [sflag:s23], $0x1  }
0xa3: {  	[sflag:s23] =	ssyncset.done $0x0  }
0xa4: {  	[sflag:s23] =	ssyncadd.s32 $0xFFFFFFFF  }
0xa5: {  	s5 =	sld [smem:$0x0]  }
0xa6: {  	s6 =	sand.u32 $0xFFFFFFFE, s1  }
0xa7: {  	p0 =	sne.s32 s1, s6  }
0xa8: {  	s6 =	sshll.u32 @p0 s6, $0xE  }
0xa9: {  	s6 =	sadd.s32 @p0 $0x11B8D, s6;
	s7 =	sshll.u32 @p0 s5, $0x11  }
0xaa: {  	s6 =	sor.u32 @p0 s7, s6  }
0xab: {  	[sflag:s6] =	ssyncadd.remote.s32 @p0 $0x1;
	_ =	sdelay $0x1  }
0xac: {  	s6 =	simm.s32 @p0 $0x1B8D  }
0xad: {  	_ =	swait.eq @p0 [sflag:s6], $0x1  }
0xae: {  	[sflag:s6] =	ssyncadd.s32 @p0 $0xFFFFFFFF  }
0xaf: {  	s7 =	sshll.u32 @!p0 s1, $0xE  }
0xb0: {  	s7 =	sor.u32 @!p0 $0x4000, s7;
	s6 =	simm.s32 @!p0 $0x1B8D  }
0xb1: {  	s5 =	sshll.u32 @!p0 s5, $0x11;
	s7 =	sadd.s32 @!p0 $0x11B8D, s7;
	_ =	swait.eq @!p0 [sflag:s6], $0x1  }
0xb2: {  	s5 =	sor.u32 @!p0 s5, s7;
	[sflag:s6] =	ssyncadd.s32 @!p0 $0xFFFFFFFF  }
0xb3: {  	s25 =	simm.s32 $0x1B8E;
	s24 =	sld [smem:$0x3FFE];
	[sflag:s5] =	ssyncadd.remote.s32 @!p0 $0x1  }
0xb4: {  	s26 =	simm.s32 $execute0_lowered;
	[smem:$0x3FD2] =	sst s25  }
0xb5: {  	s6 =	sshll.u32 s26, $0x1;
	_ =	strace $0x80000052;
	[dreg:$0x1] =	wrdreg $0xFFFFFFFF  }
0xb6: {  	s28 =	simm.s32 $_size_execute0_lowered;
	s4 =	sadd.s32 s4, s6;
	[dreg:$0x0] =	wrdreg $0x0  }
0xb7: {  	s6 =	sshll.u32 s28, $0x1;
	[dreg:$0x2] =	wrdreg s4  }
0xb8: {  	[dreg:$0x3] =	wrdreg s6  }
0xb9: {  	[dreg:$0x4] =	wrdreg $0xC0  }
0xba: {  	_ =	task [dreg:s22], $0x5FFFF  }
0xbb: {  	[dreg:$0x1] =	wrdreg $0xFFFFFFFF  }
0xbc: {  	[dreg:$0x0] =	wrdreg $0x60  }
0xbd: {  	[dreg:$0x2] =	wrdreg s24  }
0xbe: {  	[dreg:$0x3] =	wrdreg s18  }
0xbf: {  	[dreg:$0x4] =	wrdreg $0x0  }
0xc0: {  	[dreg:$0x5] =	wrdreg $0xA  }
0xc1: {  	_ =	task.clear_ibuf [dreg:s22], $0x6FFFF;
	_ =	strace $0x90000052  }
0xc2: {  	s29 =	simm.s32 $0xA;
	_ =	strace $0x80000054  }
0xc3: {  	_ =	swait.ge [sflag:s29], $0x1  }
0xc4: {  	[sflag:s29] =	ssyncadd.s32 $0xFFFFFFFF  }
0xc5: {  	_ =	strace $0x90000054  }
0xc6: {  	_ =	sfence  }
0xc7: {  	s30 =	sld [smem:$0x0];
	_ =	sdelay $0x2  }
0xc8: {  	s31 =	sshll.u32 s1, $0xD;
	s1 =	sshrl.u32 s1, $0x2  }
0xc9: {  	s4 =	sand.u32 $0x4000, s31;
	s1 =	sadd.s32 s1, s30  }
0xca: {  	s0 =	sor.u32 s4, s0;
	s1 =	sshll.u32 s1, $0x11  }
0xcb: {  	s0 =	sor.u32 s1, s0  }
0xcc: {  	s0 =	sadd.s32 $0x8F2B, s0  }
0xcd: {  	[sflag:s0] =	ssyncadd.remote.s32 $0x1  }
0xce: {  	_ =	sfence.sel $0xFFFF  }
0xcf: {  	[dreg:$0x0] =	wrdreg $0xFFFFFFFF;
	(pc) =	sbr.abs _section_cstart, $3  }
0xd0: {  	[dreg:$0x1] =	wrdreg $0xFFFFFFFF  }
0xd1: {  	_ =	task.clear_ibuf [dreg:s22], $0x2FFFF;
	_ =	strace $0x9FFFFFFF  }
0xd2: {  	(tm) =	ssettm $0x7FFFFFFF  }
0xd3: {  	_ =	shalt  }
tec
execute0_lowered:
.L_overlay_start_1:
0x0: {  	(tag) =	ssettag $0x1  }
0x1: {  	s5 =	rddreg [dreg:$0x0]  }
0x2: {  	s9 =	rddreg [dreg:$0x1]  }
0x3: {  	s0 =	srdreg.scid;
	s2 =	rddreg [dreg:$0x2]  }
0x4: {  	s1 =	rddreg [dreg:$0x3];
	s6 =	sand.u32 $0x1, s0  }
0x5: {  	s0 =	stileid.u32;
	s4 =	smul.u32 $0x27100, s6  }
0x6: {  	s3 =	simm.s32 $0x0;
	s15 =	simm.s32 $0x50;
	s7 =	smul.u32 $0x2710, s0  }
0x7: {  	s16 =	simm.s32 $0x14100;
	s17 =	simm.s32 $0x1;
	s8 =	smul.u32 $0x14000, s0  }
0x8: {  	s18 =	simm.s32 $0x0;
	[smem:$0x7FF] =	sst s3;
	s10 =	smul.u32 $0x140000, s6  }
0x9: {  	_ =	strace $0x80000053;
	s6 =	ssub.s32 $0x2, s6;
	s28 =	smul.u32 $0x50000, s0  }
0xa: {  	s31 =	sshll.u32 s0, $0x6;
	s29 =	sshrl.u32 s6, $0x1;
	s7 =	sadd.s32 s7, s4  }
0xb: {  	s4 =	sadd.s32 $0x87A00, s5;
	s26 =	sshrl.u32 s8, $0x3;
	s8 =	sadd.s32 s8, s10  }
0xc: {  	s13 =	ssub.s32 s6, s29;
	s30 =	sshrl.u32 s28, $0x2;
	s6 =	sor.u32 $0x1C02, s31  }
0xd: {  	s11 =	sshrl.u32 s7, $0x3;
	s8 =	sshrl.u32 s8, $0x3;
	s7 =	sadd.s32 s26, s5  }
0xe: {  	s14 =	sadd.s32 s30, s2;
	s12 =	sadd.s32 s11, s5;
	s8 =	sadd.s32 s8, s5  }
0xf: {  	s5 =	sadd.s32 $0x37A00, s7;
	s9 =	sadd.s32 s11, s9;
	s11 =	sshrl.u32 s14, $0x3  }
0x10: {  	s14 =	simm.s32 $0x14080;
	s7 =	sadd.s32 $0x1C8600, s8;
	s8 =	smax.u32 s13, $0x1  }
0x11: {  	s10 =	sadd.s32 $0x5C00, s12;
	s12 =	simm.s32 $0x2;
	s13 =	simm.s32 $0x14000  }
.LBB2_1:
0x12: {  	[spmem:s11], [sflag:s6] =	dma.local [hbm:s5], $0x2800  }
0x13: {  	_ =	swait.ge [sflag:s12], $0x2800  }
0x14: {  	[sflag:s12] =	ssyncset.done $0x0  }
0x15: {  	[sflag:s12] =	ssyncadd.s32 $0xFFFFD800  }
0x16: {  	s19 =	sadd.s32 $0x0, s10;
	[bflag:$0x0] =	sbarrier.arrive $0xFFFF  }
0x17: {  	[tilespmem:s13], [sflag:$0x2] =	stream.linear.gather [hbm4b:s19+s3], $0x50, $0x38;
	[tilespmem:$0x16900] =	vst v63  }
0x18: {  	_ =	swait.ge [sflag:s12], $0x50  }
0x19: {  	[sflag:s12] =	ssyncset.done $0x0  }
0x1a: {  	s31 =	sadd.s32 $0x0, s9;
	[sflag:s12] =	ssyncadd.s32 $0xFFFFFFB0  }
0x1b: {  	[tilespmem:s14], [sflag:$0x2] =	stream.linear.gather [hbm4b:s31+s3], $0x50, $0x38;
	[tilespmem:$0x16900] =	vst v63  }
0x1c: {  	_ =	swait.ge [sflag:s12], $0x50  }
0x1d: {  	[sflag:s12] =	ssyncset.done $0x0  }
0x1e: {  	[sflag:s12] =	ssyncadd.s32 $0xFFFFFFB0  }
0x1f: {  	[tilespmem:s16], [sflag:$0x1] =	stream.indirect.gather [hbm4b:s4+s15], $0x80, s13, s15, $0xb8;
	[tilespmem:$0x16900] =	vst v63  }
0x20: {  	_ =	swait.ge [sflag:s17], $0x2800  }
0x21: {  	[sflag:s17] =	ssyncset.done $0x0  }
0x22: {  	[sflag:s17] =	ssyncadd.s32 $0xFFFFD800  }
0x23: {  	[spmem:s2] =	stream.indirect.scatter.add.f32 [tilespmem:s16], [sflag:$0x2], $0x80, s14, s15, $0xb8;
	[tilespmem:$0x16900] =	vst v63  }
0x24: {  	_ =	swait.ge [sflag:s12], $0x2800  }
0x25: {  	s20 =	simm.s32 $0x14;
	s19 =	simm.s32 $0xA;
	[sflag:s12] =	ssyncset.done $0x0  }
.LBB2_2:
0x26: {  	s21 =	sadd.s32 s19, s10  }
0x27: {  	[sflag:s12] =	ssyncadd.s32 $0xFFFFD800;
	s22 =	smov.u32 s20;
	s23 =	sadd.s32 $0xA, s20  }
0x28: {  	[tilespmem:s13], [sflag:$0x2] =	stream.linear.gather [hbm4b:s21+s3], $0x50, $0x38;
	[tilespmem:$0x16900] =	vst v63  }
0x29: {  	p0 =	sne.s32 s20, $0x4D8;
	_ =	swait.ge [sflag:s12], $0x50  }
0x2a: {  	[sflag:s12] =	ssyncset.done $0x0  }
0x2b: {  	s20 =	sadd.s32 s19, s9;
	s19 =	smov.u32 s22;
	[sflag:s12] =	ssyncadd.s32 $0xFFFFFFB0  }
0x2c: {  	[tilespmem:s14], [sflag:$0x2] =	stream.linear.gather [hbm4b:s20+s3], $0x50, $0x38;
	[tilespmem:$0x16900] =	vst v63  }
0x2d: {  	_ =	swait.ge [sflag:s12], $0x50  }
0x2e: {  	[sflag:s12] =	ssyncset.done $0x0  }
0x2f: {  	[sflag:s12] =	ssyncadd.s32 $0xFFFFFFB0  }
0x30: {  	[tilespmem:s16], [sflag:$0x1] =	stream.indirect.gather [hbm4b:s4+s15], $0x80, s13, s15, $0xb8;
	[tilespmem:$0x16900] =	vst v63  }
0x31: {  	_ =	swait.ge [sflag:s17], $0x2800  }
.Ltmp0:
0x32: {  	[sflag:s17] =	ssyncset.done $0x0;
	(pc) =	sbr.rel @p0 .LBB2_2-.Ltmp0, $4  }
0x33: {  	[sflag:s17] =	ssyncadd.s32 $0xFFFFD800  }
0x34: {  	[spmem:s2] =	stream.indirect.scatter.add.f32 [tilespmem:s16], [sflag:$0x2], $0x80, s14, s15, $0xb8;
	[tilespmem:$0x16900] =	vst v63  }
0x35: {  	_ =	swait.ge [sflag:s12], $0x2800  }
0x36: {  	s20 =	smov.u32 s23;
	[sflag:s12] =	ssyncset.done $0x0  }
0x37: {  	s20 =	sadd.s32 s19, s10;
	[sflag:s12] =	ssyncadd.s32 $0xFFFFD800  }
0x38: {  	[tilespmem:s13], [sflag:$0x2] =	stream.linear.gather [hbm4b:s20+s3], $0x50, $0x38;
	[tilespmem:$0x16900] =	vst v63  }
0x39: {  	_ =	swait.ge [sflag:s12], $0x50  }
0x3a: {  	[sflag:s12] =	ssyncset.done $0x0  }
0x3b: {  	s31 =	sadd.s32 s19, s9;
	[sflag:s12] =	ssyncadd.s32 $0xFFFFFFB0  }
0x3c: {  	[tilespmem:s14], [sflag:$0x2] =	stream.linear.gather [hbm4b:s31+s3], $0x50, $0x38;
	[tilespmem:$0x16900] =	vst v63  }
0x3d: {  	_ =	swait.ge [sflag:s12], $0x50  }
0x3e: {  	[sflag:s12] =	ssyncset.done $0x0  }
0x3f: {  	[sflag:s12] =	ssyncadd.s32 $0xFFFFFFB0  }
0x40: {  	[tilespmem:s16], [sflag:$0x1] =	stream.indirect.gather [hbm4b:s4+s15], $0x80, s13, s15, $0xb8;
	[tilespmem:$0x16900] =	vst v63  }
0x41: {  	_ =	swait.ge [sflag:s17], $0x2800  }
0x42: {  	[sflag:s17] =	ssyncset.done $0x0  }
0x43: {  	[sflag:s17] =	ssyncadd.s32 $0xFFFFD800  }
0x44: {  	[spmem:s2] =	stream.indirect.scatter.add.f32 [tilespmem:s16], [sflag:$0x2], $0x80, s14, s15, $0xb8;
	[tilespmem:$0x16900] =	vst v63  }
0x45: {  	_ =	swait.ge [sflag:s12], $0x2800  }
0x46: {  	s18 =	sadd.s32 $0x1, s18;
	[sflag:s12] =	ssyncset.done $0x0  }
0x47: {  	p0 =	sne.s32 s18, s8;
	[sflag:s12] =	ssyncadd.s32 $0xFFFFD800  }
.Ltmp1:
0x48: {  	[bflag:$0x0] =	sbarrier.arrive $0xFFFF;
	(pc) =	sbr.rel @p0 .LBB2_1-.Ltmp1, $4  }
0x49: {  	[hbm:s7], [sflag:s6] =	dma.local [spmem:s11], $0x2800  }
0x4a: {  	_ =	swait.ge [sflag:s12], $0x2800  }
0x4b: {  	[sflag:s12] =	ssyncset.done $0x0  }
0x4c: {  	[sflag:s12] =	ssyncadd.s32 $0xFFFFD800  }
0x4d: {  	_ =	sfence.sel $0x180000  }
0x4e: {  	[bflag:$0x0] =	sbarrier.arrive $0xFFFF  }
0x4f: {  	p0 =	sne.s32 s0, $0x0;
	_ =	strace $0x90000053  }
0x50: {  	s0 =	sadd.s32 @!p0 $0x100000, s1;
	[bflag:$0x2] =	sbarrier.arrive $0xFFFF  }
0x51: {  	[sflag:s0] =	ssyncadd.tile.s32 @!p0 $0x1;
	_ =	shalt  }
.Lfunc_end2:
_tile_overlayer_lowered:
.L_overlay_start_2:
0x52: {  	(tag) =	ssettag $0x2  }
0x53: {  	s0 =	rddreg [dreg:$0x0];
	s2 =	stileid.u32  }
0x54: {  	s1 =	rddreg [dreg:$0x1];
	p0 =	sne.s32 s2, $0x0  }
0x55: {  	s3 =	rddreg [dreg:$0x2];
	[bflag:$0x3] =	sbarrier.arrive $0xFFFF;
	s2 =	simm.s32 @!p0 $0x1C02  }
0x56: {  	[timem:s3], [sflag:s2] =	dma.local @!p0 [hbm:s0], s1  }
0x57: {  	s0 =	simm.s32 @!p0 $0x2  }
0x58: {  	_ =	swait.ge @!p0 [sflag:s0], s1  }
0x59: {  	s1 =	ssub.s32 @!p0 $0x0, s1;
	[sflag:s0] =	ssyncset.done @!p0 $0x0  }
0x5a: {  	[sflag:s0] =	ssyncadd.s32 @!p0 s1  }
0x5b: {  	[bflag:$0x3] =	sbarrier.arrive $0xFFFF  }
0x5c: {  	_ =	shalt  }

// kernel: kernel.24.cloned.1.call-start
scs
__scs_entry_jumppad:
0x0: {  	(pc) =	sbr.rel $0x88, $3  }
0x1: {  	(tag) =	ssettag $0x0;
	lr =	simm.s32 $0x1  }
0x2: {  	[smem:$0x3F85] =	sst lr;
	_ =	strace $0xD0000000  }
0x3: {  	_ = 	snop  }
0x4: {  	_ = 	snop  }
0x5: {  	_ = 	snop  }
0x6: {  	_ = 	snop  }
0x7: {  	_ = 	snop  }
__scs_overlays_trampoline_lowered:
0x8: {  	[smem:$0x3F94] =	sst s0  }
0x9: {  	[smem:$0x3F95] =	sst s1  }
0xa: {  	[smem:$0x3F96] =	sst s2  }
0xb: {  	[smem:$0x3F97] =	sst s3  }
0xc: {  	[smem:$0x3F98] =	sst s4  }
0xd: {  	[smem:$0x3F99] =	sst s5  }
0xe: {  	[smem:$0x3F9A] =	sst s6  }
0xf: {  	[smem:$0x3F9B] =	sst s7  }
0x10: {  	[smem:$0x3F9C] =	sst s8  }
0x11: {  	[smem:$0x3F9D] =	sst s9;
	s0 =	simm.s32 @!p0 $0x0  }
0x12: {  	s1 =	sld [smem:$0x3F83];
	s0 =	simm.s32 @p0 $0x1  }
0x13: {  	[smem:$0x3F9E] =	sst s0;
	s0 =	simm.s32 @!p1 $0x0  }
0x14: {  	s2 =	sld [smem:$0x3F82];
	s0 =	simm.s32 @p1 $0x1  }
0x15: {  	[smem:$0x3F9F] =	sst s0;
	s0 =	simm.s32 @!p2 $0x0  }
0x16: {  	s3 =	sld [smem:$0x3FDB];
	s0 =	simm.s32 @p2 $0x1  }
0x17: {  	s4 =	simm.s32 $0x1BF5;
	[smem:$0x3FA1] =	sst s0  }
0x18: {  	s0 =	sld [smem:$0x3F84];
	_ =	swait.ge [sflag:s4], $0x0  }
0x19: {  	s7 =	sld [smem:$0x3F85]  }
0x1a: {  	s8 =	sadd.s32 $0xFFFFE003, lr  }
0x1b: {  	s9 =	sadd.s32 $0xFFFFFEF7, lr;
	s5 =	simm.s32 $0xFFFFFFFF;
	p2 =	slt.u32 s8, $0xFFFFF086  }
0x1c: {  	p1 =	slt.u32 s9, $0xF7A;
	s5 =	simm.s32 @!p2 $0x0  }
0x1d: {  	s5 =	simm.s32 @p1 $0x1;
	p0 =	seq.s32 s7, s2  }
0x1e: {  	s7 =	smul.u32 @!p0 $0xF7A, s2;
	p2 =	seq.s32 @!p0 s5, $0x0  }
0x1f: {  	s9 =	smul.u32 $0xF7A, s1;
	s8 =	simm.s32 @!p0 $0x1BF5;
	p2 =	por !p2, p0  }
0x20: {  	[sflag:s8] =	ssyncset.s32 @!p0 $0xFFFFF086;
	s6 =	sadd.s32 @!p0 s3, s7;
	s7 =	simm.s32 @!p0 $0x108  }
0x21: {  	s3 =	sadd.s32 s3, s9;
	s6 =	sadd.s32 @!p0 $0x88, s6;
	s7 =	simm.s32 @p2 $0x1082  }
0x22: {  	[simem:s7], [sflag:s8] =	dma.local @!p0 [hbm:s6], $0xF7A  }
0x23: {  	s9 =	sor.u32 $0xD0000000, s2;
	s6 =	simm.s32 $0x108;
	_ =	swait.ge @!p0 [sflag:s8], $0x0  }
0x24: {  	s3 =	sadd.s32 $0x88, s3;
	s6 =	simm.s32 @!p1 $0x1082;
	[sflag:s4] =	ssyncset.s32 $0xFFFFF086  }
0x25: {  	[simem:s6], [sflag:s4] =	dma.local [hbm:s3], $0xF7A  }
0x26: {  	[smem:$0x3F85] =	sst s1;
	(tag) =	ssettag s2;
	_ =	strace s9  }
0x27: {  	s1 =	sld [smem:$0x3F95]  }
0x28: {  	s2 =	sld [smem:$0x3F96]  }
0x29: {  	s4 =	sld [smem:$0x3F98]  }
0x2a: {  	p0 =	seq.s32 s5, $0x0;
	s5 =	sld [smem:$0x3F99]  }
0x2b: {  	s6 =	sld [smem:$0x3F9A]  }
0x2c: {  	s7 =	sld [smem:$0x3F9B]  }
0x2d: {  	s3 =	simm.s32 $0x108;
	s8 =	sld [smem:$0x3F9C]  }
0x2e: {  	s3 =	simm.s32 @!p0 $0x1082;
	s9 =	sld [smem:$0x3F9D]  }
0x2f: {  	lr =	sadd.s32 s0, s3;
	s0 =	sld [smem:$0x3F94]  }
0x30: {  	s3 =	sld [smem:$0x3F97]  }
0x31: {  	[smem:$0x3FA0] =	sst s10  }
0x32: {  	s10 =	sld [smem:$0x3F9E];
	_ =	sdelay $0x3  }
0x33: {  	p0 =	seq.s32 s10, $0x1;
	s10 =	sld [smem:$0x3FA0];
	_ =	sdelay $0x3  }
0x34: {  	[smem:$0x3FA0] =	sst s10  }
0x35: {  	s10 =	sld [smem:$0x3F9F];
	_ =	sdelay $0x3  }
0x36: {  	p1 =	seq.s32 s10, $0x1;
	s10 =	sld [smem:$0x3FA0];
	_ =	sdelay $0x3  }
0x37: {  	[smem:$0x3FA0] =	sst s10  }
0x38: {  	s10 =	sld [smem:$0x3FA1]  }
0x39: {  	_ = 	snop;
	(pc) =	sbr.ind lr, $3  }
0x3a: {  	_ = 	snop  }
0x3b: {  	_ = 	snop  }
0x3c: {  	p2 =	seq.s32 s10, $0x1;
	s10 =	sld [smem:$0x3FA0]  }
0x3d: {  	_ =	shalt  }
0x3e: {  	_ =	shalt  }
0x3f: {  	_ =	shalt  }
0x40: {  	_ =	shalt  }
0x41: {  	_ =	shalt  }
0x42: {  	_ =	shalt  }
0x43: {  	_ =	shalt  }
0x44: {  	_ =	shalt  }
0x45: {  	_ =	shalt  }
0x46: {  	_ =	shalt  }
0x47: {  	_ =	shalt  }
0x48: {  	_ =	shalt  }
0x49: {  	_ =	shalt  }
0x4a: {  	_ =	shalt  }
0x4b: {  	_ =	shalt  }
0x4c: {  	_ =	shalt  }
0x4d: {  	_ =	shalt  }
0x4e: {  	_ =	shalt  }
0x4f: {  	_ =	shalt  }
0x50: {  	_ =	shalt  }
0x51: {  	_ =	shalt  }
0x52: {  	_ =	shalt  }
0x53: {  	_ =	shalt  }
0x54: {  	_ =	shalt  }
0x55: {  	_ =	shalt  }
0x56: {  	_ =	shalt  }
0x57: {  	_ =	shalt  }
0x58: {  	_ =	shalt  }
0x59: {  	_ =	shalt  }
0x5a: {  	_ =	shalt  }
0x5b: {  	_ =	shalt  }
0x5c: {  	_ =	shalt  }
0x5d: {  	_ =	shalt  }
0x5e: {  	_ =	shalt  }
0x5f: {  	_ =	shalt  }
0x60: {  	_ =	shalt  }
0x61: {  	_ =	shalt  }
0x62: {  	_ =	shalt  }
0x63: {  	_ =	shalt  }
0x64: {  	_ =	shalt  }
0x65: {  	_ =	shalt  }
0x66: {  	_ =	shalt  }
0x67: {  	_ =	shalt  }
0x68: {  	_ =	shalt  }
0x69: {  	_ =	shalt  }
0x6a: {  	_ =	shalt  }
0x6b: {  	_ =	shalt  }
0x6c: {  	_ =	shalt  }
0x6d: {  	_ =	shalt  }
0x6e: {  	_ =	shalt  }
0x6f: {  	_ =	shalt  }
0x70: {  	_ =	shalt  }
0x71: {  	_ =	shalt  }
0x72: {  	_ =	shalt  }
0x73: {  	_ =	shalt  }
0x74: {  	_ =	shalt  }
0x75: {  	_ =	shalt  }
0x76: {  	_ =	shalt  }
0x77: {  	_ =	shalt  }
0x78: {  	_ =	shalt  }
0x79: {  	_ =	shalt  }
0x7a: {  	_ =	shalt  }
0x7b: {  	_ =	shalt  }
0x7c: {  	_ =	shalt  }
0x7d: {  	_ =	shalt  }
0x7e: {  	_ =	shalt  }
0x7f: {  	_ =	shalt  }
0x80: {  	_ =	shalt  }
0x81: {  	_ =	shalt  }
0x82: {  	_ =	shalt  }
0x83: {  	_ =	shalt  }
0x84: {  	_ =	shalt  }
0x85: {  	_ =	shalt  }
0x86: {  	_ =	shalt  }
0x87: {  	_ =	shalt  }
.Lfunc_end0:
.L_simem_size_0:
called_computation.4_lowered:
.L_overlay_start_0:
0x88: {  	s2 =	sld [smem:$0x3FD9]  }
0x89: {  	s3 =	sld [smem:$0x3FFE];
	_ =	sdelay $0x1  }
0x8a: {  	s1 =	srdreg.scid  }
0x8b: {  	s0 =	sand.u32 $0x1, s1  }
0x8c: {  	s17 =	sshll.u32 s0, $0xA;
	s2 =	sadd.s32 s3, s2  }
0x8d: {  	s2 =	sadd.s32 s2, s17  }
0x8e: {  	[smem:$0x3FAC] =	sst s2  }
0x8f: {  	_ = 	snop  }
0x90: {  	s2 =	sld [smem:$0x3FD0];
	(tm) =	ssettm $0x1  }
0x91: {  	s18 =	sld [smem:$0x3FFB];
	_ =	sdelay $0x3  }
0x92: {  	_ =	strace s18  }
0x93: {  	s3 =	sld [smem:$0x3FFC];
	_ =	sdelay $0x3  }
0x94: {  	_ =	strace s3  }
0x95: {  	s3 =	sld [smem:$0x3FFD];
	_ =	sdelay $0x3  }
0x96: {  	_ =	strace s3  }
0x97: {  	_ =	strace $0x8FFFFFFF  }
0x98: {  	s19 =	sld [smem:$0x3FDB];
	_ =	sdelay $0x1  }
0x99: {  	s4 =	simm.s32 $_scs_section_size  }
0x9a: {  	s5 =	simm.s32 $_size__tile_overlayer_lowered;
	s6 =	simm.s32 $_tile_overlayer_lowered  }
0x9b: {  	s22 =	simm.s32 $0x1BFF;
	s21 =	sshll.u32 s6, $0x1;
	s3 =	sadd.s32 s4, s19  }
0x9c: {  	s7 =	simm.s32 $0x0;
	s20 =	sshll.u32 s5, $0x1;
	s5 =	sadd.s32 s21, s3  }
0x9d: {  	[timem:s7], [sflag:s22] =	dma.local [hbm:s5], s20  }
0x9e: {  	_ =	swait.ge [sflag:s22], s20  }
0x9f: {  	s4 =	ssub.s32 $0x0, s20;
	[sflag:s22] =	ssyncset.done $0x0  }
0xa0: {  	[sflag:s22] =	ssyncadd.s32 s4;
	_ =	sdelay $0x1  }
0xa1: {  	s23 =	simm.s32 $0x1B8B  }
0xa2: {  	_ =	swait.ge [sflag:s23], $0x1  }
0xa3: {  	[sflag:s23] =	ssyncset.done $0x0  }
0xa4: {  	s25 =	simm.s32 $0x1B8E;
	s24 =	sld [smem:$0x3FFE];
	[sflag:s23] =	ssyncadd.s32 $0xFFFFFFFF  }
0xa5: {  	s26 =	simm.s32 $execute0_lowered;
	[smem:$0x3FD2] =	sst s25  }
0xa6: {  	s5 =	sshll.u32 s26, $0x1;
	_ =	strace $0x8000004C;
	[dreg:$0x1] =	wrdreg $0xFFFFFFFF  }
0xa7: {  	s28 =	simm.s32 $_size_execute0_lowered;
	s3 =	sadd.s32 s3, s5;
	[dreg:$0x0] =	wrdreg $0x0  }
0xa8: {  	s5 =	sshll.u32 s28, $0x1;
	[dreg:$0x2] =	wrdreg s3  }
0xa9: {  	[dreg:$0x3] =	wrdreg s5  }
0xaa: {  	[dreg:$0x4] =	wrdreg $0xC0  }
0xab: {  	_ =	task [dreg:s7], $0x5FFFF  }
0xac: {  	[dreg:$0x1] =	wrdreg $0xFFFFFFFF  }
0xad: {  	[dreg:$0x0] =	wrdreg $0x60  }
0xae: {  	[dreg:$0x2] =	wrdreg s24  }
0xaf: {  	[dreg:$0x3] =	wrdreg s2  }
0xb0: {  	[dreg:$0x4] =	wrdreg $0x0  }
0xb1: {  	[dreg:$0x5] =	wrdreg $0xB  }
0xb2: {  	_ =	task.clear_ibuf [dreg:s7], $0x6FFFF;
	_ =	strace $0x9000004C  }
0xb3: {  	s29 =	simm.s32 $0xB;
	_ =	strace $0x8000004E  }
0xb4: {  	_ =	swait.ge [sflag:s29], $0x1  }
0xb5: {  	[sflag:s29] =	ssyncadd.s32 $0xFFFFFFFF  }
0xb6: {  	_ =	strace $0x9000004E  }
0xb7: {  	_ =	sfence  }
0xb8: {  	s30 =	sld [smem:$0x0];
	_ =	sdelay $0x2  }
0xb9: {  	s31 =	sshll.u32 s1, $0xD;
	s1 =	sshrl.u32 s1, $0x2  }
0xba: {  	s3 =	sand.u32 $0x4000, s31;
	s1 =	sadd.s32 s1, s30  }
0xbb: {  	s0 =	sor.u32 s3, s0;
	s1 =	sshll.u32 s1, $0x11  }
0xbc: {  	s0 =	sor.u32 s1, s0  }
0xbd: {  	s0 =	sadd.s32 $0x8F2B, s0  }
0xbe: {  	[sflag:s0] =	ssyncadd.remote.s32 $0x1  }
0xbf: {  	_ =	sfence.sel $0xFFFF  }
0xc0: {  	[dreg:$0x0] =	wrdreg $0xFFFFFFFF;
	(pc) =	sbr.abs _section_cstart, $3  }
0xc1: {  	[dreg:$0x1] =	wrdreg $0xFFFFFFFF  }
0xc2: {  	_ =	task.clear_ibuf [dreg:s7], $0x2FFFF;
	_ =	strace $0x9FFFFFFF  }
0xc3: {  	(tm) =	ssettm $0x7FFFFFFF  }
tec
execute0_lowered:
.L_overlay_start_1:
0x0: {  	(tag) =	ssettag $0x1  }
0x1: {  	s5 =	rddreg [dreg:$0x0]  }
0x2: {  	s9 =	rddreg [dreg:$0x1]  }
0x3: {  	s0 =	srdreg.scid;
	s2 =	rddreg [dreg:$0x2]  }
0x4: {  	s1 =	rddreg [dreg:$0x3];
	s6 =	sand.u32 $0x1, s0  }
0x5: {  	s0 =	stileid.u32;
	s4 =	smul.u32 $0x27100, s6  }
0x6: {  	s3 =	simm.s32 $0x0;
	s15 =	simm.s32 $0x50;
	s7 =	smul.u32 $0x2710, s0  }
0x7: {  	s16 =	simm.s32 $0x14100;
	s17 =	simm.s32 $0x1;
	s8 =	smul.u32 $0x14000, s0  }
0x8: {  	s18 =	simm.s32 $0x0;
	[smem:$0x7FF] =	sst s3;
	s10 =	smul.u32 $0x140000, s6  }
0x9: {  	_ =	strace $0x8000004D;
	s6 =	ssub.s32 $0x2, s6;
	s28 =	smul.u32 $0x50000, s0  }
0xa: {  	s31 =	sshll.u32 s0, $0x6;
	s29 =	sshrl.u32 s6, $0x1;
	s7 =	sadd.s32 s7, s4  }
0xb: {  	s4 =	sadd.s32 $0x5FA00, s5;
	s26 =	sshrl.u32 s8, $0x3;
	s8 =	sadd.s32 s8, s10  }
0xc: {  	s13 =	ssub.s32 s6, s29;
	s30 =	sshrl.u32 s28, $0x2;
	s6 =	sor.u32 $0x1C02, s31  }
0xd: {  	s11 =	sshrl.u32 s7, $0x3;
	s8 =	sshrl.u32 s8, $0x3;
	s7 =	sadd.s32 s26, s5  }
0xe: {  	s14 =	sadd.s32 s30, s2;
	s12 =	sadd.s32 s11, s5;
	s8 =	sadd.s32 s8, s5  }
0xf: {  	s5 =	sadd.s32 $0x37A00, s7;
	s9 =	sadd.s32 s11, s9;
	s11 =	sshrl.u32 s14, $0x3  }
0x10: {  	s14 =	simm.s32 $0x14080;
	s7 =	sadd.s32 $0x128600, s8;
	s8 =	smax.u32 s13, $0x1  }
0x11: {  	s10 =	sadd.s32 $0x5C00, s12;
	s12 =	simm.s32 $0x2;
	s13 =	simm.s32 $0x14000  }
.LBB2_1:
0x12: {  	[spmem:s11], [sflag:s6] =	dma.local [hbm:s5], $0x2800  }
0x13: {  	_ =	swait.ge [sflag:s12], $0x2800  }
0x14: {  	[sflag:s12] =	ssyncset.done $0x0  }
0x15: {  	[sflag:s12] =	ssyncadd.s32 $0xFFFFD800  }
0x16: {  	s19 =	sadd.s32 $0x0, s10;
	[bflag:$0x0] =	sbarrier.arrive $0xFFFF  }
0x17: {  	[tilespmem:s13], [sflag:$0x2] =	stream.linear.gather [hbm4b:s19+s3], $0x50, $0x38;
	[tilespmem:$0x16900] =	vst v63  }
0x18: {  	_ =	swait.ge [sflag:s12], $0x50  }
0x19: {  	[sflag:s12] =	ssyncset.done $0x0  }
0x1a: {  	s31 =	sadd.s32 $0x0, s9;
	[sflag:s12] =	ssyncadd.s32 $0xFFFFFFB0  }
0x1b: {  	[tilespmem:s14], [sflag:$0x2] =	stream.linear.gather [hbm4b:s31+s3], $0x50, $0x38;
	[tilespmem:$0x16900] =	vst v63  }
0x1c: {  	_ =	swait.ge [sflag:s12], $0x50  }
0x1d: {  	[sflag:s12] =	ssyncset.done $0x0  }
0x1e: {  	[sflag:s12] =	ssyncadd.s32 $0xFFFFFFB0  }
0x1f: {  	[tilespmem:s16], [sflag:$0x1] =	stream.indirect.gather [hbm4b:s4+s15], $0x80, s13, s15, $0xb8;
	[tilespmem:$0x16900] =	vst v63  }
0x20: {  	_ =	swait.ge [sflag:s17], $0x2800  }
0x21: {  	[sflag:s17] =	ssyncset.done $0x0  }
0x22: {  	[sflag:s17] =	ssyncadd.s32 $0xFFFFD800  }
0x23: {  	[spmem:s2] =	stream.indirect.scatter.add.f32 [tilespmem:s16], [sflag:$0x2], $0x80, s14, s15, $0xb8;
	[tilespmem:$0x16900] =	vst v63  }
0x24: {  	_ =	swait.ge [sflag:s12], $0x2800  }
0x25: {  	s20 =	simm.s32 $0x14;
	s19 =	simm.s32 $0xA;
	[sflag:s12] =	ssyncset.done $0x0  }
.LBB2_2:
0x26: {  	s21 =	sadd.s32 s19, s10  }
0x27: {  	[sflag:s12] =	ssyncadd.s32 $0xFFFFD800;
	s22 =	smov.u32 s20;
	s23 =	sadd.s32 $0xA, s20  }
0x28: {  	[tilespmem:s13], [sflag:$0x2] =	stream.linear.gather [hbm4b:s21+s3], $0x50, $0x38;
	[tilespmem:$0x16900] =	vst v63  }
0x29: {  	p0 =	sne.s32 s20, $0x4D8;
	_ =	swait.ge [sflag:s12], $0x50  }
0x2a: {  	[sflag:s12] =	ssyncset.done $0x0  }
0x2b: {  	s20 =	sadd.s32 s19, s9;
	s19 =	smov.u32 s22;
	[sflag:s12] =	ssyncadd.s32 $0xFFFFFFB0  }
0x2c: {  	[tilespmem:s14], [sflag:$0x2] =	stream.linear.gather [hbm4b:s20+s3], $0x50, $0x38;
	[tilespmem:$0x16900] =	vst v63  }
0x2d: {  	_ =	swait.ge [sflag:s12], $0x50  }
0x2e: {  	[sflag:s12] =	ssyncset.done $0x0  }
0x2f: {  	[sflag:s12] =	ssyncadd.s32 $0xFFFFFFB0  }
0x30: {  	[tilespmem:s16], [sflag:$0x1] =	stream.indirect.gather [hbm4b:s4+s15], $0x80, s13, s15, $0xb8;
	[tilespmem:$0x16900] =	vst v63  }
0x31: {  	_ =	swait.ge [sflag:s17], $0x2800  }
.Ltmp0:
0x32: {  	[sflag:s17] =	ssyncset.done $0x0;
	(pc) =	sbr.rel @p0 .LBB2_2-.Ltmp0, $4  }
0x33: {  	[sflag:s17] =	ssyncadd.s32 $0xFFFFD800  }
0x34: {  	[spmem:s2] =	stream.indirect.scatter.add.f32 [tilespmem:s16], [sflag:$0x2], $0x80, s14, s15, $0xb8;
	[tilespmem:$0x16900] =	vst v63  }
0x35: {  	_ =	swait.ge [sflag:s12], $0x2800  }
0x36: {  	s20 =	smov.u32 s23;
	[sflag:s12] =	ssyncset.done $0x0  }
0x37: {  	s20 =	sadd.s32 s19, s10;
	[sflag:s12] =	ssyncadd.s32 $0xFFFFD800  }
0x38: {  	[tilespmem:s13], [sflag:$0x2] =	stream.linear.gather [hbm4b:s20+s3], $0x50, $0x38;
	[tilespmem:$0x16900] =	vst v63  }
0x39: {  	_ =	swait.ge [sflag:s12], $0x50  }
0x3a: {  	[sflag:s12] =	ssyncset.done $0x0  }
0x3b: {  	s31 =	sadd.s32 s19, s9;
	[sflag:s12] =	ssyncadd.s32 $0xFFFFFFB0  }
0x3c: {  	[tilespmem:s14], [sflag:$0x2] =	stream.linear.gather [hbm4b:s31+s3], $0x50, $0x38;
	[tilespmem:$0x16900] =	vst v63  }
0x3d: {  	_ =	swait.ge [sflag:s12], $0x50  }
0x3e: {  	[sflag:s12] =	ssyncset.done $0x0  }
0x3f: {  	[sflag:s12] =	ssyncadd.s32 $0xFFFFFFB0  }
0x40: {  	[tilespmem:s16], [sflag:$0x1] =	stream.indirect.gather [hbm4b:s4+s15], $0x80, s13, s15, $0xb8;
	[tilespmem:$0x16900] =	vst v63  }
0x41: {  	_ =	swait.ge [sflag:s17], $0x2800  }
0x42: {  	[sflag:s17] =	ssyncset.done $0x0  }
0x43: {  	[sflag:s17] =	ssyncadd.s32 $0xFFFFD800  }
0x44: {  	[spmem:s2] =	stream.indirect.scatter.add.f32 [tilespmem:s16], [sflag:$0x2], $0x80, s14, s15, $0xb8;
	[tilespmem:$0x16900] =	vst v63  }
0x45: {  	_ =	swait.ge [sflag:s12], $0x2800  }
0x46: {  	s18 =	sadd.s32 $0x1, s18;
	[sflag:s12] =	ssyncset.done $0x0  }
0x47: {  	p0 =	sne.s32 s18, s8;
	[sflag:s12] =	ssyncadd.s32 $0xFFFFD800  }
.Ltmp1:
0x48: {  	[bflag:$0x0] =	sbarrier.arrive $0xFFFF;
	(pc) =	sbr.rel @p0 .LBB2_1-.Ltmp1, $4  }
0x49: {  	[hbm:s7], [sflag:s6] =	dma.local [spmem:s11], $0x2800  }
0x4a: {  	_ =	swait.ge [sflag:s12], $0x2800  }
0x4b: {  	[sflag:s12] =	ssyncset.done $0x0  }
0x4c: {  	[sflag:s12] =	ssyncadd.s32 $0xFFFFD800  }
0x4d: {  	_ =	sfence.sel $0x180000  }
0x4e: {  	[bflag:$0x0] =	sbarrier.arrive $0xFFFF  }
0x4f: {  	p0 =	sne.s32 s0, $0x0;
	_ =	strace $0x9000004D  }
0x50: {  	s0 =	sadd.s32 @!p0 $0x100000, s1;
	[bflag:$0x2] =	sbarrier.arrive $0xFFFF  }
0x51: {  	[sflag:s0] =	ssyncadd.tile.s32 @!p0 $0x1;
	_ =	shalt  }
.Lfunc_end2:
_tile_overlayer_lowered:
.L_overlay_start_2:
0x52: {  	(tag) =	ssettag $0x2  }
0x53: {  	s0 =	rddreg [dreg:$0x0];
	s2 =	stileid.u32  }
0x54: {  	s1 =	rddreg [dreg:$0x1];
	p0 =	sne.s32 s2, $0x0  }
0x55: {  	s3 =	rddreg [dreg:$0x2];
	[bflag:$0x3] =	sbarrier.arrive $0xFFFF;
	s2 =	simm.s32 @!p0 $0x1C02  }
0x56: {  	[timem:s3], [sflag:s2] =	dma.local @!p0 [hbm:s0], s1  }
0x57: {  	s0 =	simm.s32 @!p0 $0x2  }
0x58: {  	_ =	swait.ge @!p0 [sflag:s0], s1  }
0x59: {  	s1 =	ssub.s32 @!p0 $0x0, s1;
	[sflag:s0] =	ssyncset.done @!p0 $0x0  }
0x5a: {  	[sflag:s0] =	ssyncadd.s32 @!p0 s1  }
0x5b: {  	[bflag:$0x3] =	sbarrier.arrive $0xFFFF  }
0x5c: {  	_ =	shalt  }

// kernel: kernel.27.cloned.1.call-start
scs
__scs_entry_jumppad:
0x0: {  	(pc) =	sbr.rel $0x88, $3  }
0x1: {  	(tag) =	ssettag $0x0;
	lr =	simm.s32 $0x1  }
0x2: {  	[smem:$0x3F85] =	sst lr;
	_ =	strace $0xD0000000  }
0x3: {  	_ = 	snop  }
0x4: {  	_ = 	snop  }
0x5: {  	_ = 	snop  }
0x6: {  	_ = 	snop  }
0x7: {  	_ = 	snop  }
__scs_overlays_trampoline_lowered:
0x8: {  	[smem:$0x3F94] =	sst s0  }
0x9: {  	[smem:$0x3F95] =	sst s1  }
0xa: {  	[smem:$0x3F96] =	sst s2  }
0xb: {  	[smem:$0x3F97] =	sst s3  }
0xc: {  	[smem:$0x3F98] =	sst s4  }
0xd: {  	[smem:$0x3F99] =	sst s5  }
0xe: {  	[smem:$0x3F9A] =	sst s6  }
0xf: {  	[smem:$0x3F9B] =	sst s7  }
0x10: {  	[smem:$0x3F9C] =	sst s8  }
0x11: {  	[smem:$0x3F9D] =	sst s9;
	s0 =	simm.s32 @!p0 $0x0  }
0x12: {  	s1 =	sld [smem:$0x3F83];
	s0 =	simm.s32 @p0 $0x1  }
0x13: {  	[smem:$0x3F9E] =	sst s0;
	s0 =	simm.s32 @!p1 $0x0  }
0x14: {  	s2 =	sld [smem:$0x3F82];
	s0 =	simm.s32 @p1 $0x1  }
0x15: {  	[smem:$0x3F9F] =	sst s0;
	s0 =	simm.s32 @!p2 $0x0  }
0x16: {  	s3 =	sld [smem:$0x3FDB];
	s0 =	simm.s32 @p2 $0x1  }
0x17: {  	s4 =	simm.s32 $0x1BF5;
	[smem:$0x3FA1] =	sst s0  }
0x18: {  	s0 =	sld [smem:$0x3F84];
	_ =	swait.ge [sflag:s4], $0x0  }
0x19: {  	s7 =	sld [smem:$0x3F85]  }
0x1a: {  	s8 =	sadd.s32 $0xFFFFE003, lr  }
0x1b: {  	s9 =	sadd.s32 $0xFFFFFEF7, lr;
	s5 =	simm.s32 $0xFFFFFFFF;
	p2 =	slt.u32 s8, $0xFFFFF086  }
0x1c: {  	p1 =	slt.u32 s9, $0xF7A;
	s5 =	simm.s32 @!p2 $0x0  }
0x1d: {  	s5 =	simm.s32 @p1 $0x1;
	p0 =	seq.s32 s7, s2  }
0x1e: {  	s7 =	smul.u32 @!p0 $0xF7A, s2;
	p2 =	seq.s32 @!p0 s5, $0x0  }
0x1f: {  	s9 =	smul.u32 $0xF7A, s1;
	s8 =	simm.s32 @!p0 $0x1BF5;
	p2 =	por !p2, p0  }
0x20: {  	[sflag:s8] =	ssyncset.s32 @!p0 $0xFFFFF086;
	s6 =	sadd.s32 @!p0 s3, s7;
	s7 =	simm.s32 @!p0 $0x108  }
0x21: {  	s3 =	sadd.s32 s3, s9;
	s6 =	sadd.s32 @!p0 $0x88, s6;
	s7 =	simm.s32 @p2 $0x1082  }
0x22: {  	[simem:s7], [sflag:s8] =	dma.local @!p0 [hbm:s6], $0xF7A  }
0x23: {  	s9 =	sor.u32 $0xD0000000, s2;
	s6 =	simm.s32 $0x108;
	_ =	swait.ge @!p0 [sflag:s8], $0x0  }
0x24: {  	s3 =	sadd.s32 $0x88, s3;
	s6 =	simm.s32 @!p1 $0x1082;
	[sflag:s4] =	ssyncset.s32 $0xFFFFF086  }
0x25: {  	[simem:s6], [sflag:s4] =	dma.local [hbm:s3], $0xF7A  }
0x26: {  	[smem:$0x3F85] =	sst s1;
	(tag) =	ssettag s2;
	_ =	strace s9  }
0x27: {  	s1 =	sld [smem:$0x3F95]  }
0x28: {  	s2 =	sld [smem:$0x3F96]  }
0x29: {  	s4 =	sld [smem:$0x3F98]  }
0x2a: {  	p0 =	seq.s32 s5, $0x0;
	s5 =	sld [smem:$0x3F99]  }
0x2b: {  	s6 =	sld [smem:$0x3F9A]  }
0x2c: {  	s7 =	sld [smem:$0x3F9B]  }
0x2d: {  	s3 =	simm.s32 $0x108;
	s8 =	sld [smem:$0x3F9C]  }
0x2e: {  	s3 =	simm.s32 @!p0 $0x1082;
	s9 =	sld [smem:$0x3F9D]  }
0x2f: {  	lr =	sadd.s32 s0, s3;
	s0 =	sld [smem:$0x3F94]  }
0x30: {  	s3 =	sld [smem:$0x3F97]  }
0x31: {  	[smem:$0x3FA0] =	sst s10  }
0x32: {  	s10 =	sld [smem:$0x3F9E];
	_ =	sdelay $0x3  }
0x33: {  	p0 =	seq.s32 s10, $0x1;
	s10 =	sld [smem:$0x3FA0];
	_ =	sdelay $0x3  }
0x34: {  	[smem:$0x3FA0] =	sst s10  }
0x35: {  	s10 =	sld [smem:$0x3F9F];
	_ =	sdelay $0x3  }
0x36: {  	p1 =	seq.s32 s10, $0x1;
	s10 =	sld [smem:$0x3FA0];
	_ =	sdelay $0x3  }
0x37: {  	[smem:$0x3FA0] =	sst s10  }
0x38: {  	s10 =	sld [smem:$0x3FA1]  }
0x39: {  	_ = 	snop;
	(pc) =	sbr.ind lr, $3  }
0x3a: {  	_ = 	snop  }
0x3b: {  	_ = 	snop  }
0x3c: {  	p2 =	seq.s32 s10, $0x1;
	s10 =	sld [smem:$0x3FA0]  }
0x3d: {  	_ =	shalt  }
0x3e: {  	_ =	shalt  }
0x3f: {  	_ =	shalt  }
0x40: {  	_ =	shalt  }
0x41: {  	_ =	shalt  }
0x42: {  	_ =	shalt  }
0x43: {  	_ =	shalt  }
0x44: {  	_ =	shalt  }
0x45: {  	_ =	shalt  }
0x46: {  	_ =	shalt  }
0x47: {  	_ =	shalt  }
0x48: {  	_ =	shalt  }
0x49: {  	_ =	shalt  }
0x4a: {  	_ =	shalt  }
0x4b: {  	_ =	shalt  }
0x4c: {  	_ =	shalt  }
0x4d: {  	_ =	shalt  }
0x4e: {  	_ =	shalt  }
0x4f: {  	_ =	shalt  }
0x50: {  	_ =	shalt  }
0x51: {  	_ =	shalt  }
0x52: {  	_ =	shalt  }
0x53: {  	_ =	shalt  }
0x54: {  	_ =	shalt  }
0x55: {  	_ =	shalt  }
0x56: {  	_ =	shalt  }
0x57: {  	_ =	shalt  }
0x58: {  	_ =	shalt  }
0x59: {  	_ =	shalt  }
0x5a: {  	_ =	shalt  }
0x5b: {  	_ =	shalt  }
0x5c: {  	_ =	shalt  }
0x5d: {  	_ =	shalt  }
0x5e: {  	_ =	shalt  }
0x5f: {  	_ =	shalt  }
0x60: {  	_ =	shalt  }
0x61: {  	_ =	shalt  }
0x62: {  	_ =	shalt  }
0x63: {  	_ =	shalt  }
0x64: {  	_ =	shalt  }
0x65: {  	_ =	shalt  }
0x66: {  	_ =	shalt  }
0x67: {  	_ =	shalt  }
0x68: {  	_ =	shalt  }
0x69: {  	_ =	shalt  }
0x6a: {  	_ =	shalt  }
0x6b: {  	_ =	shalt  }
0x6c: {  	_ =	shalt  }
0x6d: {  	_ =	shalt  }
0x6e: {  	_ =	shalt  }
0x6f: {  	_ =	shalt  }
0x70: {  	_ =	shalt  }
0x71: {  	_ =	shalt  }
0x72: {  	_ =	shalt  }
0x73: {  	_ =	shalt  }
0x74: {  	_ =	shalt  }
0x75: {  	_ =	shalt  }
0x76: {  	_ =	shalt  }
0x77: {  	_ =	shalt  }
0x78: {  	_ =	shalt  }
0x79: {  	_ =	shalt  }
0x7a: {  	_ =	shalt  }
0x7b: {  	_ =	shalt  }
0x7c: {  	_ =	shalt  }
0x7d: {  	_ =	shalt  }
0x7e: {  	_ =	shalt  }
0x7f: {  	_ =	shalt  }
0x80: {  	_ =	shalt  }
0x81: {  	_ =	shalt  }
0x82: {  	_ =	shalt  }
0x83: {  	_ =	shalt  }
0x84: {  	_ =	shalt  }
0x85: {  	_ =	shalt  }
0x86: {  	_ =	shalt  }
0x87: {  	_ =	shalt  }
.Lfunc_end0:
.L_simem_size_0:
called_computation.5_lowered:
.L_overlay_start_0:
0x88: {  	s2 =	sld [smem:$0x3FD9]  }
0x89: {  	s3 =	sld [smem:$0x3FFE];
	_ =	sdelay $0x1  }
0x8a: {  	s1 =	srdreg.scid  }
0x8b: {  	s0 =	sand.u32 $0x1, s1  }
0x8c: {  	s17 =	sshll.u32 s0, $0xA;
	s2 =	sadd.s32 s3, s2  }
0x8d: {  	s2 =	sadd.s32 s2, s17  }
0x8e: {  	[smem:$0x3FAC] =	sst s2  }
0x8f: {  	_ = 	snop  }
0x90: {  	s18 =	sld [smem:$0x3FD0];
	(tm) =	ssettm $0x1  }
0x91: {  	s19 =	sld [smem:$0x3FFB];
	_ =	sdelay $0x3  }
0x92: {  	_ =	strace s19  }
0x93: {  	s2 =	sld [smem:$0x3FFC];
	_ =	sdelay $0x3  }
0x94: {  	_ =	strace s2  }
0x95: {  	s2 =	sld [smem:$0x3FFD];
	_ =	sdelay $0x3  }
0x96: {  	_ =	strace s2  }
0x97: {  	_ =	strace $0x8FFFFFFF  }
0x98: {  	s20 =	sld [smem:$0x3FDB];
	_ =	sdelay $0x1  }
0x99: {  	s4 =	simm.s32 $_scs_section_size  }
0x9a: {  	s5 =	simm.s32 $_size__tile_overlayer_lowered;
	s6 =	simm.s32 $_tile_overlayer_lowered  }
0x9b: {  	s7 =	simm.s32 $0x1BFF;
	s21 =	sshll.u32 s6, $0x1;
	s4 =	sadd.s32 s4, s20  }
0x9c: {  	s22 =	simm.s32 $0x0;
	s5 =	sshll.u32 s5, $0x1;
	s6 =	sadd.s32 s21, s4  }
0x9d: {  	[timem:s22], [sflag:s7] =	dma.local [hbm:s6], s5  }
0x9e: {  	_ =	swait.ge [sflag:s7], s5  }
0x9f: {  	s5 =	ssub.s32 $0x0, s5;
	[sflag:s7] =	ssyncset.done $0x0  }
0xa0: {  	[sflag:s7] =	ssyncadd.s32 s5;
	_ =	sdelay $0x1  }
0xa1: {  	s23 =	simm.s32 $0x1B8B  }
0xa2: {  	_ =	swait.ge [sflag:s23], $0x1  }
0xa3: {  	[sflag:s23] =	ssyncset.done $0x0  }
0xa4: {  	[sflag:s23] =	ssyncadd.s32 $0xFFFFFFFF  }
0xa5: {  	s5 =	sld [smem:$0x0]  }
0xa6: {  	s6 =	sand.u32 $0xFFFFFFFE, s1  }
0xa7: {  	p0 =	sne.s32 s1, s6  }
0xa8: {  	s6 =	sshll.u32 @p0 s6, $0xE  }
0xa9: {  	s6 =	sadd.s32 @p0 $0x11B8D, s6;
	s7 =	sshll.u32 @p0 s5, $0x11  }
0xaa: {  	s6 =	sor.u32 @p0 s7, s6  }
0xab: {  	[sflag:s6] =	ssyncadd.remote.s32 @p0 $0x1;
	_ =	sdelay $0x1  }
0xac: {  	s6 =	simm.s32 @p0 $0x1B8D  }
0xad: {  	_ =	swait.eq @p0 [sflag:s6], $0x1  }
0xae: {  	[sflag:s6] =	ssyncadd.s32 @p0 $0xFFFFFFFF  }
0xaf: {  	s7 =	sshll.u32 @!p0 s1, $0xE  }
0xb0: {  	s7 =	sor.u32 @!p0 $0x4000, s7;
	s6 =	simm.s32 @!p0 $0x1B8D  }
0xb1: {  	s5 =	sshll.u32 @!p0 s5, $0x11;
	s7 =	sadd.s32 @!p0 $0x11B8D, s7;
	_ =	swait.eq @!p0 [sflag:s6], $0x1  }
0xb2: {  	s5 =	sor.u32 @!p0 s5, s7;
	[sflag:s6] =	ssyncadd.s32 @!p0 $0xFFFFFFFF  }
0xb3: {  	s25 =	simm.s32 $0x1B8E;
	s24 =	sld [smem:$0x3FFE];
	[sflag:s5] =	ssyncadd.remote.s32 @!p0 $0x1  }
0xb4: {  	s26 =	simm.s32 $execute0_lowered;
	[smem:$0x3FD2] =	sst s25  }
0xb5: {  	s6 =	sshll.u32 s26, $0x1;
	_ =	strace $0x80000055;
	[dreg:$0x1] =	wrdreg $0xFFFFFFFF  }
0xb6: {  	s28 =	simm.s32 $_size_execute0_lowered;
	s4 =	sadd.s32 s4, s6;
	[dreg:$0x0] =	wrdreg $0x0  }
0xb7: {  	s6 =	sshll.u32 s28, $0x1;
	[dreg:$0x2] =	wrdreg s4  }
0xb8: {  	[dreg:$0x3] =	wrdreg s6  }
0xb9: {  	[dreg:$0x4] =	wrdreg $0xC0  }
0xba: {  	_ =	task [dreg:s22], $0x5FFFF  }
0xbb: {  	[dreg:$0x1] =	wrdreg $0xFFFFFFFF  }
0xbc: {  	[dreg:$0x0] =	wrdreg $0x60  }
0xbd: {  	[dreg:$0x2] =	wrdreg s24  }
0xbe: {  	[dreg:$0x3] =	wrdreg s18  }
0xbf: {  	[dreg:$0x4] =	wrdreg $0x0  }
0xc0: {  	[dreg:$0x5] =	wrdreg $0xB  }
0xc1: {  	_ =	task.clear_ibuf [dreg:s22], $0x6FFFF;
	_ =	strace $0x90000055  }
0xc2: {  	s29 =	simm.s32 $0xB;
	_ =	strace $0x80000057  }
0xc3: {  	_ =	swait.ge [sflag:s29], $0x1  }
0xc4: {  	[sflag:s29] =	ssyncadd.s32 $0xFFFFFFFF  }
0xc5: {  	_ =	strace $0x90000057  }
0xc6: {  	_ =	sfence  }
0xc7: {  	s30 =	sld [smem:$0x0];
	_ =	sdelay $0x2  }
0xc8: {  	s31 =	sshll.u32 s1, $0xD;
	s1 =	sshrl.u32 s1, $0x2  }
0xc9: {  	s4 =	sand.u32 $0x4000, s31;
	s1 =	sadd.s32 s1, s30  }
0xca: {  	s0 =	sor.u32 s4, s0;
	s1 =	sshll.u32 s1, $0x11  }
0xcb: {  	s0 =	sor.u32 s1, s0  }
0xcc: {  	s0 =	sadd.s32 $0x8F2B, s0  }
0xcd: {  	[sflag:s0] =	ssyncadd.remote.s32 $0x1  }
0xce: {  	_ =	sfence.sel $0xFFFF  }
0xcf: {  	[dreg:$0x0] =	wrdreg $0xFFFFFFFF;
	(pc) =	sbr.abs _section_cstart, $3  }
0xd0: {  	[dreg:$0x1] =	wrdreg $0xFFFFFFFF  }
0xd1: {  	_ =	task.clear_ibuf [dreg:s22], $0x2FFFF;
	_ =	strace $0x9FFFFFFF  }
0xd2: {  	(tm) =	ssettm $0x7FFFFFFF  }
0xd3: {  	_ =	shalt  }
tec
execute0_lowered:
.L_overlay_start_1:
0x0: {  	(tag) =	ssettag $0x1  }
0x1: {  	s5 =	rddreg [dreg:$0x0]  }
0x2: {  	s9 =	rddreg [dreg:$0x1]  }
0x3: {  	s0 =	srdreg.scid;
	s2 =	rddreg [dreg:$0x2]  }
0x4: {  	s1 =	rddreg [dreg:$0x3];
	s6 =	sand.u32 $0x1, s0  }
0x5: {  	s0 =	stileid.u32;
	s4 =	smul.u32 $0x27100, s6  }
0x6: {  	s3 =	simm.s32 $0x0;
	s15 =	simm.s32 $0x50;
	s7 =	smul.u32 $0x2710, s0  }
0x7: {  	s16 =	simm.s32 $0x14100;
	s17 =	simm.s32 $0x1;
	s8 =	smul.u32 $0x14000, s0  }
0x8: {  	s18 =	simm.s32 $0x0;
	[smem:$0x7FF] =	sst s3;
	s10 =	smul.u32 $0x140000, s6  }
0x9: {  	_ =	strace $0x80000056;
	s6 =	ssub.s32 $0x2, s6;
	s28 =	smul.u32 $0x50000, s0  }
0xa: {  	s31 =	sshll.u32 s0, $0x6;
	s29 =	sshrl.u32 s6, $0x1;
	s7 =	sadd.s32 s7, s4  }
0xb: {  	s4 =	sadd.s32 $0x128600, s5;
	s26 =	sshrl.u32 s8, $0x3;
	s8 =	sadd.s32 s8, s10  }
0xc: {  	s13 =	ssub.s32 s6, s29;
	s30 =	sshrl.u32 s28, $0x2;
	s6 =	sor.u32 $0x1C02, s31  }
0xd: {  	s11 =	sshrl.u32 s7, $0x3;
	s8 =	sshrl.u32 s8, $0x3;
	s7 =	sadd.s32 s26, s5  }
0xe: {  	s14 =	sadd.s32 s30, s2;
	s12 =	sadd.s32 s11, s5;
	s8 =	sadd.s32 s8, s5  }
0xf: {  	s5 =	sadd.s32 $0x37A00, s7;
	s9 =	sadd.s32 s11, s9;
	s11 =	sshrl.u32 s14, $0x3  }
0x10: {  	s14 =	simm.s32 $0x14080;
	s7 =	sadd.s32 $0x218600, s8;
	s8 =	smax.u32 s13, $0x1  }
0x11: {  	s10 =	sadd.s32 $0x5C00, s12;
	s12 =	simm.s32 $0x2;
	s13 =	simm.s32 $0x14000  }
.LBB2_1:
0x12: {  	[spmem:s11], [sflag:s6] =	dma.local [hbm:s5], $0x2800  }
0x13: {  	_ =	swait.ge [sflag:s12], $0x2800  }
0x14: {  	[sflag:s12] =	ssyncset.done $0x0  }
0x15: {  	[sflag:s12] =	ssyncadd.s32 $0xFFFFD800  }
0x16: {  	s19 =	sadd.s32 $0x0, s10;
	[bflag:$0x0] =	sbarrier.arrive $0xFFFF  }
0x17: {  	[tilespmem:s13], [sflag:$0x2] =	stream.linear.gather [hbm4b:s19+s3], $0x50, $0x38;
	[tilespmem:$0x16900] =	vst v63  }
0x18: {  	_ =	swait.ge [sflag:s12], $0x50  }
0x19: {  	[sflag:s12] =	ssyncset.done $0x0  }
0x1a: {  	s31 =	sadd.s32 $0x0, s9;
	[sflag:s12] =	ssyncadd.s32 $0xFFFFFFB0  }
0x1b: {  	[tilespmem:s14], [sflag:$0x2] =	stream.linear.gather [hbm4b:s31+s3], $0x50, $0x38;
	[tilespmem:$0x16900] =	vst v63  }
0x1c: {  	_ =	swait.ge [sflag:s12], $0x50  }
0x1d: {  	[sflag:s12] =	ssyncset.done $0x0  }
0x1e: {  	[sflag:s12] =	ssyncadd.s32 $0xFFFFFFB0  }
0x1f: {  	[tilespmem:s16], [sflag:$0x1] =	stream.indirect.gather [hbm4b:s4+s15], $0x80, s13, s15, $0xb8;
	[tilespmem:$0x16900] =	vst v63  }
0x20: {  	_ =	swait.ge [sflag:s17], $0x2800  }
0x21: {  	[sflag:s17] =	ssyncset.done $0x0  }
0x22: {  	[sflag:s17] =	ssyncadd.s32 $0xFFFFD800  }
0x23: {  	[spmem:s2] =	stream.indirect.scatter.add.f32 [tilespmem:s16], [sflag:$0x2], $0x80, s14, s15, $0xb8;
	[tilespmem:$0x16900] =	vst v63  }
0x24: {  	_ =	swait.ge [sflag:s12], $0x2800  }
0x25: {  	s20 =	simm.s32 $0x14;
	s19 =	simm.s32 $0xA;
	[sflag:s12] =	ssyncset.done $0x0  }
.LBB2_2:
0x26: {  	s21 =	sadd.s32 s19, s10  }
0x27: {  	[sflag:s12] =	ssyncadd.s32 $0xFFFFD800;
	s22 =	smov.u32 s20;
	s23 =	sadd.s32 $0xA, s20  }
0x28: {  	[tilespmem:s13], [sflag:$0x2] =	stream.linear.gather [hbm4b:s21+s3], $0x50, $0x38;
	[tilespmem:$0x16900] =	vst v63  }
0x29: {  	p0 =	sne.s32 s20, $0x4D8;
	_ =	swait.ge [sflag:s12], $0x50  }
0x2a: {  	[sflag:s12] =	ssyncset.done $0x0  }
0x2b: {  	s20 =	sadd.s32 s19, s9;
	s19 =	smov.u32 s22;
	[sflag:s12] =	ssyncadd.s32 $0xFFFFFFB0  }
0x2c: {  	[tilespmem:s14], [sflag:$0x2] =	stream.linear.gather [hbm4b:s20+s3], $0x50, $0x38;
	[tilespmem:$0x16900] =	vst v63  }
0x2d: {  	_ =	swait.ge [sflag:s12], $0x50  }
0x2e: {  	[sflag:s12] =	ssyncset.done $0x0  }
0x2f: {  	[sflag:s12] =	ssyncadd.s32 $0xFFFFFFB0  }
0x30: {  	[tilespmem:s16], [sflag:$0x1] =	stream.indirect.gather [hbm4b:s4+s15], $0x80, s13, s15, $0xb8;
	[tilespmem:$0x16900] =	vst v63  }
0x31: {  	_ =	swait.ge [sflag:s17], $0x2800  }
.Ltmp0:
0x32: {  	[sflag:s17] =	ssyncset.done $0x0;
	(pc) =	sbr.rel @p0 .LBB2_2-.Ltmp0, $4  }
0x33: {  	[sflag:s17] =	ssyncadd.s32 $0xFFFFD800  }
0x34: {  	[spmem:s2] =	stream.indirect.scatter.add.f32 [tilespmem:s16], [sflag:$0x2], $0x80, s14, s15, $0xb8;
	[tilespmem:$0x16900] =	vst v63  }
0x35: {  	_ =	swait.ge [sflag:s12], $0x2800  }
0x36: {  	s20 =	smov.u32 s23;
	[sflag:s12] =	ssyncset.done $0x0  }
0x37: {  	s20 =	sadd.s32 s19, s10;
	[sflag:s12] =	ssyncadd.s32 $0xFFFFD800  }
0x38: {  	[tilespmem:s13], [sflag:$0x2] =	stream.linear.gather [hbm4b:s20+s3], $0x50, $0x38;
	[tilespmem:$0x16900] =	vst v63  }
0x39: {  	_ =	swait.ge [sflag:s12], $0x50  }
0x3a: {  	[sflag:s12] =	ssyncset.done $0x0  }
0x3b: {  	s31 =	sadd.s32 s19, s9;
	[sflag:s12] =	ssyncadd.s32 $0xFFFFFFB0  }
0x3c: {  	[tilespmem:s14], [sflag:$0x2] =	stream.linear.gather [hbm4b:s31+s3], $0x50, $0x38;
	[tilespmem:$0x16900] =	vst v63  }
0x3d: {  	_ =	swait.ge [sflag:s12], $0x50  }
0x3e: {  	[sflag:s12] =	ssyncset.done $0x0  }
0x3f: {  	[sflag:s12] =	ssyncadd.s32 $0xFFFFFFB0  }
0x40: {  	[tilespmem:s16], [sflag:$0x1] =	stream.indirect.gather [hbm4b:s4+s15], $0x80, s13, s15, $0xb8;
	[tilespmem:$0x16900] =	vst v63  }
0x41: {  	_ =	swait.ge [sflag:s17], $0x2800  }
0x42: {  	[sflag:s17] =	ssyncset.done $0x0  }
0x43: {  	[sflag:s17] =	ssyncadd.s32 $0xFFFFD800  }
0x44: {  	[spmem:s2] =	stream.indirect.scatter.add.f32 [tilespmem:s16], [sflag:$0x2], $0x80, s14, s15, $0xb8;
	[tilespmem:$0x16900] =	vst v63  }
0x45: {  	_ =	swait.ge [sflag:s12], $0x2800  }
0x46: {  	s18 =	sadd.s32 $0x1, s18;
	[sflag:s12] =	ssyncset.done $0x0  }
0x47: {  	p0 =	sne.s32 s18, s8;
	[sflag:s12] =	ssyncadd.s32 $0xFFFFD800  }
.Ltmp1:
0x48: {  	[bflag:$0x0] =	sbarrier.arrive $0xFFFF;
	(pc) =	sbr.rel @p0 .LBB2_1-.Ltmp1, $4  }
0x49: {  	[hbm:s7], [sflag:s6] =	dma.local [spmem:s11], $0x2800  }
0x4a: {  	_ =	swait.ge [sflag:s12], $0x2800  }
0x4b: {  	[sflag:s12] =	ssyncset.done $0x0  }
0x4c: {  	[sflag:s12] =	ssyncadd.s32 $0xFFFFD800  }
0x4d: {  	_ =	sfence.sel $0x180000  }
0x4e: {  	[bflag:$0x0] =	sbarrier.arrive $0xFFFF  }
0x4f: {  	p0 =	sne.s32 s0, $0x0;
	_ =	strace $0x90000056  }
0x50: {  	s0 =	sadd.s32 @!p0 $0x100000, s1;
	[bflag:$0x2] =	sbarrier.arrive $0xFFFF  }
0x51: {  	[sflag:s0] =	ssyncadd.tile.s32 @!p0 $0x1;
	_ =	shalt  }
.Lfunc_end2:
_tile_overlayer_lowered:
.L_overlay_start_2:
0x52: {  	(tag) =	ssettag $0x2  }
0x53: {  	s0 =	rddreg [dreg:$0x0];
	s2 =	stileid.u32  }
0x54: {  	s1 =	rddreg [dreg:$0x1];
	p0 =	sne.s32 s2, $0x0  }
0x55: {  	s3 =	rddreg [dreg:$0x2];
	[bflag:$0x3] =	sbarrier.arrive $0xFFFF;
	s2 =	simm.s32 @!p0 $0x1C02  }
0x56: {  	[timem:s3], [sflag:s2] =	dma.local @!p0 [hbm:s0], s1  }
0x57: {  	s0 =	simm.s32 @!p0 $0x2  }
0x58: {  	_ =	swait.ge @!p0 [sflag:s0], s1  }
0x59: {  	s1 =	ssub.s32 @!p0 $0x0, s1;
	[sflag:s0] =	ssyncset.done @!p0 $0x0  }
0x5a: {  	[sflag:s0] =	ssyncadd.s32 @!p0 s1  }
0x5b: {  	[bflag:$0x3] =	sbarrier.arrive $0xFFFF  }
0x5c: {  	_ =	shalt  }

</sc_bundles>
